<compile_context>
chip_gen: v7x
topology: tpu7x:2x2x1
jax: 0.10.2.dev20260603
libtpu: 0.0.44.dev20260713+nightly
codegen_flags: <defaults>
</compile_context>

<pallas_src>
import functools

import jax
import jax.numpy as jnp
from jax import lax
from jax.experimental import pallas as pl
from jax.experimental.pallas import tpu as pltpu
from jax.experimental.pallas import tpu_sc as plsc

B = 8
B_SC = 4
B_TC = B - B_SC
NC = 2
NS = 16
B_PER_CORE = B_SC // NC
TILES_PER_B = NS // B_PER_CORE
LANES = 16
ROWS = 512
COLS = 512
ROWS_PER_TILE = ROWS // TILES_PER_B
CR = 16
CHUNK = CR * COLS
NCHUNK = ROWS_PER_TILE // CR
UNROLL = 4
VPC = CHUNK // (LANES * UNROLL)

TC_BR = 128
TC_NRB = ROWS // TC_BR

_mesh = plsc.VectorSubcoreMesh(core_axis_name="c", subcore_axis_name="s")


@functools.partial(
    pl.kernel,
    mesh=_mesh,
    out_type=(
        jax.ShapeDtypeStruct((NW := NC * NS, 8, LANES), jnp.float32),
        jax.ShapeDtypeStruct((NC, LANES), jnp.float32),
    ),
    compiler_params=pltpu.CompilerParams(
        needs_layout_passes=False, use_tc_tiling_on_sc=True),
    scratch_types=[
        pltpu.VMEM((2, CR, COLS), jnp.float32),
        pltpu.VMEM((2, CR, COLS), jnp.float32),
        pltpu.VMEM((2, CR, COLS), jnp.int32),
        pltpu.VMEM((8, LANES), jnp.float32),
        pltpu.VMEM((NS, 8, LANES), jnp.float32),
        pltpu.VMEM((LANES,), jnp.float32),
        pltpu.SemaphoreType.DMA,
        pltpu.SemaphoreType.DMA,
    ],
)
def _masked_loss_sc(out_hbm, tgt_hbm, msk_hbm, part_hbm, loss_hbm, obuf, tbuf,
                    mbuf, pvec, pbuf, lbuf, sem0, sem1):
    c = lax.axis_index("c")
    s = lax.axis_index("s")
    b = c * B_PER_CORE + s // TILES_PER_B
    r_base = (s % TILES_PER_B) * ROWS_PER_TILE
    row = c * NS + s
    zero = jnp.zeros((LANES,), jnp.float32)
    one = jnp.ones((LANES,), jnp.float32)
    sems = (sem0, sem1)
    nbuf = 2
    lanes0 = lax.iota(jnp.int32, LANES)
    ohs = [jnp.where(lanes0 == i, one, zero) for i in range(1, 5)]
    dn0 = lax.GatherDimensionNumbers(
        offset_dims=(), collapsed_slice_dims=(0,), start_index_map=(0,))

    def onehot(tbl, mm):
        return lax.gather(tbl, mm, dn0, slice_sizes=(1,),
                          mode=lax.GatherScatterMode.PROMISE_IN_BOUNDS)

    def start_fetch(ci):
        p = ci % nbuf
        sl = pl.ds(r_base + ci * CR, CR)
        return [
            pltpu.async_copy(out_hbm.at[b, sl, :], obuf.at[p], sems[p]),
            pltpu.async_copy(tgt_hbm.at[b, sl, :], tbuf.at[p], sems[p]),
            pltpu.async_copy(msk_hbm.at[b, sl, :], mbuf.at[p], sems[p]),
        ]

    inflight = start_fetch(0)
    acc = (zero,) * 8
    for ci in range(NCHUNK):
        p = ci % nbuf
        for cp in inflight:
            cp.wait()
        if ci + 1 < NCHUNK:
            inflight = start_fetch(ci + 1)

        def vec_body(j, carry, p=p):
            a1, a2, a3, a4, c1, c2, c3, c4 = carry
            ipr = COLS // (LANES * UNROLL)
            i = j // ipr
            c0 = (j % ipr) * (LANES * UNROLL)
            for k in range(UNROLL):
                sl = pl.ds(c0 + k * LANES, LANES)
                o = obuf[p, i, sl]
                t = tbuf[p, i, sl]
                m = mbuf[p, i, sl]
                d = o - t
                d2 = d * d
                mm = jnp.reshape(m, (LANES, 1))
                f1 = onehot(ohs[0], mm)
                f2 = onehot(ohs[1], mm)
                f3 = onehot(ohs[2], mm)
                f4 = onehot(ohs[3], mm)
                a1 = a1 + d2 * f1
                a2 = a2 + d2 * f2
                a3 = a3 + d2 * f3
                a4 = a4 + d2 * f4
                c1 = c1 + f1
                c2 = c2 + f2
                c3 = c3 + f3
                c4 = c4 + f4
            return (a1, a2, a3, a4, c1, c2, c3, c4)

        acc = lax.fori_loop(0, VPC, vec_body, acc)

    for k in range(8):
        pvec[k, :] = acc[k]
    pltpu.sync_copy(pvec, part_hbm.at[row])
    plsc.subcore_barrier()

    @pl.when(s == 0)
    def _():
        pltpu.sync_copy(part_hbm.at[pl.ds(c * NS, NS)], pbuf)
        lanes = lax.iota(jnp.int32, LANES)
        perms = [jnp.reshape(jnp.bitwise_xor(lanes, d), (LANES, 1))
                 for d in (1, 2, 4, 8)]

        def lane_sum(v):
            for pm in perms:
                v = v + lax.gather(v, pm, dn0, slice_sizes=(1,),
                                   mode=lax.GatherScatterMode.PROMISE_IN_BOUNDS)
            return v

        lossv = zero
        for bb in range(B_PER_CORE):
            t0 = TILES_PER_B * bb
            for i in range(4):
                v = zero
                cc = zero
                for tt in range(TILES_PER_B):
                    v = v + pbuf[t0 + tt, i, :]
                    cc = cc + pbuf[t0 + tt, i + 4, :]
                sv = lane_sum(v)
                cv = lane_sum(cc)
                contrib = jnp.where(cv > 0.0, sv / jnp.maximum(cv, 1.0), zero)
                lossv = lossv + contrib
        lbuf[...] = lossv * jnp.float32(1.0 / B)
        pltpu.sync_copy(lbuf, loss_hbm.at[c])


def _tc_body(o_ref, t_ref, m_ref, loss_ref, sums_ref):
    r = pl.program_id(1)
    bt = pl.program_id(0)
    d = o_ref[0] - t_ref[0]
    d2 = d * d
    m = m_ref[0]
    lane = lax.broadcasted_iota(jnp.int32, (8, 128), 1)
    rowi = lax.broadcasted_iota(jnp.int32, (8, 128), 0)
    vec = jnp.zeros((8, 128), jnp.float32)
    for i in range(1, 5):
        sel = m == i
        s_i = jnp.sum(jnp.where(sel, d2, 0.0))
        c_i = jnp.sum(jnp.where(sel, 1.0, 0.0))
        vec = vec + jnp.where(lane == i, s_i, 0.0)
        vec = vec + jnp.where(lane == i + 8, c_i, 0.0)
    vec = jnp.where(rowi == bt, vec, 0.0)

    first = jnp.logical_and(bt == 0, r == 0)

    @pl.when(first)
    def _():
        sums_ref[...] = vec

    @pl.when(jnp.logical_not(first))
    def _():
        sums_ref[...] = sums_ref[...] + vec

    @pl.when(jnp.logical_and(bt == B_TC - 1, r == TC_NRB - 1))
    def _():
        tot = sums_ref[...]
        contrib = jnp.float32(0.0)
        for bb in range(B_TC):
            for i in range(1, 5):
                s_i = tot[bb, i]
                c_i = tot[bb, i + 8]
                contrib = contrib + jnp.where(
                    c_i > 0.0, s_i / jnp.maximum(c_i, 1.0), 0.0)
        lane1 = lax.broadcasted_iota(jnp.int32, (1, 128), 1)
        loss_ref[...] = jnp.where(
            lane1 == 0, contrib * jnp.float32(1.0 / B), 0.0)


_tc_loss = pl.pallas_call(
    _tc_body,
    grid=(B_TC, TC_NRB),
    in_specs=[
        pl.BlockSpec((1, TC_BR, COLS), lambda bt, r: (B_SC + bt, r, 0)),
        pl.BlockSpec((1, TC_BR, COLS), lambda bt, r: (B_SC + bt, r, 0)),
        pl.BlockSpec((1, TC_BR, COLS), lambda bt, r: (B_SC + bt, r, 0)),
    ],
    out_specs=pl.BlockSpec((1, 128), lambda bt, r: (0, 0)),
    out_shape=jax.ShapeDtypeStruct((1, 128), jnp.float32),
    scratch_shapes=[pltpu.VMEM((8, 128), jnp.float32)],
)


def kernel(output, target, mask):
    _, sc_loss = _masked_loss_sc(output, target, mask)
    tc_loss = _tc_loss(output, target, mask)
    return sc_loss[0, 0] + sc_loss[1, 0] + tc_loss[0, 0]

# --- scband reference (transcript-rebuilt; emitter-appended) ---
"""Pipeline reference for scband-masked-loss-10333691314327 (READ-ONLY COPY).

The authoritative reference and input builder live on the scoring server;
editing this copy changes nothing except your own understanding.
"""

import jax, jax.numpy as jnp
import numpy as np

NUM_LABELS = 5  # mask values in [0, 5); nonzero labels 1..4


def setup_inputs(seed: int = 0) -> dict:
    key = jax.random.key(seed)
    k1, k2, k3 = jax.random.split(key, 3)
    output = jax.random.normal(k1, (8, 512, 512), dtype=jnp.float32)
    target = jax.random.normal(k2, (8, 512, 512), dtype=jnp.float32)
    mask = jax.random.randint(k3, (8, 512, 512), 0, NUM_LABELS, dtype=jnp.int32)
    return {"output": output, "target": target, "mask": mask}


def reference(output, target, mask):
    # MaskedLoss with mode_image_masked=False and loss=F.mse_loss (mean reduction).
    # For each batch element, for each nonzero label present in its mask,
    # accumulate MSE over the masked-selected elements; finally divide by batch size.
    B = output.shape[0]
    loss = jnp.asarray(0.0, dtype=jnp.float32)
    for b in range(B):
        diff2 = (output[b] - target[b]) ** 2
        for i in range(1, NUM_LABELS):
            idx = mask[b] == i
            cnt = jnp.sum(idx)
            s = jnp.sum(jnp.where(idx, diff2, 0.0))
            # torch.unique loop only visits labels actually present; emulate by
            # zeroing the contribution when the label is absent.
            contrib = jnp.where(cnt > 0, s / jnp.maximum(cnt, 1).astype(jnp.float32), 0.0)
            loss = loss + contrib
    return loss / B

if __name__ == "__main__":
    import jax
    _d = setup_inputs()
    print(jax.jit(kernel)(*tuple(_d.values())))

</pallas_src>

<mosaic_0001>
#map = affine_map<(d0, d1) -> (0, 0, 0)>
#map1 = affine_map<(d0, d1) -> (0, 0)>
module attributes {stable_mosaic.version = 14 : i64} {
  func.func @_masked_loss_sc(%arg0: i32, %arg1: i32, %arg2: memref<8x512x512xf32, #tpu.memory_space<hbm>>, %arg3: memref<8x512x512xf32, #tpu.memory_space<hbm>>, %arg4: memref<8x512x512xi32, #tpu.memory_space<hbm>>, %arg5: memref<32x8x16xf32, #tpu.memory_space<hbm>>, %arg6: memref<2x16xf32, #tpu.memory_space<hbm>>, %arg7: memref<2x16x512xf32, #tpu.memory_space<vmem>>, %arg8: memref<2x16x512xf32, #tpu.memory_space<vmem>>, %arg9: memref<2x16x512xi32, #tpu.memory_space<vmem>>, %arg10: memref<8x16xf32, #tpu.memory_space<vmem>>, %arg11: memref<16x8x16xf32, #tpu.memory_space<vmem>>, %arg12: memref<16xf32, #tpu.memory_space<vmem>>, %arg13: memref<!tpu.dma_semaphore, #tpu.memory_space<semaphore_mem>>, %arg14: memref<!tpu.dma_semaphore, #tpu.memory_space<semaphore_mem>>) attributes {dimension_semantics = [#tpu.dimension_semantics<core_parallel>, #tpu.dimension_semantics<subcore_parallel>], iteration_bounds = array<i64: 2, 16>, scalar_prefetch = 0 : i64, scratch_operands = 8 : i64, tpu.core_type = #tpu.core_type<sc_vector_subcore>, window_params = [{transform_indices = #map}, {transform_indices = #map}, {transform_indices = #map}, {transform_indices = #map}, {transform_indices = #map1}]} {
    %mul3A = arith.constant 2 : i32
    %mul3A_0 = arith.muli %arg0, %mul3A : i32
    %jit3A = arith.constant 8 : i32
    %div3A = arith.divsi %arg1, %jit3A : i32
    %sign3A = arith.constant 0 : i32
    %sign3A_1 = arith.cmpi sgt, %arg1, %sign3A : i32
    %sign3A_2 = arith.extui %sign3A_1 : i1 to i32
    %sign3A_3 = arith.constant 0 : i32
    %sign3A_4 = arith.cmpi slt, %arg1, %sign3A_3 : i32
    %sign3A_5 = arith.extui %sign3A_4 : i1 to i32
    %sign3A_6 = arith.subi %sign3A_2, %sign3A_5 : i32
    %sign3A_7 = arith.constant 0 : i32
    %sign3A_8 = arith.cmpi sgt, %jit3A, %sign3A_7 : i32
    %sign3A_9 = arith.extui %sign3A_8 : i1 to i32
    %sign3A_10 = arith.constant 0 : i32
    %sign3A_11 = arith.cmpi slt, %jit3A, %sign3A_10 : i32
    %sign3A_12 = arith.extui %sign3A_11 : i1 to i32
    %sign3A_13 = arith.subi %sign3A_9, %sign3A_12 : i32
    %ne3A = arith.cmpi ne, %sign3A_6, %sign3A_13 : i32
    %rem3A = arith.remsi %arg1, %jit3A : i32
    %ne3A_14 = arith.constant 0 : i32
    %ne3A_15 = arith.cmpi ne, %rem3A, %ne3A_14 : i32
    %and3A = arith.andi %ne3A, %ne3A_15 : i1
    %sub3A = arith.constant 1 : i32
    %sub3A_16 = arith.subi %div3A, %sub3A : i32
    %select_n3A = arith.select %and3A, %sub3A_16, %div3A : i32
    %add3A = arith.addi %mul3A_0, %select_n3A : i32
    %jit3A_17 = arith.constant 8 : i32
    %eq3A = arith.constant 0 : i32
    %eq3A_18 = arith.cmpi eq, %jit3A_17, %eq3A : i32
    %jit3A_19 = arith.constant 1 : i32
    %select_n3A_20 = arith.select %eq3A_18, %jit3A_19, %jit3A_17 : i32
    %rem3A_21 = arith.remsi %arg1, %select_n3A_20 : i32
    %ne3A_22 = arith.constant 0 : i32
    %ne3A_23 = arith.cmpi ne, %rem3A_21, %ne3A_22 : i32
    %lt3A = arith.constant 0 : i32
    %lt3A_24 = arith.cmpi slt, %rem3A_21, %lt3A : i32
    %lt3A_25 = arith.constant 0 : i32
    %lt3A_26 = arith.cmpi slt, %select_n3A_20, %lt3A_25 : i32
    %ne3A_27 = arith.xori %lt3A_24, %lt3A_26 : i1
    %and3A_28 = arith.andi %ne3A_27, %ne3A_23 : i1
    %add3A_29 = arith.addi %rem3A_21, %select_n3A_20 : i32
    %select_n3A_30 = arith.select %and3A_28, %add3A_29, %rem3A_21 : i32
    %mul3A_31 = arith.constant 64 : i32
    %mul3A_32 = arith.muli %select_n3A_30, %mul3A_31 : i32
    %mul3A_33 = arith.constant 16 : i32
    %mul3A_34 = arith.muli %arg0, %mul3A_33 : i32
    %add3A_35 = arith.addi %mul3A_34, %arg1 : i32
    %broadcast_in_dim3A = arith.constant 0.000000e+00 : f32
    %broadcast_in_dim3A_36 = vector.broadcast %broadcast_in_dim3A : f32 to vector<16xf32>
    %broadcast_in_dim3A_37 = arith.constant 1.000000e+00 : f32
    %broadcast_in_dim3A_38 = vector.broadcast %broadcast_in_dim3A_37 : f32 to vector<16xf32>
    %iota3A = tpu.iota {dimensions = array<i32: 0>} : vector<16xi32>
    %eq3A_39 = arith.constant 1 : i32
    %eq3A_40 = vector.broadcast %eq3A_39 : i32 to vector<16xi32>
    %eq3A_41 = arith.cmpi eq, %iota3A, %eq3A_40 : vector<16xi32>
    %select_n3A_42 = arith.select %eq3A_41, %broadcast_in_dim3A_38, %broadcast_in_dim3A_36 : vector<16xi1>, vector<16xf32>
    %eq3A_43 = arith.constant 2 : i32
    %eq3A_44 = vector.broadcast %eq3A_43 : i32 to vector<16xi32>
    %eq3A_45 = arith.cmpi eq, %iota3A, %eq3A_44 : vector<16xi32>
    %select_n3A_46 = arith.select %eq3A_45, %broadcast_in_dim3A_38, %broadcast_in_dim3A_36 : vector<16xi1>, vector<16xf32>
    %eq3A_47 = arith.constant 3 : i32
    %eq3A_48 = vector.broadcast %eq3A_47 : i32 to vector<16xi32>
    %eq3A_49 = arith.cmpi eq, %iota3A, %eq3A_48 : vector<16xi32>
    %select_n3A_50 = arith.select %eq3A_49, %broadcast_in_dim3A_38, %broadcast_in_dim3A_36 : vector<16xi1>, vector<16xf32>
    %eq3A_51 = arith.constant 4 : i32
    %eq3A_52 = vector.broadcast %eq3A_51 : i32 to vector<16xi32>
    %eq3A_53 = arith.cmpi eq, %iota3A, %eq3A_52 : vector<16xi32>
    %select_n3A_54 = arith.select %eq3A_53, %broadcast_in_dim3A_38, %broadcast_in_dim3A_36 : vector<16xi1>, vector<16xf32>
    %add3A_55 = arith.constant 0 : i32
    %add3A_56 = arith.addi %mul3A_32, %add3A_55 : i32
    %dma_start3A = arith.constant 0 : i32
    %dma_start3A_57 = arith.constant 0 : i32
    %dma_start3A_58 = arith.constant 0 : i32
    %dma_start3A_59 = tpu.memref_slice %arg7[%dma_start3A, %dma_start3A_57, %dma_start3A_58] : memref<2x16x512xf32, #tpu.memory_space<vmem>> -> memref<1x16x512xf32, #tpu.memory_space<vmem>>
    %dma_start3A_60 = tpu.memref_squeeze %dma_start3A_59 : memref<1x16x512xf32, #tpu.memory_space<vmem>> -> memref<16x512xf32, #tpu.memory_space<vmem>>
    %dma_start3A_61 = arith.constant 0 : i32
    %dma_start3A_62 = tpu.memref_slice %arg2[%add3A, %add3A_56, %dma_start3A_61] : memref<8x512x512xf32, #tpu.memory_space<hbm>> -> memref<1x16x512xf32, #tpu.memory_space<hbm>>
    %dma_start3A_63 = tpu.memref_squeeze %dma_start3A_62 : memref<1x16x512xf32, #tpu.memory_space<hbm>> -> memref<16x512xf32, #tpu.memory_space<hbm>>
    %dma_start3A_64 = arith.constant 0 : i32
    %dma_start3A_65 = arith.constant 0 : i32
    %dma_start3A_66 = tpu.memref_slice %arg7[%dma_start3A, %dma_start3A_64, %dma_start3A_65] : memref<2x16x512xf32, #tpu.memory_space<vmem>> -> memref<1x16x512xf32, #tpu.memory_space<vmem>>
    %dma_start3A_67 = tpu.memref_squeeze %dma_start3A_66 : memref<1x16x512xf32, #tpu.memory_space<vmem>> -> memref<16x512xf32, #tpu.memory_space<vmem>>
    %dma_start3A_68 = arith.constant 0 : i32
    %dma_start3A_69 = tpu.memref_slice %arg2[%add3A, %add3A_56, %dma_start3A_68] : memref<8x512x512xf32, #tpu.memory_space<hbm>> -> memref<1x16x512xf32, #tpu.memory_space<hbm>>
    %dma_start3A_70 = tpu.memref_squeeze %dma_start3A_69 : memref<1x16x512xf32, #tpu.memory_space<hbm>> -> memref<16x512xf32, #tpu.memory_space<hbm>>
    tpu.enqueue_dma source(%dma_start3A_70 : memref<16x512xf32, #tpu.memory_space<hbm>>) target(%dma_start3A_67 : memref<16x512xf32, #tpu.memory_space<vmem>>) target_semaphore(%arg13 : memref<!tpu.dma_semaphore, #tpu.memory_space<semaphore_mem>>)
    %dma_start3A_71 = arith.constant 0 : i32
    %dma_start3A_72 = arith.constant 0 : i32
    %dma_start3A_73 = arith.constant 0 : i32
    %dma_start3A_74 = tpu.memref_slice %arg8[%dma_start3A_71, %dma_start3A_72, %dma_start3A_73] : memref<2x16x512xf32, #tpu.memory_space<vmem>> -> memref<1x16x512xf32, #tpu.memory_space<vmem>>
    %dma_start3A_75 = tpu.memref_squeeze %dma_start3A_74 : memref<1x16x512xf32, #tpu.memory_space<vmem>> -> memref<16x512xf32, #tpu.memory_space<vmem>>
    %dma_start3A_76 = arith.constant 0 : i32
    %dma_start3A_77 = tpu.memref_slice %arg3[%add3A, %add3A_56, %dma_start3A_76] : memref<8x512x512xf32, #tpu.memory_space<hbm>> -> memref<1x16x512xf32, #tpu.memory_space<hbm>>
    %dma_start3A_78 = tpu.memref_squeeze %dma_start3A_77 : memref<1x16x512xf32, #tpu.memory_space<hbm>> -> memref<16x512xf32, #tpu.memory_space<hbm>>
    %dma_start3A_79 = arith.constant 0 : i32
    %dma_start3A_80 = arith.constant 0 : i32
    %dma_start3A_81 = tpu.memref_slice %arg8[%dma_start3A_71, %dma_start3A_79, %dma_start3A_80] : memref<2x16x512xf32, #tpu.memory_space<vmem>> -> memref<1x16x512xf32, #tpu.memory_space<vmem>>
    %dma_start3A_82 = tpu.memref_squeeze %dma_start3A_81 : memref<1x16x512xf32, #tpu.memory_space<vmem>> -> memref<16x512xf32, #tpu.memory_space<vmem>>
    %dma_start3A_83 = arith.constant 0 : i32
    %dma_start3A_84 = tpu.memref_slice %arg3[%add3A, %add3A_56, %dma_start3A_83] : memref<8x512x512xf32, #tpu.memory_space<hbm>> -> memref<1x16x512xf32, #tpu.memory_space<hbm>>
    %dma_start3A_85 = tpu.memref_squeeze %dma_start3A_84 : memref<1x16x512xf32, #tpu.memory_space<hbm>> -> memref<16x512xf32, #tpu.memory_space<hbm>>
    tpu.enqueue_dma source(%dma_start3A_85 : memref<16x512xf32, #tpu.memory_space<hbm>>) target(%dma_start3A_82 : memref<16x512xf32, #tpu.memory_space<vmem>>) target_semaphore(%arg13 : memref<!tpu.dma_semaphore, #tpu.memory_space<semaphore_mem>>)
    %dma_start3A_86 = arith.constant 0 : i32
    %dma_start3A_87 = arith.constant 0 : i32
    %dma_start3A_88 = arith.constant 0 : i32
    %dma_start3A_89 = tpu.memref_slice %arg9[%dma_start3A_86, %dma_start3A_87, %dma_start3A_88] : memref<2x16x512xi32, #tpu.memory_space<vmem>> -> memref<1x16x512xi32, #tpu.memory_space<vmem>>
    %dma_start3A_90 = tpu.memref_squeeze %dma_start3A_89 : memref<1x16x512xi32, #tpu.memory_space<vmem>> -> memref<16x512xi32, #tpu.memory_space<vmem>>
    %dma_start3A_91 = arith.constant 0 : i32
    %dma_start3A_92 = tpu.memref_slice %arg4[%add3A, %add3A_56, %dma_start3A_91] : memref<8x512x512xi32, #tpu.memory_space<hbm>> -> memref<1x16x512xi32, #tpu.memory_space<hbm>>
    %dma_start3A_93 = tpu.memref_squeeze %dma_start3A_92 : memref<1x16x512xi32, #tpu.memory_space<hbm>> -> memref<16x512xi32, #tpu.memory_space<hbm>>
    %dma_start3A_94 = arith.constant 0 : i32
    %dma_start3A_95 = arith.constant 0 : i32
    %dma_start3A_96 = tpu.memref_slice %arg9[%dma_start3A_86, %dma_start3A_94, %dma_start3A_95] : memref<2x16x512xi32, #tpu.memory_space<vmem>> -> memref<1x16x512xi32, #tpu.memory_space<vmem>>
    %dma_start3A_97 = tpu.memref_squeeze %dma_start3A_96 : memref<1x16x512xi32, #tpu.memory_space<vmem>> -> memref<16x512xi32, #tpu.memory_space<vmem>>
    %dma_start3A_98 = arith.constant 0 : i32
    %dma_start3A_99 = tpu.memref_slice %arg4[%add3A, %add3A_56, %dma_start3A_98] : memref<8x512x512xi32, #tpu.memory_space<hbm>> -> memref<1x16x512xi32, #tpu.memory_space<hbm>>
    %dma_start3A_100 = tpu.memref_squeeze %dma_start3A_99 : memref<1x16x512xi32, #tpu.memory_space<hbm>> -> memref<16x512xi32, #tpu.memory_space<hbm>>
    tpu.enqueue_dma source(%dma_start3A_100 : memref<16x512xi32, #tpu.memory_space<hbm>>) target(%dma_start3A_97 : memref<16x512xi32, #tpu.memory_space<vmem>>) target_semaphore(%arg13 : memref<!tpu.dma_semaphore, #tpu.memory_space<semaphore_mem>>)
    %dma_wait3A = arith.constant 0 : i32
    %dma_wait3A_101 = arith.constant 0 : i32
    %dma_wait3A_102 = arith.constant 0 : i32
    %dma_wait3A_103 = tpu.memref_slice %arg7[%dma_wait3A, %dma_wait3A_101, %dma_wait3A_102] : memref<2x16x512xf32, #tpu.memory_space<vmem>> -> memref<1x16x512xf32, #tpu.memory_space<vmem>>
    %dma_wait3A_104 = tpu.memref_squeeze %dma_wait3A_103 : memref<1x16x512xf32, #tpu.memory_space<vmem>> -> memref<16x512xf32, #tpu.memory_space<vmem>>
    %dma_wait3A_105 = arith.constant 0 : i32
    %dma_wait3A_106 = tpu.memref_slice %arg2[%add3A, %add3A_56, %dma_wait3A_105] : memref<8x512x512xf32, #tpu.memory_space<hbm>> -> memref<1x16x512xf32, #tpu.memory_space<hbm>>
    %dma_wait3A_107 = tpu.memref_squeeze %dma_wait3A_106 : memref<1x16x512xf32, #tpu.memory_space<hbm>> -> memref<16x512xf32, #tpu.memory_space<hbm>>
    %dma_wait3A_108 = arith.constant 0 : i32
    %dma_wait3A_109 = arith.constant 0 : i32
    %dma_wait3A_110 = tpu.memref_slice %arg7[%dma_wait3A, %dma_wait3A_108, %dma_wait3A_109] : memref<2x16x512xf32, #tpu.memory_space<vmem>> -> memref<1x16x512xf32, #tpu.memory_space<vmem>>
    %dma_wait3A_111 = tpu.memref_squeeze %dma_wait3A_110 : memref<1x16x512xf32, #tpu.memory_space<vmem>> -> memref<16x512xf32, #tpu.memory_space<vmem>>
    %dma_wait3A_112 = arith.constant 0 : i32
    %dma_wait3A_113 = tpu.memref_slice %arg2[%add3A, %add3A_56, %dma_wait3A_112] : memref<8x512x512xf32, #tpu.memory_space<hbm>> -> memref<1x16x512xf32, #tpu.memory_space<hbm>>
    %dma_wait3A_114 = tpu.memref_squeeze %dma_wait3A_113 : memref<1x16x512xf32, #tpu.memory_space<hbm>> -> memref<16x512xf32, #tpu.memory_space<hbm>>
    tpu.wait_dma2 semaphore(%arg13 : memref<!tpu.dma_semaphore, #tpu.memory_space<semaphore_mem>>) src(%dma_wait3A_114 : memref<16x512xf32, #tpu.memory_space<hbm>>) dst(%dma_wait3A_111 : memref<16x512xf32, #tpu.memory_space<vmem>>)
    %dma_wait3A_115 = arith.constant 0 : i32
    %dma_wait3A_116 = arith.constant 0 : i32
    %dma_wait3A_117 = arith.constant 0 : i32
    %dma_wait3A_118 = tpu.memref_slice %arg8[%dma_wait3A_115, %dma_wait3A_116, %dma_wait3A_117] : memref<2x16x512xf32, #tpu.memory_space<vmem>> -> memref<1x16x512xf32, #tpu.memory_space<vmem>>
    %dma_wait3A_119 = tpu.memref_squeeze %dma_wait3A_118 : memref<1x16x512xf32, #tpu.memory_space<vmem>> -> memref<16x512xf32, #tpu.memory_space<vmem>>
    %dma_wait3A_120 = arith.constant 0 : i32
    %dma_wait3A_121 = tpu.memref_slice %arg3[%add3A, %add3A_56, %dma_wait3A_120] : memref<8x512x512xf32, #tpu.memory_space<hbm>> -> memref<1x16x512xf32, #tpu.memory_space<hbm>>
    %dma_wait3A_122 = tpu.memref_squeeze %dma_wait3A_121 : memref<1x16x512xf32, #tpu.memory_space<hbm>> -> memref<16x512xf32, #tpu.memory_space<hbm>>
    %dma_wait3A_123 = arith.constant 0 : i32
    %dma_wait3A_124 = arith.constant 0 : i32
    %dma_wait3A_125 = tpu.memref_slice %arg8[%dma_wait3A_115, %dma_wait3A_123, %dma_wait3A_124] : memref<2x16x512xf32, #tpu.memory_space<vmem>> -> memref<1x16x512xf32, #tpu.memory_space<vmem>>
    %dma_wait3A_126 = tpu.memref_squeeze %dma_wait3A_125 : memref<1x16x512xf32, #tpu.memory_space<vmem>> -> memref<16x512xf32, #tpu.memory_space<vmem>>
    %dma_wait3A_127 = arith.constant 0 : i32
    %dma_wait3A_128 = tpu.memref_slice %arg3[%add3A, %add3A_56, %dma_wait3A_127] : memref<8x512x512xf32, #tpu.memory_space<hbm>> -> memref<1x16x512xf32, #tpu.memory_space<hbm>>
    %dma_wait3A_129 = tpu.memref_squeeze %dma_wait3A_128 : memref<1x16x512xf32, #tpu.memory_space<hbm>> -> memref<16x512xf32, #tpu.memory_space<hbm>>
    tpu.wait_dma2 semaphore(%arg13 : memref<!tpu.dma_semaphore, #tpu.memory_space<semaphore_mem>>) src(%dma_wait3A_129 : memref<16x512xf32, #tpu.memory_space<hbm>>) dst(%dma_wait3A_126 : memref<16x512xf32, #tpu.memory_space<vmem>>)
    %dma_wait3A_130 = arith.constant 0 : i32
    %dma_wait3A_131 = arith.constant 0 : i32
    %dma_wait3A_132 = arith.constant 0 : i32
    %dma_wait3A_133 = tpu.memref_slice %arg9[%dma_wait3A_130, %dma_wait3A_131, %dma_wait3A_132] : memref<2x16x512xi32, #tpu.memory_space<vmem>> -> memref<1x16x512xi32, #tpu.memory_space<vmem>>
    %dma_wait3A_134 = tpu.memref_squeeze %dma_wait3A_133 : memref<1x16x512xi32, #tpu.memory_space<vmem>> -> memref<16x512xi32, #tpu.memory_space<vmem>>
    %dma_wait3A_135 = arith.constant 0 : i32
    %dma_wait3A_136 = tpu.memref_slice %arg4[%add3A, %add3A_56, %dma_wait3A_135] : memref<8x512x512xi32, #tpu.memory_space<hbm>> -> memref<1x16x512xi32, #tpu.memory_space<hbm>>
    %dma_wait3A_137 = tpu.memref_squeeze %dma_wait3A_136 : memref<1x16x512xi32, #tpu.memory_space<hbm>> -> memref<16x512xi32, #tpu.memory_space<hbm>>
    %dma_wait3A_138 = arith.constant 0 : i32
    %dma_wait3A_139 = arith.constant 0 : i32
    %dma_wait3A_140 = tpu.memref_slice %arg9[%dma_wait3A_130, %dma_wait3A_138, %dma_wait3A_139] : memref<2x16x512xi32, #tpu.memory_space<vmem>> -> memref<1x16x512xi32, #tpu.memory_space<vmem>>
    %dma_wait3A_141 = tpu.memref_squeeze %dma_wait3A_140 : memref<1x16x512xi32, #tpu.memory_space<vmem>> -> memref<16x512xi32, #tpu.memory_space<vmem>>
    %dma_wait3A_142 = arith.constant 0 : i32
    %dma_wait3A_143 = tpu.memref_slice %arg4[%add3A, %add3A_56, %dma_wait3A_142] : memref<8x512x512xi32, #tpu.memory_space<hbm>> -> memref<1x16x512xi32, #tpu.memory_space<hbm>>
    %dma_wait3A_144 = tpu.memref_squeeze %dma_wait3A_143 : memref<1x16x512xi32, #tpu.memory_space<hbm>> -> memref<16x512xi32, #tpu.memory_space<hbm>>
    tpu.wait_dma2 semaphore(%arg13 : memref<!tpu.dma_semaphore, #tpu.memory_space<semaphore_mem>>) src(%dma_wait3A_144 : memref<16x512xi32, #tpu.memory_space<hbm>>) dst(%dma_wait3A_141 : memref<16x512xi32, #tpu.memory_space<vmem>>)
    %add3A_145 = arith.constant 16 : i32
    %add3A_146 = arith.addi %mul3A_32, %add3A_145 : i32
    %dma_start3A_147 = arith.constant 1 : i32
    %dma_start3A_148 = arith.constant 0 : i32
    %dma_start3A_149 = arith.constant 0 : i32
    %dma_start3A_150 = tpu.memref_slice %arg7[%dma_start3A_147, %dma_start3A_148, %dma_start3A_149] : memref<2x16x512xf32, #tpu.memory_space<vmem>> -> memref<1x16x512xf32, #tpu.memory_space<vmem>>
    %dma_start3A_151 = tpu.memref_squeeze %dma_start3A_150 : memref<1x16x512xf32, #tpu.memory_space<vmem>> -> memref<16x512xf32, #tpu.memory_space<vmem>>
    %dma_start3A_152 = arith.constant 0 : i32
    %dma_start3A_153 = tpu.memref_slice %arg2[%add3A, %add3A_146, %dma_start3A_152] : memref<8x512x512xf32, #tpu.memory_space<hbm>> -> memref<1x16x512xf32, #tpu.memory_space<hbm>>
    %dma_start3A_154 = tpu.memref_squeeze %dma_start3A_153 : memref<1x16x512xf32, #tpu.memory_space<hbm>> -> memref<16x512xf32, #tpu.memory_space<hbm>>
    %dma_start3A_155 = arith.constant 0 : i32
    %dma_start3A_156 = arith.constant 0 : i32
    %dma_start3A_157 = tpu.memref_slice %arg7[%dma_start3A_147, %dma_start3A_155, %dma_start3A_156] : memref<2x16x512xf32, #tpu.memory_space<vmem>> -> memref<1x16x512xf32, #tpu.memory_space<vmem>>
    %dma_start3A_158 = tpu.memref_squeeze %dma_start3A_157 : memref<1x16x512xf32, #tpu.memory_space<vmem>> -> memref<16x512xf32, #tpu.memory_space<vmem>>
    %dma_start3A_159 = arith.constant 0 : i32
    %dma_start3A_160 = tpu.memref_slice %arg2[%add3A, %add3A_146, %dma_start3A_159] : memref<8x512x512xf32, #tpu.memory_space<hbm>> -> memref<1x16x512xf32, #tpu.memory_space<hbm>>
    %dma_start3A_161 = tpu.memref_squeeze %dma_start3A_160 : memref<1x16x512xf32, #tpu.memory_space<hbm>> -> memref<16x512xf32, #tpu.memory_space<hbm>>
    tpu.enqueue_dma source(%dma_start3A_161 : memref<16x512xf32, #tpu.memory_space<hbm>>) target(%dma_start3A_158 : memref<16x512xf32, #tpu.memory_space<vmem>>) target_semaphore(%arg14 : memref<!tpu.dma_semaphore, #tpu.memory_space<semaphore_mem>>)
    %dma_start3A_162 = arith.constant 1 : i32
    %dma_start3A_163 = arith.constant 0 : i32
    %dma_start3A_164 = arith.constant 0 : i32
    %dma_start3A_165 = tpu.memref_slice %arg8[%dma_start3A_162, %dma_start3A_163, %dma_start3A_164] : memref<2x16x512xf32, #tpu.memory_space<vmem>> -> memref<1x16x512xf32, #tpu.memory_space<vmem>>
    %dma_start3A_166 = tpu.memref_squeeze %dma_start3A_165 : memref<1x16x512xf32, #tpu.memory_space<vmem>> -> memref<16x512xf32, #tpu.memory_space<vmem>>
    %dma_start3A_167 = arith.constant 0 : i32
    %dma_start3A_168 = tpu.memref_slice %arg3[%add3A, %add3A_146, %dma_start3A_167] : memref<8x512x512xf32, #tpu.memory_space<hbm>> -> memref<1x16x512xf32, #tpu.memory_space<hbm>>
    %dma_start3A_169 = tpu.memref_squeeze %dma_start3A_168 : memref<1x16x512xf32, #tpu.memory_space<hbm>> -> memref<16x512xf32, #tpu.memory_space<hbm>>
    %dma_start3A_170 = arith.constant 0 : i32
    %dma_start3A_171 = arith.constant 0 : i32
    %dma_start3A_172 = tpu.memref_slice %arg8[%dma_start3A_162, %dma_start3A_170, %dma_start3A_171] : memref<2x16x512xf32, #tpu.memory_space<vmem>> -> memref<1x16x512xf32, #tpu.memory_space<vmem>>
    %dma_start3A_173 = tpu.memref_squeeze %dma_start3A_172 : memref<1x16x512xf32, #tpu.memory_space<vmem>> -> memref<16x512xf32, #tpu.memory_space<vmem>>
    %dma_start3A_174 = arith.constant 0 : i32
    %dma_start3A_175 = tpu.memref_slice %arg3[%add3A, %add3A_146, %dma_start3A_174] : memref<8x512x512xf32, #tpu.memory_space<hbm>> -> memref<1x16x512xf32, #tpu.memory_space<hbm>>
    %dma_start3A_176 = tpu.memref_squeeze %dma_start3A_175 : memref<1x16x512xf32, #tpu.memory_space<hbm>> -> memref<16x512xf32, #tpu.memory_space<hbm>>
    tpu.enqueue_dma source(%dma_start3A_176 : memref<16x512xf32, #tpu.memory_space<hbm>>) target(%dma_start3A_173 : memref<16x512xf32, #tpu.memory_space<vmem>>) target_semaphore(%arg14 : memref<!tpu.dma_semaphore, #tpu.memory_space<semaphore_mem>>)
    %dma_start3A_177 = arith.constant 1 : i32
    %dma_start3A_178 = arith.constant 0 : i32
    %dma_start3A_179 = arith.constant 0 : i32
    %dma_start3A_180 = tpu.memref_slice %arg9[%dma_start3A_177, %dma_start3A_178, %dma_start3A_179] : memref<2x16x512xi32, #tpu.memory_space<vmem>> -> memref<1x16x512xi32, #tpu.memory_space<vmem>>
    %dma_start3A_181 = tpu.memref_squeeze %dma_start3A_180 : memref<1x16x512xi32, #tpu.memory_space<vmem>> -> memref<16x512xi32, #tpu.memory_space<vmem>>
    %dma_start3A_182 = arith.constant 0 : i32
    %dma_start3A_183 = tpu.memref_slice %arg4[%add3A, %add3A_146, %dma_start3A_182] : memref<8x512x512xi32, #tpu.memory_space<hbm>> -> memref<1x16x512xi32, #tpu.memory_space<hbm>>
    %dma_start3A_184 = tpu.memref_squeeze %dma_start3A_183 : memref<1x16x512xi32, #tpu.memory_space<hbm>> -> memref<16x512xi32, #tpu.memory_space<hbm>>
    %dma_start3A_185 = arith.constant 0 : i32
    %dma_start3A_186 = arith.constant 0 : i32
    %dma_start3A_187 = tpu.memref_slice %arg9[%dma_start3A_177, %dma_start3A_185, %dma_start3A_186] : memref<2x16x512xi32, #tpu.memory_space<vmem>> -> memref<1x16x512xi32, #tpu.memory_space<vmem>>
    %dma_start3A_188 = tpu.memref_squeeze %dma_start3A_187 : memref<1x16x512xi32, #tpu.memory_space<vmem>> -> memref<16x512xi32, #tpu.memory_space<vmem>>
    %dma_start3A_189 = arith.constant 0 : i32
    %dma_start3A_190 = tpu.memref_slice %arg4[%add3A, %add3A_146, %dma_start3A_189] : memref<8x512x512xi32, #tpu.memory_space<hbm>> -> memref<1x16x512xi32, #tpu.memory_space<hbm>>
    %dma_start3A_191 = tpu.memref_squeeze %dma_start3A_190 : memref<1x16x512xi32, #tpu.memory_space<hbm>> -> memref<16x512xi32, #tpu.memory_space<hbm>>
    tpu.enqueue_dma source(%dma_start3A_191 : memref<16x512xi32, #tpu.memory_space<hbm>>) target(%dma_start3A_188 : memref<16x512xi32, #tpu.memory_space<vmem>>) target_semaphore(%arg14 : memref<!tpu.dma_semaphore, #tpu.memory_space<semaphore_mem>>)
    %scan3A = arith.constant 0 : i32
    %scan3A_192 = arith.constant 128 : i32
    %scan3A_193 = arith.addi %scan3A, %scan3A_192 : i32
    %scan3A_194 = arith.constant 1 : i32
    %scan3A_195:8 = scf.for %scan3A_478 = %scan3A to %scan3A_193 step %scan3A_194 iter_args(%scan3A_479 = %broadcast_in_dim3A_36, %scan3A_480 = %broadcast_in_dim3A_36, %scan3A_481 = %broadcast_in_dim3A_36, %scan3A_482 = %broadcast_in_dim3A_36, %scan3A_483 = %broadcast_in_dim3A_36, %scan3A_484 = %broadcast_in_dim3A_36, %scan3A_485 = %broadcast_in_dim3A_36, %scan3A_486 = %broadcast_in_dim3A_36) -> (vector<16xf32>, vector<16xf32>, vector<16xf32>, vector<16xf32>, vector<16xf32>, vector<16xf32>, vector<16xf32>, vector<16xf32>)  : i32 {
      %jit3A_487 = arith.constant 8 : i32
      %div3A_488 = arith.divsi %scan3A_478, %jit3A_487 : i32
      %sign3A_489 = arith.constant 0 : i32
      %sign3A_490 = arith.cmpi sgt, %scan3A_478, %sign3A_489 : i32
      %sign3A_491 = arith.extui %sign3A_490 : i1 to i32
      %sign3A_492 = arith.constant 0 : i32
      %sign3A_493 = arith.cmpi slt, %scan3A_478, %sign3A_492 : i32
      %sign3A_494 = arith.extui %sign3A_493 : i1 to i32
      %sign3A_495 = arith.subi %sign3A_491, %sign3A_494 : i32
      %sign3A_496 = arith.constant 0 : i32
      %sign3A_497 = arith.cmpi sgt, %jit3A_487, %sign3A_496 : i32
      %sign3A_498 = arith.extui %sign3A_497 : i1 to i32
      %sign3A_499 = arith.constant 0 : i32
      %sign3A_500 = arith.cmpi slt, %jit3A_487, %sign3A_499 : i32
      %sign3A_501 = arith.extui %sign3A_500 : i1 to i32
      %sign3A_502 = arith.subi %sign3A_498, %sign3A_501 : i32
      %ne3A_503 = arith.cmpi ne, %sign3A_495, %sign3A_502 : i32
      %rem3A_504 = arith.remsi %scan3A_478, %jit3A_487 : i32
      %ne3A_505 = arith.constant 0 : i32
      %ne3A_506 = arith.cmpi ne, %rem3A_504, %ne3A_505 : i32
      %and3A_507 = arith.andi %ne3A_503, %ne3A_506 : i1
      %sub3A_508 = arith.constant 1 : i32
      %sub3A_509 = arith.subi %div3A_488, %sub3A_508 : i32
      %select_n3A_510 = arith.select %and3A_507, %sub3A_509, %div3A_488 : i32
      %jit3A_511 = arith.constant 8 : i32
      %eq3A_512 = arith.constant 0 : i32
      %eq3A_513 = arith.cmpi eq, %jit3A_511, %eq3A_512 : i32
      %jit3A_514 = arith.constant 1 : i32
      %select_n3A_515 = arith.select %eq3A_513, %jit3A_514, %jit3A_511 : i32
      %rem3A_516 = arith.remsi %scan3A_478, %select_n3A_515 : i32
      %ne3A_517 = arith.constant 0 : i32
      %ne3A_518 = arith.cmpi ne, %rem3A_516, %ne3A_517 : i32
      %lt3A_519 = arith.constant 0 : i32
      %lt3A_520 = arith.cmpi slt, %rem3A_516, %lt3A_519 : i32
      %lt3A_521 = arith.constant 0 : i32
      %lt3A_522 = arith.cmpi slt, %select_n3A_515, %lt3A_521 : i32
      %ne3A_523 = arith.xori %lt3A_520, %lt3A_522 : i1
      %and3A_524 = arith.andi %ne3A_523, %ne3A_518 : i1
      %add3A_525 = arith.addi %rem3A_516, %select_n3A_515 : i32
      %select_n3A_526 = arith.select %and3A_524, %add3A_525, %rem3A_516 : i32
      %mul3A_527 = arith.constant 64 : i32
      %mul3A_528 = arith.muli %select_n3A_526, %mul3A_527 : i32
      %add3A_529 = arith.constant 0 : i32
      %add3A_530 = arith.addi %mul3A_528, %add3A_529 : i32
      %get3A = arith.constant 0 : i32
      %get3A_531 = arith.index_cast %get3A : i32 to index
      %get3A_532 = arith.index_cast %select_n3A_510 : i32 to index
      %get3A_533 = arith.index_cast %add3A_530 : i32 to index
      %get3A_534 = tpu.vector_load %arg7[%get3A_531, %get3A_532, %get3A_533] {strides = array<i32>} : memref<2x16x512xf32, #tpu.memory_space<vmem>>, vector<16xf32>,
      %get3A_535 = arith.constant 0 : i32
      %get3A_536 = arith.index_cast %get3A_535 : i32 to index
      %get3A_537 = arith.index_cast %select_n3A_510 : i32 to index
      %get3A_538 = arith.index_cast %add3A_530 : i32 to index
      %get3A_539 = tpu.vector_load %arg8[%get3A_536, %get3A_537, %get3A_538] {strides = array<i32>} : memref<2x16x512xf32, #tpu.memory_space<vmem>>, vector<16xf32>,
      %get3A_540 = arith.constant 0 : i32
      %get3A_541 = arith.index_cast %get3A_540 : i32 to index
      %get3A_542 = arith.index_cast %select_n3A_510 : i32 to index
      %get3A_543 = arith.index_cast %add3A_530 : i32 to index
      %get3A_544 = tpu.vector_load %arg9[%get3A_541, %get3A_542, %get3A_543] {strides = array<i32>} : memref<2x16x512xi32, #tpu.memory_space<vmem>>, vector<16xi32>,
      %sub3A_545 = arith.subf %get3A_534, %get3A_539 : vector<16xf32>
      %mul3A_546 = arith.mulf %sub3A_545, %sub3A_545 : vector<16xf32>
      %reshape3A = vector.shape_cast %get3A_544 : vector<16xi32> to vector<16x1xi32>
      %gather3A = vector.shape_cast %reshape3A : vector<16x1xi32> to vector<16xi32>
      %gather3A_547 = tpu.dynamic_gather %select_n3A_42[%gather3A] in [0] : vector<16xf32>, vector<16xi32> -> vector<16xf32>
      %gather3A_548 = vector.shape_cast %reshape3A : vector<16x1xi32> to vector<16xi32>
      %gather3A_549 = tpu.dynamic_gather %select_n3A_46[%gather3A_548] in [0] : vector<16xf32>, vector<16xi32> -> vector<16xf32>
      %gather3A_550 = vector.shape_cast %reshape3A : vector<16x1xi32> to vector<16xi32>
      %gather3A_551 = tpu.dynamic_gather %select_n3A_50[%gather3A_550] in [0] : vector<16xf32>, vector<16xi32> -> vector<16xf32>
      %gather3A_552 = vector.shape_cast %reshape3A : vector<16x1xi32> to vector<16xi32>
      %gather3A_553 = tpu.dynamic_gather %select_n3A_54[%gather3A_552] in [0] : vector<16xf32>, vector<16xi32> -> vector<16xf32>
      %mul3A_554 = arith.mulf %mul3A_546, %gather3A_547 : vector<16xf32>
      %add3A_555 = arith.addf %scan3A_479, %mul3A_554 : vector<16xf32>
      %mul3A_556 = arith.mulf %mul3A_546, %gather3A_549 : vector<16xf32>
      %add3A_557 = arith.addf %scan3A_480, %mul3A_556 : vector<16xf32>
      %mul3A_558 = arith.mulf %mul3A_546, %gather3A_551 : vector<16xf32>
      %add3A_559 = arith.addf %scan3A_481, %mul3A_558 : vector<16xf32>
      %mul3A_560 = arith.mulf %mul3A_546, %gather3A_553 : vector<16xf32>
      %add3A_561 = arith.addf %scan3A_482, %mul3A_560 : vector<16xf32>
      %add3A_562 = arith.addf %scan3A_483, %gather3A_547 : vector<16xf32>
      %add3A_563 = arith.addf %scan3A_484, %gather3A_549 : vector<16xf32>
      %add3A_564 = arith.addf %scan3A_485, %gather3A_551 : vector<16xf32>
      %add3A_565 = arith.addf %scan3A_486, %gather3A_553 : vector<16xf32>
      %add3A_566 = arith.constant 16 : i32
      %add3A_567 = arith.addi %mul3A_528, %add3A_566 : i32
      %get3A_568 = arith.constant 0 : i32
      %get3A_569 = arith.index_cast %get3A_568 : i32 to index
      %get3A_570 = arith.index_cast %select_n3A_510 : i32 to index
      %get3A_571 = arith.index_cast %add3A_567 : i32 to index
      %get3A_572 = tpu.vector_load %arg7[%get3A_569, %get3A_570, %get3A_571] {strides = array<i32>} : memref<2x16x512xf32, #tpu.memory_space<vmem>>, vector<16xf32>,
      %get3A_573 = arith.constant 0 : i32
      %get3A_574 = arith.index_cast %get3A_573 : i32 to index
      %get3A_575 = arith.index_cast %select_n3A_510 : i32 to index
      %get3A_576 = arith.index_cast %add3A_567 : i32 to index
      %get3A_577 = tpu.vector_load %arg8[%get3A_574, %get3A_575, %get3A_576] {strides = array<i32>} : memref<2x16x512xf32, #tpu.memory_space<vmem>>, vector<16xf32>,
      %get3A_578 = arith.constant 0 : i32
      %get3A_579 = arith.index_cast %get3A_578 : i32 to index
      %get3A_580 = arith.index_cast %select_n3A_510 : i32 to index
      %get3A_581 = arith.index_cast %add3A_567 : i32 to index
      %get3A_582 = tpu.vector_load %arg9[%get3A_579, %get3A_580, %get3A_581] {strides = array<i32>} : memref<2x16x512xi32, #tpu.memory_space<vmem>>, vector<16xi32>,
      %sub3A_583 = arith.subf %get3A_572, %get3A_577 : vector<16xf32>
      %mul3A_584 = arith.mulf %sub3A_583, %sub3A_583 : vector<16xf32>
      %reshape3A_585 = vector.shape_cast %get3A_582 : vector<16xi32> to vector<16x1xi32>
      %gather3A_586 = vector.shape_cast %reshape3A_585 : vector<16x1xi32> to vector<16xi32>
      %gather3A_587 = tpu.dynamic_gather %select_n3A_42[%gather3A_586] in [0] : vector<16xf32>, vector<16xi32> -> vector<16xf32>
      %gather3A_588 = vector.shape_cast %reshape3A_585 : vector<16x1xi32> to vector<16xi32>
      %gather3A_589 = tpu.dynamic_gather %select_n3A_46[%gather3A_588] in [0] : vector<16xf32>, vector<16xi32> -> vector<16xf32>
      %gather3A_590 = vector.shape_cast %reshape3A_585 : vector<16x1xi32> to vector<16xi32>
      %gather3A_591 = tpu.dynamic_gather %select_n3A_50[%gather3A_590] in [0] : vector<16xf32>, vector<16xi32> -> vector<16xf32>
      %gather3A_592 = vector.shape_cast %reshape3A_585 : vector<16x1xi32> to vector<16xi32>
      %gather3A_593 = tpu.dynamic_gather %select_n3A_54[%gather3A_592] in [0] : vector<16xf32>, vector<16xi32> -> vector<16xf32>
      %mul3A_594 = arith.mulf %mul3A_584, %gather3A_587 : vector<16xf32>
      %add3A_595 = arith.addf %add3A_555, %mul3A_594 : vector<16xf32>
      %mul3A_596 = arith.mulf %mul3A_584, %gather3A_589 : vector<16xf32>
      %add3A_597 = arith.addf %add3A_557, %mul3A_596 : vector<16xf32>
      %mul3A_598 = arith.mulf %mul3A_584, %gather3A_591 : vector<16xf32>
      %add3A_599 = arith.addf %add3A_559, %mul3A_598 : vector<16xf32>
      %mul3A_600 = arith.mulf %mul3A_584, %gather3A_593 : vector<16xf32>
      %add3A_601 = arith.addf %add3A_561, %mul3A_600 : vector<16xf32>
      %add3A_602 = arith.addf %add3A_562, %gather3A_587 : vector<16xf32>
      %add3A_603 = arith.addf %add3A_563, %gather3A_589 : vector<16xf32>
      %add3A_604 = arith.addf %add3A_564, %gather3A_591 : vector<16xf32>
      %add3A_605 = arith.addf %add3A_565, %gather3A_593 : vector<16xf32>
      %add3A_606 = arith.constant 32 : i32
      %add3A_607 = arith.addi %mul3A_528, %add3A_606 : i32
      %get3A_608 = arith.constant 0 : i32
      %get3A_609 = arith.index_cast %get3A_608 : i32 to index
      %get3A_610 = arith.index_cast %select_n3A_510 : i32 to index
      %get3A_611 = arith.index_cast %add3A_607 : i32 to index
      %get3A_612 = tpu.vector_load %arg7[%get3A_609, %get3A_610, %get3A_611] {strides = array<i32>} : memref<2x16x512xf32, #tpu.memory_space<vmem>>, vector<16xf32>,
      %get3A_613 = arith.constant 0 : i32
      %get3A_614 = arith.index_cast %get3A_613 : i32 to index
      %get3A_615 = arith.index_cast %select_n3A_510 : i32 to index
      %get3A_616 = arith.index_cast %add3A_607 : i32 to index
      %get3A_617 = tpu.vector_load %arg8[%get3A_614, %get3A_615, %get3A_616] {strides = array<i32>} : memref<2x16x512xf32, #tpu.memory_space<vmem>>, vector<16xf32>,
      %get3A_618 = arith.constant 0 : i32
      %get3A_619 = arith.index_cast %get3A_618 : i32 to index
      %get3A_620 = arith.index_cast %select_n3A_510 : i32 to index
      %get3A_621 = arith.index_cast %add3A_607 : i32 to index
      %get3A_622 = tpu.vector_load %arg9[%get3A_619, %get3A_620, %get3A_621] {strides = array<i32>} : memref<2x16x512xi32, #tpu.memory_space<vmem>>, vector<16xi32>,
      %sub3A_623 = arith.subf %get3A_612, %get3A_617 : vector<16xf32>
      %mul3A_624 = arith.mulf %sub3A_623, %sub3A_623 : vector<16xf32>
      %reshape3A_625 = vector.shape_cast %get3A_622 : vector<16xi32> to vector<16x1xi32>
      %gather3A_626 = vector.shape_cast %reshape3A_625 : vector<16x1xi32> to vector<16xi32>
      %gather3A_627 = tpu.dynamic_gather %select_n3A_42[%gather3A_626] in [0] : vector<16xf32>, vector<16xi32> -> vector<16xf32>
      %gather3A_628 = vector.shape_cast %reshape3A_625 : vector<16x1xi32> to vector<16xi32>
      %gather3A_629 = tpu.dynamic_gather %select_n3A_46[%gather3A_628] in [0] : vector<16xf32>, vector<16xi32> -> vector<16xf32>
      %gather3A_630 = vector.shape_cast %reshape3A_625 : vector<16x1xi32> to vector<16xi32>
      %gather3A_631 = tpu.dynamic_gather %select_n3A_50[%gather3A_630] in [0] : vector<16xf32>, vector<16xi32> -> vector<16xf32>
      %gather3A_632 = vector.shape_cast %reshape3A_625 : vector<16x1xi32> to vector<16xi32>
      %gather3A_633 = tpu.dynamic_gather %select_n3A_54[%gather3A_632] in [0] : vector<16xf32>, vector<16xi32> -> vector<16xf32>
      %mul3A_634 = arith.mulf %mul3A_624, %gather3A_627 : vector<16xf32>
      %add3A_635 = arith.addf %add3A_595, %mul3A_634 : vector<16xf32>
      %mul3A_636 = arith.mulf %mul3A_624, %gather3A_629 : vector<16xf32>
      %add3A_637 = arith.addf %add3A_597, %mul3A_636 : vector<16xf32>
      %mul3A_638 = arith.mulf %mul3A_624, %gather3A_631 : vector<16xf32>
      %add3A_639 = arith.addf %add3A_599, %mul3A_638 : vector<16xf32>
      %mul3A_640 = arith.mulf %mul3A_624, %gather3A_633 : vector<16xf32>
      %add3A_641 = arith.addf %add3A_601, %mul3A_640 : vector<16xf32>
      %add3A_642 = arith.addf %add3A_602, %gather3A_627 : vector<16xf32>
      %add3A_643 = arith.addf %add3A_603, %gather3A_629 : vector<16xf32>
      %add3A_644 = arith.addf %add3A_604, %gather3A_631 : vector<16xf32>
      %add3A_645 = arith.addf %add3A_605, %gather3A_633 : vector<16xf32>
      %add3A_646 = arith.constant 48 : i32
      %add3A_647 = arith.addi %mul3A_528, %add3A_646 : i32
      %get3A_648 = arith.constant 0 : i32
      %get3A_649 = arith.index_cast %get3A_648 : i32 to index
      %get3A_650 = arith.index_cast %select_n3A_510 : i32 to index
      %get3A_651 = arith.index_cast %add3A_647 : i32 to index
      %get3A_652 = tpu.vector_load %arg7[%get3A_649, %get3A_650, %get3A_651] {strides = array<i32>} : memref<2x16x512xf32, #tpu.memory_space<vmem>>, vector<16xf32>,
      %get3A_653 = arith.constant 0 : i32
      %get3A_654 = arith.index_cast %get3A_653 : i32 to index
      %get3A_655 = arith.index_cast %select_n3A_510 : i32 to index
      %get3A_656 = arith.index_cast %add3A_647 : i32 to index
      %get3A_657 = tpu.vector_load %arg8[%get3A_654, %get3A_655, %get3A_656] {strides = array<i32>} : memref<2x16x512xf32, #tpu.memory_space<vmem>>, vector<16xf32>,
      %get3A_658 = arith.constant 0 : i32
      %get3A_659 = arith.index_cast %get3A_658 : i32 to index
      %get3A_660 = arith.index_cast %select_n3A_510 : i32 to index
      %get3A_661 = arith.index_cast %add3A_647 : i32 to index
      %get3A_662 = tpu.vector_load %arg9[%get3A_659, %get3A_660, %get3A_661] {strides = array<i32>} : memref<2x16x512xi32, #tpu.memory_space<vmem>>, vector<16xi32>,
      %sub3A_663 = arith.subf %get3A_652, %get3A_657 : vector<16xf32>
      %mul3A_664 = arith.mulf %sub3A_663, %sub3A_663 : vector<16xf32>
      %reshape3A_665 = vector.shape_cast %get3A_662 : vector<16xi32> to vector<16x1xi32>
      %gather3A_666 = vector.shape_cast %reshape3A_665 : vector<16x1xi32> to vector<16xi32>
      %gather3A_667 = tpu.dynamic_gather %select_n3A_42[%gather3A_666] in [0] : vector<16xf32>, vector<16xi32> -> vector<16xf32>
      %gather3A_668 = vector.shape_cast %reshape3A_665 : vector<16x1xi32> to vector<16xi32>
      %gather3A_669 = tpu.dynamic_gather %select_n3A_46[%gather3A_668] in [0] : vector<16xf32>, vector<16xi32> -> vector<16xf32>
      %gather3A_670 = vector.shape_cast %reshape3A_665 : vector<16x1xi32> to vector<16xi32>
      %gather3A_671 = tpu.dynamic_gather %select_n3A_50[%gather3A_670] in [0] : vector<16xf32>, vector<16xi32> -> vector<16xf32>
      %gather3A_672 = vector.shape_cast %reshape3A_665 : vector<16x1xi32> to vector<16xi32>
      %gather3A_673 = tpu.dynamic_gather %select_n3A_54[%gather3A_672] in [0] : vector<16xf32>, vector<16xi32> -> vector<16xf32>
      %mul3A_674 = arith.mulf %mul3A_664, %gather3A_667 : vector<16xf32>
      %add3A_675 = arith.addf %add3A_635, %mul3A_674 : vector<16xf32>
      %mul3A_676 = arith.mulf %mul3A_664, %gather3A_669 : vector<16xf32>
      %add3A_677 = arith.addf %add3A_637, %mul3A_676 : vector<16xf32>
      %mul3A_678 = arith.mulf %mul3A_664, %gather3A_671 : vector<16xf32>
      %add3A_679 = arith.addf %add3A_639, %mul3A_678 : vector<16xf32>
      %mul3A_680 = arith.mulf %mul3A_664, %gather3A_673 : vector<16xf32>
      %add3A_681 = arith.addf %add3A_641, %mul3A_680 : vector<16xf32>
      %add3A_682 = arith.addf %add3A_642, %gather3A_667 : vector<16xf32>
      %add3A_683 = arith.addf %add3A_643, %gather3A_669 : vector<16xf32>
      %add3A_684 = arith.addf %add3A_644, %gather3A_671 : vector<16xf32>
      %add3A_685 = arith.addf %add3A_645, %gather3A_673 : vector<16xf32>
      scf.yield %add3A_675, %add3A_677, %add3A_679, %add3A_681, %add3A_682, %add3A_683, %add3A_684, %add3A_685 : vector<16xf32>, vector<16xf32>, vector<16xf32>, vector<16xf32>, vector<16xf32>, vector<16xf32>, vector<16xf32>, vector<16xf32>
    }
    %scan3A_196 = arith.constant 128 : i32
    %dma_wait3A_197 = arith.constant 1 : i32
    %dma_wait3A_198 = arith.constant 0 : i32
    %dma_wait3A_199 = arith.constant 0 : i32
    %dma_wait3A_200 = tpu.memref_slice %arg7[%dma_wait3A_197, %dma_wait3A_198, %dma_wait3A_199] : memref<2x16x512xf32, #tpu.memory_space<vmem>> -> memref<1x16x512xf32, #tpu.memory_space<vmem>>
    %dma_wait3A_201 = tpu.memref_squeeze %dma_wait3A_200 : memref<1x16x512xf32, #tpu.memory_space<vmem>> -> memref<16x512xf32, #tpu.memory_space<vmem>>
    %dma_wait3A_202 = arith.constant 0 : i32
    %dma_wait3A_203 = tpu.memref_slice %arg2[%add3A, %add3A_146, %dma_wait3A_202] : memref<8x512x512xf32, #tpu.memory_space<hbm>> -> memref<1x16x512xf32, #tpu.memory_space<hbm>>
    %dma_wait3A_204 = tpu.memref_squeeze %dma_wait3A_203 : memref<1x16x512xf32, #tpu.memory_space<hbm>> -> memref<16x512xf32, #tpu.memory_space<hbm>>
    %dma_wait3A_205 = arith.constant 0 : i32
    %dma_wait3A_206 = arith.constant 0 : i32
    %dma_wait3A_207 = tpu.memref_slice %arg7[%dma_wait3A_197, %dma_wait3A_205, %dma_wait3A_206] : memref<2x16x512xf32, #tpu.memory_space<vmem>> -> memref<1x16x512xf32, #tpu.memory_space<vmem>>
    %dma_wait3A_208 = tpu.memref_squeeze %dma_wait3A_207 : memref<1x16x512xf32, #tpu.memory_space<vmem>> -> memref<16x512xf32, #tpu.memory_space<vmem>>
    %dma_wait3A_209 = arith.constant 0 : i32
    %dma_wait3A_210 = tpu.memref_slice %arg2[%add3A, %add3A_146, %dma_wait3A_209] : memref<8x512x512xf32, #tpu.memory_space<hbm>> -> memref<1x16x512xf32, #tpu.memory_space<hbm>>
    %dma_wait3A_211 = tpu.memref_squeeze %dma_wait3A_210 : memref<1x16x512xf32, #tpu.memory_space<hbm>> -> memref<16x512xf32, #tpu.memory_space<hbm>>
    tpu.wait_dma2 semaphore(%arg14 : memref<!tpu.dma_semaphore, #tpu.memory_space<semaphore_mem>>) src(%dma_wait3A_211 : memref<16x512xf32, #tpu.memory_space<hbm>>) dst(%dma_wait3A_208 : memref<16x512xf32, #tpu.memory_space<vmem>>)
    %dma_wait3A_212 = arith.constant 1 : i32
    %dma_wait3A_213 = arith.constant 0 : i32
    %dma_wait3A_214 = arith.constant 0 : i32
    %dma_wait3A_215 = tpu.memref_slice %arg8[%dma_wait3A_212, %dma_wait3A_213, %dma_wait3A_214] : memref<2x16x512xf32, #tpu.memory_space<vmem>> -> memref<1x16x512xf32, #tpu.memory_space<vmem>>
    %dma_wait3A_216 = tpu.memref_squeeze %dma_wait3A_215 : memref<1x16x512xf32, #tpu.memory_space<vmem>> -> memref<16x512xf32, #tpu.memory_space<vmem>>
    %dma_wait3A_217 = arith.constant 0 : i32
    %dma_wait3A_218 = tpu.memref_slice %arg3[%add3A, %add3A_146, %dma_wait3A_217] : memref<8x512x512xf32, #tpu.memory_space<hbm>> -> memref<1x16x512xf32, #tpu.memory_space<hbm>>
    %dma_wait3A_219 = tpu.memref_squeeze %dma_wait3A_218 : memref<1x16x512xf32, #tpu.memory_space<hbm>> -> memref<16x512xf32, #tpu.memory_space<hbm>>
    %dma_wait3A_220 = arith.constant 0 : i32
    %dma_wait3A_221 = arith.constant 0 : i32
    %dma_wait3A_222 = tpu.memref_slice %arg8[%dma_wait3A_212, %dma_wait3A_220, %dma_wait3A_221] : memref<2x16x512xf32, #tpu.memory_space<vmem>> -> memref<1x16x512xf32, #tpu.memory_space<vmem>>
    %dma_wait3A_223 = tpu.memref_squeeze %dma_wait3A_222 : memref<1x16x512xf32, #tpu.memory_space<vmem>> -> memref<16x512xf32, #tpu.memory_space<vmem>>
    %dma_wait3A_224 = arith.constant 0 : i32
    %dma_wait3A_225 = tpu.memref_slice %arg3[%add3A, %add3A_146, %dma_wait3A_224] : memref<8x512x512xf32, #tpu.memory_space<hbm>> -> memref<1x16x512xf32, #tpu.memory_space<hbm>>
    %dma_wait3A_226 = tpu.memref_squeeze %dma_wait3A_225 : memref<1x16x512xf32, #tpu.memory_space<hbm>> -> memref<16x512xf32, #tpu.memory_space<hbm>>
    tpu.wait_dma2 semaphore(%arg14 : memref<!tpu.dma_semaphore, #tpu.memory_space<semaphore_mem>>) src(%dma_wait3A_226 : memref<16x512xf32, #tpu.memory_space<hbm>>) dst(%dma_wait3A_223 : memref<16x512xf32, #tpu.memory_space<vmem>>)
    %dma_wait3A_227 = arith.constant 1 : i32
    %dma_wait3A_228 = arith.constant 0 : i32
    %dma_wait3A_229 = arith.constant 0 : i32
    %dma_wait3A_230 = tpu.memref_slice %arg9[%dma_wait3A_227, %dma_wait3A_228, %dma_wait3A_229] : memref<2x16x512xi32, #tpu.memory_space<vmem>> -> memref<1x16x512xi32, #tpu.memory_space<vmem>>
    %dma_wait3A_231 = tpu.memref_squeeze %dma_wait3A_230 : memref<1x16x512xi32, #tpu.memory_space<vmem>> -> memref<16x512xi32, #tpu.memory_space<vmem>>
    %dma_wait3A_232 = arith.constant 0 : i32
    %dma_wait3A_233 = tpu.memref_slice %arg4[%add3A, %add3A_146, %dma_wait3A_232] : memref<8x512x512xi32, #tpu.memory_space<hbm>> -> memref<1x16x512xi32, #tpu.memory_space<hbm>>
    %dma_wait3A_234 = tpu.memref_squeeze %dma_wait3A_233 : memref<1x16x512xi32, #tpu.memory_space<hbm>> -> memref<16x512xi32, #tpu.memory_space<hbm>>
    %dma_wait3A_235 = arith.constant 0 : i32
    %dma_wait3A_236 = arith.constant 0 : i32
    %dma_wait3A_237 = tpu.memref_slice %arg9[%dma_wait3A_227, %dma_wait3A_235, %dma_wait3A_236] : memref<2x16x512xi32, #tpu.memory_space<vmem>> -> memref<1x16x512xi32, #tpu.memory_space<vmem>>
    %dma_wait3A_238 = tpu.memref_squeeze %dma_wait3A_237 : memref<1x16x512xi32, #tpu.memory_space<vmem>> -> memref<16x512xi32, #tpu.memory_space<vmem>>
    %dma_wait3A_239 = arith.constant 0 : i32
    %dma_wait3A_240 = tpu.memref_slice %arg4[%add3A, %add3A_146, %dma_wait3A_239] : memref<8x512x512xi32, #tpu.memory_space<hbm>> -> memref<1x16x512xi32, #tpu.memory_space<hbm>>
    %dma_wait3A_241 = tpu.memref_squeeze %dma_wait3A_240 : memref<1x16x512xi32, #tpu.memory_space<hbm>> -> memref<16x512xi32, #tpu.memory_space<hbm>>
    tpu.wait_dma2 semaphore(%arg14 : memref<!tpu.dma_semaphore, #tpu.memory_space<semaphore_mem>>) src(%dma_wait3A_241 : memref<16x512xi32, #tpu.memory_space<hbm>>) dst(%dma_wait3A_238 : memref<16x512xi32, #tpu.memory_space<vmem>>)
    %add3A_242 = arith.constant 32 : i32
    %add3A_243 = arith.addi %mul3A_32, %add3A_242 : i32
    %dma_start3A_244 = arith.constant 0 : i32
    %dma_start3A_245 = arith.constant 0 : i32
    %dma_start3A_246 = arith.constant 0 : i32
    %dma_start3A_247 = tpu.memref_slice %arg7[%dma_start3A_244, %dma_start3A_245, %dma_start3A_246] : memref<2x16x512xf32, #tpu.memory_space<vmem>> -> memref<1x16x512xf32, #tpu.memory_space<vmem>>
    %dma_start3A_248 = tpu.memref_squeeze %dma_start3A_247 : memref<1x16x512xf32, #tpu.memory_space<vmem>> -> memref<16x512xf32, #tpu.memory_space<vmem>>
    %dma_start3A_249 = arith.constant 0 : i32
    %dma_start3A_250 = tpu.memref_slice %arg2[%add3A, %add3A_243, %dma_start3A_249] : memref<8x512x512xf32, #tpu.memory_space<hbm>> -> memref<1x16x512xf32, #tpu.memory_space<hbm>>
    %dma_start3A_251 = tpu.memref_squeeze %dma_start3A_250 : memref<1x16x512xf32, #tpu.memory_space<hbm>> -> memref<16x512xf32, #tpu.memory_space<hbm>>
    %dma_start3A_252 = arith.constant 0 : i32
    %dma_start3A_253 = arith.constant 0 : i32
    %dma_start3A_254 = tpu.memref_slice %arg7[%dma_start3A_244, %dma_start3A_252, %dma_start3A_253] : memref<2x16x512xf32, #tpu.memory_space<vmem>> -> memref<1x16x512xf32, #tpu.memory_space<vmem>>
    %dma_start3A_255 = tpu.memref_squeeze %dma_start3A_254 : memref<1x16x512xf32, #tpu.memory_space<vmem>> -> memref<16x512xf32, #tpu.memory_space<vmem>>
    %dma_start3A_256 = arith.constant 0 : i32
    %dma_start3A_257 = tpu.memref_slice %arg2[%add3A, %add3A_243, %dma_start3A_256] : memref<8x512x512xf32, #tpu.memory_space<hbm>> -> memref<1x16x512xf32, #tpu.memory_space<hbm>>
    %dma_start3A_258 = tpu.memref_squeeze %dma_start3A_257 : memref<1x16x512xf32, #tpu.memory_space<hbm>> -> memref<16x512xf32, #tpu.memory_space<hbm>>
    tpu.enqueue_dma source(%dma_start3A_258 : memref<16x512xf32, #tpu.memory_space<hbm>>) target(%dma_start3A_255 : memref<16x512xf32, #tpu.memory_space<vmem>>) target_semaphore(%arg13 : memref<!tpu.dma_semaphore, #tpu.memory_space<semaphore_mem>>)
    %dma_start3A_259 = arith.constant 0 : i32
    %dma_start3A_260 = arith.constant 0 : i32
    %dma_start3A_261 = arith.constant 0 : i32
    %dma_start3A_262 = tpu.memref_slice %arg8[%dma_start3A_259, %dma_start3A_260, %dma_start3A_261] : memref<2x16x512xf32, #tpu.memory_space<vmem>> -> memref<1x16x512xf32, #tpu.memory_space<vmem>>
    %dma_start3A_263 = tpu.memref_squeeze %dma_start3A_262 : memref<1x16x512xf32, #tpu.memory_space<vmem>> -> memref<16x512xf32, #tpu.memory_space<vmem>>
    %dma_start3A_264 = arith.constant 0 : i32
    %dma_start3A_265 = tpu.memref_slice %arg3[%add3A, %add3A_243, %dma_start3A_264] : memref<8x512x512xf32, #tpu.memory_space<hbm>> -> memref<1x16x512xf32, #tpu.memory_space<hbm>>
    %dma_start3A_266 = tpu.memref_squeeze %dma_start3A_265 : memref<1x16x512xf32, #tpu.memory_space<hbm>> -> memref<16x512xf32, #tpu.memory_space<hbm>>
    %dma_start3A_267 = arith.constant 0 : i32
    %dma_start3A_268 = arith.constant 0 : i32
    %dma_start3A_269 = tpu.memref_slice %arg8[%dma_start3A_259, %dma_start3A_267, %dma_start3A_268] : memref<2x16x512xf32, #tpu.memory_space<vmem>> -> memref<1x16x512xf32, #tpu.memory_space<vmem>>
    %dma_start3A_270 = tpu.memref_squeeze %dma_start3A_269 : memref<1x16x512xf32, #tpu.memory_space<vmem>> -> memref<16x512xf32, #tpu.memory_space<vmem>>
    %dma_start3A_271 = arith.constant 0 : i32
    %dma_start3A_272 = tpu.memref_slice %arg3[%add3A, %add3A_243, %dma_start3A_271] : memref<8x512x512xf32, #tpu.memory_space<hbm>> -> memref<1x16x512xf32, #tpu.memory_space<hbm>>
    %dma_start3A_273 = tpu.memref_squeeze %dma_start3A_272 : memref<1x16x512xf32, #tpu.memory_space<hbm>> -> memref<16x512xf32, #tpu.memory_space<hbm>>
    tpu.enqueue_dma source(%dma_start3A_273 : memref<16x512xf32, #tpu.memory_space<hbm>>) target(%dma_start3A_270 : memref<16x512xf32, #tpu.memory_space<vmem>>) target_semaphore(%arg13 : memref<!tpu.dma_semaphore, #tpu.memory_space<semaphore_mem>>)
    %dma_start3A_274 = arith.constant 0 : i32
    %dma_start3A_275 = arith.constant 0 : i32
    %dma_start3A_276 = arith.constant 0 : i32
    %dma_start3A_277 = tpu.memref_slice %arg9[%dma_start3A_274, %dma_start3A_275, %dma_start3A_276] : memref<2x16x512xi32, #tpu.memory_space<vmem>> -> memref<1x16x512xi32, #tpu.memory_space<vmem>>
    %dma_start3A_278 = tpu.memref_squeeze %dma_start3A_277 : memref<1x16x512xi32, #tpu.memory_space<vmem>> -> memref<16x512xi32, #tpu.memory_space<vmem>>
    %dma_start3A_279 = arith.constant 0 : i32
    %dma_start3A_280 = tpu.memref_slice %arg4[%add3A, %add3A_243, %dma_start3A_279] : memref<8x512x512xi32, #tpu.memory_space<hbm>> -> memref<1x16x512xi32, #tpu.memory_space<hbm>>
    %dma_start3A_281 = tpu.memref_squeeze %dma_start3A_280 : memref<1x16x512xi32, #tpu.memory_space<hbm>> -> memref<16x512xi32, #tpu.memory_space<hbm>>
    %dma_start3A_282 = arith.constant 0 : i32
    %dma_start3A_283 = arith.constant 0 : i32
    %dma_start3A_284 = tpu.memref_slice %arg9[%dma_start3A_274, %dma_start3A_282, %dma_start3A_283] : memref<2x16x512xi32, #tpu.memory_space<vmem>> -> memref<1x16x512xi32, #tpu.memory_space<vmem>>
    %dma_start3A_285 = tpu.memref_squeeze %dma_start3A_284 : memref<1x16x512xi32, #tpu.memory_space<vmem>> -> memref<16x512xi32, #tpu.memory_space<vmem>>
    %dma_start3A_286 = arith.constant 0 : i32
    %dma_start3A_287 = tpu.memref_slice %arg4[%add3A, %add3A_243, %dma_start3A_286] : memref<8x512x512xi32, #tpu.memory_space<hbm>> -> memref<1x16x512xi32, #tpu.memory_space<hbm>>
    %dma_start3A_288 = tpu.memref_squeeze %dma_start3A_287 : memref<1x16x512xi32, #tpu.memory_space<hbm>> -> memref<16x512xi32, #tpu.memory_space<hbm>>
    tpu.enqueue_dma source(%dma_start3A_288 : memref<16x512xi32, #tpu.memory_space<hbm>>) target(%dma_start3A_285 : memref<16x512xi32, #tpu.memory_space<vmem>>) target_semaphore(%arg13 : memref<!tpu.dma_semaphore, #tpu.memory_space<semaphore_mem>>)
    %scan3A_289 = arith.constant 0 : i32
    %scan3A_290 = arith.constant 128 : i32
    %scan3A_291 = arith.addi %scan3A_289, %scan3A_290 : i32
    %scan3A_292 = arith.constant 1 : i32
    %scan3A_293:8 = scf.for %scan3A_478 = %scan3A_289 to %scan3A_291 step %scan3A_292 iter_args(%scan3A_479 = %scan3A_195#0, %scan3A_480 = %scan3A_195#1, %scan3A_481 = %scan3A_195#2, %scan3A_482 = %scan3A_195#3, %scan3A_483 = %scan3A_195#4, %scan3A_484 = %scan3A_195#5, %scan3A_485 = %scan3A_195#6, %scan3A_486 = %scan3A_195#7) -> (vector<16xf32>, vector<16xf32>, vector<16xf32>, vector<16xf32>, vector<16xf32>, vector<16xf32>, vector<16xf32>, vector<16xf32>)  : i32 {
      %jit3A_487 = arith.constant 8 : i32
      %div3A_488 = arith.divsi %scan3A_478, %jit3A_487 : i32
      %sign3A_489 = arith.constant 0 : i32
      %sign3A_490 = arith.cmpi sgt, %scan3A_478, %sign3A_489 : i32
      %sign3A_491 = arith.extui %sign3A_490 : i1 to i32
      %sign3A_492 = arith.constant 0 : i32
      %sign3A_493 = arith.cmpi slt, %scan3A_478, %sign3A_492 : i32
      %sign3A_494 = arith.extui %sign3A_493 : i1 to i32
      %sign3A_495 = arith.subi %sign3A_491, %sign3A_494 : i32
      %sign3A_496 = arith.constant 0 : i32
      %sign3A_497 = arith.cmpi sgt, %jit3A_487, %sign3A_496 : i32
      %sign3A_498 = arith.extui %sign3A_497 : i1 to i32
      %sign3A_499 = arith.constant 0 : i32
      %sign3A_500 = arith.cmpi slt, %jit3A_487, %sign3A_499 : i32
      %sign3A_501 = arith.extui %sign3A_500 : i1 to i32
      %sign3A_502 = arith.subi %sign3A_498, %sign3A_501 : i32
      %ne3A_503 = arith.cmpi ne, %sign3A_495, %sign3A_502 : i32
      %rem3A_504 = arith.remsi %scan3A_478, %jit3A_487 : i32
      %ne3A_505 = arith.constant 0 : i32
      %ne3A_506 = arith.cmpi ne, %rem3A_504, %ne3A_505 : i32
      %and3A_507 = arith.andi %ne3A_503, %ne3A_506 : i1
      %sub3A_508 = arith.constant 1 : i32
      %sub3A_509 = arith.subi %div3A_488, %sub3A_508 : i32
      %select_n3A_510 = arith.select %and3A_507, %sub3A_509, %div3A_488 : i32
      %jit3A_511 = arith.constant 8 : i32
      %eq3A_512 = arith.constant 0 : i32
      %eq3A_513 = arith.cmpi eq, %jit3A_511, %eq3A_512 : i32
      %jit3A_514 = arith.constant 1 : i32
      %select_n3A_515 = arith.select %eq3A_513, %jit3A_514, %jit3A_511 : i32
      %rem3A_516 = arith.remsi %scan3A_478, %select_n3A_515 : i32
      %ne3A_517 = arith.constant 0 : i32
      %ne3A_518 = arith.cmpi ne, %rem3A_516, %ne3A_517 : i32
      %lt3A_519 = arith.constant 0 : i32
      %lt3A_520 = arith.cmpi slt, %rem3A_516, %lt3A_519 : i32
      %lt3A_521 = arith.constant 0 : i32
      %lt3A_522 = arith.cmpi slt, %select_n3A_515, %lt3A_521 : i32
      %ne3A_523 = arith.xori %lt3A_520, %lt3A_522 : i1
      %and3A_524 = arith.andi %ne3A_523, %ne3A_518 : i1
      %add3A_525 = arith.addi %rem3A_516, %select_n3A_515 : i32
      %select_n3A_526 = arith.select %and3A_524, %add3A_525, %rem3A_516 : i32
      %mul3A_527 = arith.constant 64 : i32
      %mul3A_528 = arith.muli %select_n3A_526, %mul3A_527 : i32
      %add3A_529 = arith.constant 0 : i32
      %add3A_530 = arith.addi %mul3A_528, %add3A_529 : i32
      %get3A = arith.constant 1 : i32
      %get3A_531 = arith.index_cast %get3A : i32 to index
      %get3A_532 = arith.index_cast %select_n3A_510 : i32 to index
      %get3A_533 = arith.index_cast %add3A_530 : i32 to index
      %get3A_534 = tpu.vector_load %arg7[%get3A_531, %get3A_532, %get3A_533] {strides = array<i32>} : memref<2x16x512xf32, #tpu.memory_space<vmem>>, vector<16xf32>,
      %get3A_535 = arith.constant 1 : i32
      %get3A_536 = arith.index_cast %get3A_535 : i32 to index
      %get3A_537 = arith.index_cast %select_n3A_510 : i32 to index
      %get3A_538 = arith.index_cast %add3A_530 : i32 to index
      %get3A_539 = tpu.vector_load %arg8[%get3A_536, %get3A_537, %get3A_538] {strides = array<i32>} : memref<2x16x512xf32, #tpu.memory_space<vmem>>, vector<16xf32>,
      %get3A_540 = arith.constant 1 : i32
      %get3A_541 = arith.index_cast %get3A_540 : i32 to index
      %get3A_542 = arith.index_cast %select_n3A_510 : i32 to index
      %get3A_543 = arith.index_cast %add3A_530 : i32 to index
      %get3A_544 = tpu.vector_load %arg9[%get3A_541, %get3A_542, %get3A_543] {strides = array<i32>} : memref<2x16x512xi32, #tpu.memory_space<vmem>>, vector<16xi32>,
      %sub3A_545 = arith.subf %get3A_534, %get3A_539 : vector<16xf32>
      %mul3A_546 = arith.mulf %sub3A_545, %sub3A_545 : vector<16xf32>
      %reshape3A = vector.shape_cast %get3A_544 : vector<16xi32> to vector<16x1xi32>
      %gather3A = vector.shape_cast %reshape3A : vector<16x1xi32> to vector<16xi32>
      %gather3A_547 = tpu.dynamic_gather %select_n3A_42[%gather3A] in [0] : vector<16xf32>, vector<16xi32> -> vector<16xf32>
      %gather3A_548 = vector.shape_cast %reshape3A : vector<16x1xi32> to vector<16xi32>
      %gather3A_549 = tpu.dynamic_gather %select_n3A_46[%gather3A_548] in [0] : vector<16xf32>, vector<16xi32> -> vector<16xf32>
      %gather3A_550 = vector.shape_cast %reshape3A : vector<16x1xi32> to vector<16xi32>
      %gather3A_551 = tpu.dynamic_gather %select_n3A_50[%gather3A_550] in [0] : vector<16xf32>, vector<16xi32> -> vector<16xf32>
      %gather3A_552 = vector.shape_cast %reshape3A : vector<16x1xi32> to vector<16xi32>
      %gather3A_553 = tpu.dynamic_gather %select_n3A_54[%gather3A_552] in [0] : vector<16xf32>, vector<16xi32> -> vector<16xf32>
      %mul3A_554 = arith.mulf %mul3A_546, %gather3A_547 : vector<16xf32>
      %add3A_555 = arith.addf %scan3A_479, %mul3A_554 : vector<16xf32>
      %mul3A_556 = arith.mulf %mul3A_546, %gather3A_549 : vector<16xf32>
      %add3A_557 = arith.addf %scan3A_480, %mul3A_556 : vector<16xf32>
      %mul3A_558 = arith.mulf %mul3A_546, %gather3A_551 : vector<16xf32>
      %add3A_559 = arith.addf %scan3A_481, %mul3A_558 : vector<16xf32>
      %mul3A_560 = arith.mulf %mul3A_546, %gather3A_553 : vector<16xf32>
      %add3A_561 = arith.addf %scan3A_482, %mul3A_560 : vector<16xf32>
      %add3A_562 = arith.addf %scan3A_483, %gather3A_547 : vector<16xf32>
      %add3A_563 = arith.addf %scan3A_484, %gather3A_549 : vector<16xf32>
      %add3A_564 = arith.addf %scan3A_485, %gather3A_551 : vector<16xf32>
      %add3A_565 = arith.addf %scan3A_486, %gather3A_553 : vector<16xf32>
      %add3A_566 = arith.constant 16 : i32
      %add3A_567 = arith.addi %mul3A_528, %add3A_566 : i32
      %get3A_568 = arith.constant 1 : i32
      %get3A_569 = arith.index_cast %get3A_568 : i32 to index
      %get3A_570 = arith.index_cast %select_n3A_510 : i32 to index
      %get3A_571 = arith.index_cast %add3A_567 : i32 to index
      %get3A_572 = tpu.vector_load %arg7[%get3A_569, %get3A_570, %get3A_571] {strides = array<i32>} : memref<2x16x512xf32, #tpu.memory_space<vmem>>, vector<16xf32>,
      %get3A_573 = arith.constant 1 : i32
      %get3A_574 = arith.index_cast %get3A_573 : i32 to index
      %get3A_575 = arith.index_cast %select_n3A_510 : i32 to index
      %get3A_576 = arith.index_cast %add3A_567 : i32 to index
      %get3A_577 = tpu.vector_load %arg8[%get3A_574, %get3A_575, %get3A_576] {strides = array<i32>} : memref<2x16x512xf32, #tpu.memory_space<vmem>>, vector<16xf32>,
      %get3A_578 = arith.constant 1 : i32
      %get3A_579 = arith.index_cast %get3A_578 : i32 to index
      %get3A_580 = arith.index_cast %select_n3A_510 : i32 to index
      %get3A_581 = arith.index_cast %add3A_567 : i32 to index
      %get3A_582 = tpu.vector_load %arg9[%get3A_579, %get3A_580, %get3A_581] {strides = array<i32>} : memref<2x16x512xi32, #tpu.memory_space<vmem>>, vector<16xi32>,
      %sub3A_583 = arith.subf %get3A_572, %get3A_577 : vector<16xf32>
      %mul3A_584 = arith.mulf %sub3A_583, %sub3A_583 : vector<16xf32>
      %reshape3A_585 = vector.shape_cast %get3A_582 : vector<16xi32> to vector<16x1xi32>
      %gather3A_586 = vector.shape_cast %reshape3A_585 : vector<16x1xi32> to vector<16xi32>
      %gather3A_587 = tpu.dynamic_gather %select_n3A_42[%gather3A_586] in [0] : vector<16xf32>, vector<16xi32> -> vector<16xf32>
      %gather3A_588 = vector.shape_cast %reshape3A_585 : vector<16x1xi32> to vector<16xi32>
      %gather3A_589 = tpu.dynamic_gather %select_n3A_46[%gather3A_588] in [0] : vector<16xf32>, vector<16xi32> -> vector<16xf32>
      %gather3A_590 = vector.shape_cast %reshape3A_585 : vector<16x1xi32> to vector<16xi32>
      %gather3A_591 = tpu.dynamic_gather %select_n3A_50[%gather3A_590] in [0] : vector<16xf32>, vector<16xi32> -> vector<16xf32>
      %gather3A_592 = vector.shape_cast %reshape3A_585 : vector<16x1xi32> to vector<16xi32>
      %gather3A_593 = tpu.dynamic_gather %select_n3A_54[%gather3A_592] in [0] : vector<16xf32>, vector<16xi32> -> vector<16xf32>
      %mul3A_594 = arith.mulf %mul3A_584, %gather3A_587 : vector<16xf32>
      %add3A_595 = arith.addf %add3A_555, %mul3A_594 : vector<16xf32>
      %mul3A_596 = arith.mulf %mul3A_584, %gather3A_589 : vector<16xf32>
      %add3A_597 = arith.addf %add3A_557, %mul3A_596 : vector<16xf32>
      %mul3A_598 = arith.mulf %mul3A_584, %gather3A_591 : vector<16xf32>
      %add3A_599 = arith.addf %add3A_559, %mul3A_598 : vector<16xf32>
      %mul3A_600 = arith.mulf %mul3A_584, %gather3A_593 : vector<16xf32>
      %add3A_601 = arith.addf %add3A_561, %mul3A_600 : vector<16xf32>
      %add3A_602 = arith.addf %add3A_562, %gather3A_587 : vector<16xf32>
      %add3A_603 = arith.addf %add3A_563, %gather3A_589 : vector<16xf32>
      %add3A_604 = arith.addf %add3A_564, %gather3A_591 : vector<16xf32>
      %add3A_605 = arith.addf %add3A_565, %gather3A_593 : vector<16xf32>
      %add3A_606 = arith.constant 32 : i32
      %add3A_607 = arith.addi %mul3A_528, %add3A_606 : i32
      %get3A_608 = arith.constant 1 : i32
      %get3A_609 = arith.index_cast %get3A_608 : i32 to index
      %get3A_610 = arith.index_cast %select_n3A_510 : i32 to index
      %get3A_611 = arith.index_cast %add3A_607 : i32 to index
      %get3A_612 = tpu.vector_load %arg7[%get3A_609, %get3A_610, %get3A_611] {strides = array<i32>} : memref<2x16x512xf32, #tpu.memory_space<vmem>>, vector<16xf32>,
      %get3A_613 = arith.constant 1 : i32
      %get3A_614 = arith.index_cast %get3A_613 : i32 to index
      %get3A_615 = arith.index_cast %select_n3A_510 : i32 to index
      %get3A_616 = arith.index_cast %add3A_607 : i32 to index
      %get3A_617 = tpu.vector_load %arg8[%get3A_614, %get3A_615, %get3A_616] {strides = array<i32>} : memref<2x16x512xf32, #tpu.memory_space<vmem>>, vector<16xf32>,
      %get3A_618 = arith.constant 1 : i32
      %get3A_619 = arith.index_cast %get3A_618 : i32 to index
      %get3A_620 = arith.index_cast %select_n3A_510 : i32 to index
      %get3A_621 = arith.index_cast %add3A_607 : i32 to index
      %get3A_622 = tpu.vector_load %arg9[%get3A_619, %get3A_620, %get3A_621] {strides = array<i32>} : memref<2x16x512xi32, #tpu.memory_space<vmem>>, vector<16xi32>,
      %sub3A_623 = arith.subf %get3A_612, %get3A_617 : vector<16xf32>
      %mul3A_624 = arith.mulf %sub3A_623, %sub3A_623 : vector<16xf32>
      %reshape3A_625 = vector.shape_cast %get3A_622 : vector<16xi32> to vector<16x1xi32>
      %gather3A_626 = vector.shape_cast %reshape3A_625 : vector<16x1xi32> to vector<16xi32>
      %gather3A_627 = tpu.dynamic_gather %select_n3A_42[%gather3A_626] in [0] : vector<16xf32>, vector<16xi32> -> vector<16xf32>
      %gather3A_628 = vector.shape_cast %reshape3A_625 : vector<16x1xi32> to vector<16xi32>
      %gather3A_629 = tpu.dynamic_gather %select_n3A_46[%gather3A_628] in [0] : vector<16xf32>, vector<16xi32> -> vector<16xf32>
      %gather3A_630 = vector.shape_cast %reshape3A_625 : vector<16x1xi32> to vector<16xi32>
      %gather3A_631 = tpu.dynamic_gather %select_n3A_50[%gather3A_630] in [0] : vector<16xf32>, vector<16xi32> -> vector<16xf32>
      %gather3A_632 = vector.shape_cast %reshape3A_625 : vector<16x1xi32> to vector<16xi32>
      %gather3A_633 = tpu.dynamic_gather %select_n3A_54[%gather3A_632] in [0] : vector<16xf32>, vector<16xi32> -> vector<16xf32>
      %mul3A_634 = arith.mulf %mul3A_624, %gather3A_627 : vector<16xf32>
      %add3A_635 = arith.addf %add3A_595, %mul3A_634 : vector<16xf32>
      %mul3A_636 = arith.mulf %mul3A_624, %gather3A_629 : vector<16xf32>
      %add3A_637 = arith.addf %add3A_597, %mul3A_636 : vector<16xf32>
      %mul3A_638 = arith.mulf %mul3A_624, %gather3A_631 : vector<16xf32>
      %add3A_639 = arith.addf %add3A_599, %mul3A_638 : vector<16xf32>
      %mul3A_640 = arith.mulf %mul3A_624, %gather3A_633 : vector<16xf32>
      %add3A_641 = arith.addf %add3A_601, %mul3A_640 : vector<16xf32>
      %add3A_642 = arith.addf %add3A_602, %gather3A_627 : vector<16xf32>
      %add3A_643 = arith.addf %add3A_603, %gather3A_629 : vector<16xf32>
      %add3A_644 = arith.addf %add3A_604, %gather3A_631 : vector<16xf32>
      %add3A_645 = arith.addf %add3A_605, %gather3A_633 : vector<16xf32>
      %add3A_646 = arith.constant 48 : i32
      %add3A_647 = arith.addi %mul3A_528, %add3A_646 : i32
      %get3A_648 = arith.constant 1 : i32
      %get3A_649 = arith.index_cast %get3A_648 : i32 to index
      %get3A_650 = arith.index_cast %select_n3A_510 : i32 to index
      %get3A_651 = arith.index_cast %add3A_647 : i32 to index
      %get3A_652 = tpu.vector_load %arg7[%get3A_649, %get3A_650, %get3A_651] {strides = array<i32>} : memref<2x16x512xf32, #tpu.memory_space<vmem>>, vector<16xf32>,
      %get3A_653 = arith.constant 1 : i32
      %get3A_654 = arith.index_cast %get3A_653 : i32 to index
      %get3A_655 = arith.index_cast %select_n3A_510 : i32 to index
      %get3A_656 = arith.index_cast %add3A_647 : i32 to index
      %get3A_657 = tpu.vector_load %arg8[%get3A_654, %get3A_655, %get3A_656] {strides = array<i32>} : memref<2x16x512xf32, #tpu.memory_space<vmem>>, vector<16xf32>,
      %get3A_658 = arith.constant 1 : i32
      %get3A_659 = arith.index_cast %get3A_658 : i32 to index
      %get3A_660 = arith.index_cast %select_n3A_510 : i32 to index
      %get3A_661 = arith.index_cast %add3A_647 : i32 to index
      %get3A_662 = tpu.vector_load %arg9[%get3A_659, %get3A_660, %get3A_661] {strides = array<i32>} : memref<2x16x512xi32, #tpu.memory_space<vmem>>, vector<16xi32>,
      %sub3A_663 = arith.subf %get3A_652, %get3A_657 : vector<16xf32>
      %mul3A_664 = arith.mulf %sub3A_663, %sub3A_663 : vector<16xf32>
      %reshape3A_665 = vector.shape_cast %get3A_662 : vector<16xi32> to vector<16x1xi32>
      %gather3A_666 = vector.shape_cast %reshape3A_665 : vector<16x1xi32> to vector<16xi32>
      %gather3A_667 = tpu.dynamic_gather %select_n3A_42[%gather3A_666] in [0] : vector<16xf32>, vector<16xi32> -> vector<16xf32>
      %gather3A_668 = vector.shape_cast %reshape3A_665 : vector<16x1xi32> to vector<16xi32>
      %gather3A_669 = tpu.dynamic_gather %select_n3A_46[%gather3A_668] in [0] : vector<16xf32>, vector<16xi32> -> vector<16xf32>
      %gather3A_670 = vector.shape_cast %reshape3A_665 : vector<16x1xi32> to vector<16xi32>
      %gather3A_671 = tpu.dynamic_gather %select_n3A_50[%gather3A_670] in [0] : vector<16xf32>, vector<16xi32> -> vector<16xf32>
      %gather3A_672 = vector.shape_cast %reshape3A_665 : vector<16x1xi32> to vector<16xi32>
      %gather3A_673 = tpu.dynamic_gather %select_n3A_54[%gather3A_672] in [0] : vector<16xf32>, vector<16xi32> -> vector<16xf32>
      %mul3A_674 = arith.mulf %mul3A_664, %gather3A_667 : vector<16xf32>
      %add3A_675 = arith.addf %add3A_635, %mul3A_674 : vector<16xf32>
      %mul3A_676 = arith.mulf %mul3A_664, %gather3A_669 : vector<16xf32>
      %add3A_677 = arith.addf %add3A_637, %mul3A_676 : vector<16xf32>
      %mul3A_678 = arith.mulf %mul3A_664, %gather3A_671 : vector<16xf32>
      %add3A_679 = arith.addf %add3A_639, %mul3A_678 : vector<16xf32>
      %mul3A_680 = arith.mulf %mul3A_664, %gather3A_673 : vector<16xf32>
      %add3A_681 = arith.addf %add3A_641, %mul3A_680 : vector<16xf32>
      %add3A_682 = arith.addf %add3A_642, %gather3A_667 : vector<16xf32>
      %add3A_683 = arith.addf %add3A_643, %gather3A_669 : vector<16xf32>
      %add3A_684 = arith.addf %add3A_644, %gather3A_671 : vector<16xf32>
      %add3A_685 = arith.addf %add3A_645, %gather3A_673 : vector<16xf32>
      scf.yield %add3A_675, %add3A_677, %add3A_679, %add3A_681, %add3A_682, %add3A_683, %add3A_684, %add3A_685 : vector<16xf32>, vector<16xf32>, vector<16xf32>, vector<16xf32>, vector<16xf32>, vector<16xf32>, vector<16xf32>, vector<16xf32>
    }
    %scan3A_294 = arith.constant 128 : i32
    %dma_wait3A_295 = arith.constant 0 : i32
    %dma_wait3A_296 = arith.constant 0 : i32
    %dma_wait3A_297 = arith.constant 0 : i32
    %dma_wait3A_298 = tpu.memref_slice %arg7[%dma_wait3A_295, %dma_wait3A_296, %dma_wait3A_297] : memref<2x16x512xf32, #tpu.memory_space<vmem>> -> memref<1x16x512xf32, #tpu.memory_space<vmem>>
    %dma_wait3A_299 = tpu.memref_squeeze %dma_wait3A_298 : memref<1x16x512xf32, #tpu.memory_space<vmem>> -> memref<16x512xf32, #tpu.memory_space<vmem>>
    %dma_wait3A_300 = arith.constant 0 : i32
    %dma_wait3A_301 = tpu.memref_slice %arg2[%add3A, %add3A_243, %dma_wait3A_300] : memref<8x512x512xf32, #tpu.memory_space<hbm>> -> memref<1x16x512xf32, #tpu.memory_space<hbm>>
    %dma_wait3A_302 = tpu.memref_squeeze %dma_wait3A_301 : memref<1x16x512xf32, #tpu.memory_space<hbm>> -> memref<16x512xf32, #tpu.memory_space<hbm>>
    %dma_wait3A_303 = arith.constant 0 : i32
    %dma_wait3A_304 = arith.constant 0 : i32
    %dma_wait3A_305 = tpu.memref_slice %arg7[%dma_wait3A_295, %dma_wait3A_303, %dma_wait3A_304] : memref<2x16x512xf32, #tpu.memory_space<vmem>> -> memref<1x16x512xf32, #tpu.memory_space<vmem>>
    %dma_wait3A_306 = tpu.memref_squeeze %dma_wait3A_305 : memref<1x16x512xf32, #tpu.memory_space<vmem>> -> memref<16x512xf32, #tpu.memory_space<vmem>>
    %dma_wait3A_307 = arith.constant 0 : i32
    %dma_wait3A_308 = tpu.memref_slice %arg2[%add3A, %add3A_243, %dma_wait3A_307] : memref<8x512x512xf32, #tpu.memory_space<hbm>> -> memref<1x16x512xf32, #tpu.memory_space<hbm>>
    %dma_wait3A_309 = tpu.memref_squeeze %dma_wait3A_308 : memref<1x16x512xf32, #tpu.memory_space<hbm>> -> memref<16x512xf32, #tpu.memory_space<hbm>>
    tpu.wait_dma2 semaphore(%arg13 : memref<!tpu.dma_semaphore, #tpu.memory_space<semaphore_mem>>) src(%dma_wait3A_309 : memref<16x512xf32, #tpu.memory_space<hbm>>) dst(%dma_wait3A_306 : memref<16x512xf32, #tpu.memory_space<vmem>>)
    %dma_wait3A_310 = arith.constant 0 : i32
    %dma_wait3A_311 = arith.constant 0 : i32
    %dma_wait3A_312 = arith.constant 0 : i32
    %dma_wait3A_313 = tpu.memref_slice %arg8[%dma_wait3A_310, %dma_wait3A_311, %dma_wait3A_312] : memref<2x16x512xf32, #tpu.memory_space<vmem>> -> memref<1x16x512xf32, #tpu.memory_space<vmem>>
    %dma_wait3A_314 = tpu.memref_squeeze %dma_wait3A_313 : memref<1x16x512xf32, #tpu.memory_space<vmem>> -> memref<16x512xf32, #tpu.memory_space<vmem>>
    %dma_wait3A_315 = arith.constant 0 : i32
    %dma_wait3A_316 = tpu.memref_slice %arg3[%add3A, %add3A_243, %dma_wait3A_315] : memref<8x512x512xf32, #tpu.memory_space<hbm>> -> memref<1x16x512xf32, #tpu.memory_space<hbm>>
    %dma_wait3A_317 = tpu.memref_squeeze %dma_wait3A_316 : memref<1x16x512xf32, #tpu.memory_space<hbm>> -> memref<16x512xf32, #tpu.memory_space<hbm>>
    %dma_wait3A_318 = arith.constant 0 : i32
    %dma_wait3A_319 = arith.constant 0 : i32
    %dma_wait3A_320 = tpu.memref_slice %arg8[%dma_wait3A_310, %dma_wait3A_318, %dma_wait3A_319] : memref<2x16x512xf32, #tpu.memory_space<vmem>> -> memref<1x16x512xf32, #tpu.memory_space<vmem>>
    %dma_wait3A_321 = tpu.memref_squeeze %dma_wait3A_320 : memref<1x16x512xf32, #tpu.memory_space<vmem>> -> memref<16x512xf32, #tpu.memory_space<vmem>>
    %dma_wait3A_322 = arith.constant 0 : i32
    %dma_wait3A_323 = tpu.memref_slice %arg3[%add3A, %add3A_243, %dma_wait3A_322] : memref<8x512x512xf32, #tpu.memory_space<hbm>> -> memref<1x16x512xf32, #tpu.memory_space<hbm>>
    %dma_wait3A_324 = tpu.memref_squeeze %dma_wait3A_323 : memref<1x16x512xf32, #tpu.memory_space<hbm>> -> memref<16x512xf32, #tpu.memory_space<hbm>>
    tpu.wait_dma2 semaphore(%arg13 : memref<!tpu.dma_semaphore, #tpu.memory_space<semaphore_mem>>) src(%dma_wait3A_324 : memref<16x512xf32, #tpu.memory_space<hbm>>) dst(%dma_wait3A_321 : memref<16x512xf32, #tpu.memory_space<vmem>>)
    %dma_wait3A_325 = arith.constant 0 : i32
    %dma_wait3A_326 = arith.constant 0 : i32
    %dma_wait3A_327 = arith.constant 0 : i32
    %dma_wait3A_328 = tpu.memref_slice %arg9[%dma_wait3A_325, %dma_wait3A_326, %dma_wait3A_327] : memref<2x16x512xi32, #tpu.memory_space<vmem>> -> memref<1x16x512xi32, #tpu.memory_space<vmem>>
    %dma_wait3A_329 = tpu.memref_squeeze %dma_wait3A_328 : memref<1x16x512xi32, #tpu.memory_space<vmem>> -> memref<16x512xi32, #tpu.memory_space<vmem>>
    %dma_wait3A_330 = arith.constant 0 : i32
    %dma_wait3A_331 = tpu.memref_slice %arg4[%add3A, %add3A_243, %dma_wait3A_330] : memref<8x512x512xi32, #tpu.memory_space<hbm>> -> memref<1x16x512xi32, #tpu.memory_space<hbm>>
    %dma_wait3A_332 = tpu.memref_squeeze %dma_wait3A_331 : memref<1x16x512xi32, #tpu.memory_space<hbm>> -> memref<16x512xi32, #tpu.memory_space<hbm>>
    %dma_wait3A_333 = arith.constant 0 : i32
    %dma_wait3A_334 = arith.constant 0 : i32
    %dma_wait3A_335 = tpu.memref_slice %arg9[%dma_wait3A_325, %dma_wait3A_333, %dma_wait3A_334] : memref<2x16x512xi32, #tpu.memory_space<vmem>> -> memref<1x16x512xi32, #tpu.memory_space<vmem>>
    %dma_wait3A_336 = tpu.memref_squeeze %dma_wait3A_335 : memref<1x16x512xi32, #tpu.memory_space<vmem>> -> memref<16x512xi32, #tpu.memory_space<vmem>>
    %dma_wait3A_337 = arith.constant 0 : i32
    %dma_wait3A_338 = tpu.memref_slice %arg4[%add3A, %add3A_243, %dma_wait3A_337] : memref<8x512x512xi32, #tpu.memory_space<hbm>> -> memref<1x16x512xi32, #tpu.memory_space<hbm>>
    %dma_wait3A_339 = tpu.memref_squeeze %dma_wait3A_338 : memref<1x16x512xi32, #tpu.memory_space<hbm>> -> memref<16x512xi32, #tpu.memory_space<hbm>>
    tpu.wait_dma2 semaphore(%arg13 : memref<!tpu.dma_semaphore, #tpu.memory_space<semaphore_mem>>) src(%dma_wait3A_339 : memref<16x512xi32, #tpu.memory_space<hbm>>) dst(%dma_wait3A_336 : memref<16x512xi32, #tpu.memory_space<vmem>>)
    %add3A_340 = arith.constant 48 : i32
    %add3A_341 = arith.addi %mul3A_32, %add3A_340 : i32
    %dma_start3A_342 = arith.constant 1 : i32
    %dma_start3A_343 = arith.constant 0 : i32
    %dma_start3A_344 = arith.constant 0 : i32
    %dma_start3A_345 = tpu.memref_slice %arg7[%dma_start3A_342, %dma_start3A_343, %dma_start3A_344] : memref<2x16x512xf32, #tpu.memory_space<vmem>> -> memref<1x16x512xf32, #tpu.memory_space<vmem>>
    %dma_start3A_346 = tpu.memref_squeeze %dma_start3A_345 : memref<1x16x512xf32, #tpu.memory_space<vmem>> -> memref<16x512xf32, #tpu.memory_space<vmem>>
    %dma_start3A_347 = arith.constant 0 : i32
    %dma_start3A_348 = tpu.memref_slice %arg2[%add3A, %add3A_341, %dma_start3A_347] : memref<8x512x512xf32, #tpu.memory_space<hbm>> -> memref<1x16x512xf32, #tpu.memory_space<hbm>>
    %dma_start3A_349 = tpu.memref_squeeze %dma_start3A_348 : memref<1x16x512xf32, #tpu.memory_space<hbm>> -> memref<16x512xf32, #tpu.memory_space<hbm>>
    %dma_start3A_350 = arith.constant 0 : i32
    %dma_start3A_351 = arith.constant 0 : i32
    %dma_start3A_352 = tpu.memref_slice %arg7[%dma_start3A_342, %dma_start3A_350, %dma_start3A_351] : memref<2x16x512xf32, #tpu.memory_space<vmem>> -> memref<1x16x512xf32, #tpu.memory_space<vmem>>
    %dma_start3A_353 = tpu.memref_squeeze %dma_start3A_352 : memref<1x16x512xf32, #tpu.memory_space<vmem>> -> memref<16x512xf32, #tpu.memory_space<vmem>>
    %dma_start3A_354 = arith.constant 0 : i32
    %dma_start3A_355 = tpu.memref_slice %arg2[%add3A, %add3A_341, %dma_start3A_354] : memref<8x512x512xf32, #tpu.memory_space<hbm>> -> memref<1x16x512xf32, #tpu.memory_space<hbm>>
    %dma_start3A_356 = tpu.memref_squeeze %dma_start3A_355 : memref<1x16x512xf32, #tpu.memory_space<hbm>> -> memref<16x512xf32, #tpu.memory_space<hbm>>
    tpu.enqueue_dma source(%dma_start3A_356 : memref<16x512xf32, #tpu.memory_space<hbm>>) target(%dma_start3A_353 : memref<16x512xf32, #tpu.memory_space<vmem>>) target_semaphore(%arg14 : memref<!tpu.dma_semaphore, #tpu.memory_space<semaphore_mem>>)
    %dma_start3A_357 = arith.constant 1 : i32
    %dma_start3A_358 = arith.constant 0 : i32
    %dma_start3A_359 = arith.constant 0 : i32
    %dma_start3A_360 = tpu.memref_slice %arg8[%dma_start3A_357, %dma_start3A_358, %dma_start3A_359] : memref<2x16x512xf32, #tpu.memory_space<vmem>> -> memref<1x16x512xf32, #tpu.memory_space<vmem>>
    %dma_start3A_361 = tpu.memref_squeeze %dma_start3A_360 : memref<1x16x512xf32, #tpu.memory_space<vmem>> -> memref<16x512xf32, #tpu.memory_space<vmem>>
    %dma_start3A_362 = arith.constant 0 : i32
    %dma_start3A_363 = tpu.memref_slice %arg3[%add3A, %add3A_341, %dma_start3A_362] : memref<8x512x512xf32, #tpu.memory_space<hbm>> -> memref<1x16x512xf32, #tpu.memory_space<hbm>>
    %dma_start3A_364 = tpu.memref_squeeze %dma_start3A_363 : memref<1x16x512xf32, #tpu.memory_space<hbm>> -> memref<16x512xf32, #tpu.memory_space<hbm>>
    %dma_start3A_365 = arith.constant 0 : i32
    %dma_start3A_366 = arith.constant 0 : i32
    %dma_start3A_367 = tpu.memref_slice %arg8[%dma_start3A_357, %dma_start3A_365, %dma_start3A_366] : memref<2x16x512xf32, #tpu.memory_space<vmem>> -> memref<1x16x512xf32, #tpu.memory_space<vmem>>
    %dma_start3A_368 = tpu.memref_squeeze %dma_start3A_367 : memref<1x16x512xf32, #tpu.memory_space<vmem>> -> memref<16x512xf32, #tpu.memory_space<vmem>>
    %dma_start3A_369 = arith.constant 0 : i32
    %dma_start3A_370 = tpu.memref_slice %arg3[%add3A, %add3A_341, %dma_start3A_369] : memref<8x512x512xf32, #tpu.memory_space<hbm>> -> memref<1x16x512xf32, #tpu.memory_space<hbm>>
    %dma_start3A_371 = tpu.memref_squeeze %dma_start3A_370 : memref<1x16x512xf32, #tpu.memory_space<hbm>> -> memref<16x512xf32, #tpu.memory_space<hbm>>
    tpu.enqueue_dma source(%dma_start3A_371 : memref<16x512xf32, #tpu.memory_space<hbm>>) target(%dma_start3A_368 : memref<16x512xf32, #tpu.memory_space<vmem>>) target_semaphore(%arg14 : memref<!tpu.dma_semaphore, #tpu.memory_space<semaphore_mem>>)
    %dma_start3A_372 = arith.constant 1 : i32
    %dma_start3A_373 = arith.constant 0 : i32
    %dma_start3A_374 = arith.constant 0 : i32
    %dma_start3A_375 = tpu.memref_slice %arg9[%dma_start3A_372, %dma_start3A_373, %dma_start3A_374] : memref<2x16x512xi32, #tpu.memory_space<vmem>> -> memref<1x16x512xi32, #tpu.memory_space<vmem>>
    %dma_start3A_376 = tpu.memref_squeeze %dma_start3A_375 : memref<1x16x512xi32, #tpu.memory_space<vmem>> -> memref<16x512xi32, #tpu.memory_space<vmem>>
    %dma_start3A_377 = arith.constant 0 : i32
    %dma_start3A_378 = tpu.memref_slice %arg4[%add3A, %add3A_341, %dma_start3A_377] : memref<8x512x512xi32, #tpu.memory_space<hbm>> -> memref<1x16x512xi32, #tpu.memory_space<hbm>>
    %dma_start3A_379 = tpu.memref_squeeze %dma_start3A_378 : memref<1x16x512xi32, #tpu.memory_space<hbm>> -> memref<16x512xi32, #tpu.memory_space<hbm>>
    %dma_start3A_380 = arith.constant 0 : i32
    %dma_start3A_381 = arith.constant 0 : i32
    %dma_start3A_382 = tpu.memref_slice %arg9[%dma_start3A_372, %dma_start3A_380, %dma_start3A_381] : memref<2x16x512xi32, #tpu.memory_space<vmem>> -> memref<1x16x512xi32, #tpu.memory_space<vmem>>
    %dma_start3A_383 = tpu.memref_squeeze %dma_start3A_382 : memref<1x16x512xi32, #tpu.memory_space<vmem>> -> memref<16x512xi32, #tpu.memory_space<vmem>>
    %dma_start3A_384 = arith.constant 0 : i32
    %dma_start3A_385 = tpu.memref_slice %arg4[%add3A, %add3A_341, %dma_start3A_384] : memref<8x512x512xi32, #tpu.memory_space<hbm>> -> memref<1x16x512xi32, #tpu.memory_space<hbm>>
    %dma_start3A_386 = tpu.memref_squeeze %dma_start3A_385 : memref<1x16x512xi32, #tpu.memory_space<hbm>> -> memref<16x512xi32, #tpu.memory_space<hbm>>
    tpu.enqueue_dma source(%dma_start3A_386 : memref<16x512xi32, #tpu.memory_space<hbm>>) target(%dma_start3A_383 : memref<16x512xi32, #tpu.memory_space<vmem>>) target_semaphore(%arg14 : memref<!tpu.dma_semaphore, #tpu.memory_space<semaphore_mem>>)
    %scan3A_387 = arith.constant 0 : i32
    %scan3A_388 = arith.constant 128 : i32
    %scan3A_389 = arith.addi %scan3A_387, %scan3A_388 : i32
    %scan3A_390 = arith.constant 1 : i32
    %scan3A_391:8 = scf.for %scan3A_478 = %scan3A_387 to %scan3A_389 step %scan3A_390 iter_args(%scan3A_479 = %scan3A_293#0, %scan3A_480 = %scan3A_293#1, %scan3A_481 = %scan3A_293#2, %scan3A_482 = %scan3A_293#3, %scan3A_483 = %scan3A_293#4, %scan3A_484 = %scan3A_293#5, %scan3A_485 = %scan3A_293#6, %scan3A_486 = %scan3A_293#7) -> (vector<16xf32>, vector<16xf32>, vector<16xf32>, vector<16xf32>, vector<16xf32>, vector<16xf32>, vector<16xf32>, vector<16xf32>)  : i32 {
      %jit3A_487 = arith.constant 8 : i32
      %div3A_488 = arith.divsi %scan3A_478, %jit3A_487 : i32
      %sign3A_489 = arith.constant 0 : i32
      %sign3A_490 = arith.cmpi sgt, %scan3A_478, %sign3A_489 : i32
      %sign3A_491 = arith.extui %sign3A_490 : i1 to i32
      %sign3A_492 = arith.constant 0 : i32
      %sign3A_493 = arith.cmpi slt, %scan3A_478, %sign3A_492 : i32
      %sign3A_494 = arith.extui %sign3A_493 : i1 to i32
      %sign3A_495 = arith.subi %sign3A_491, %sign3A_494 : i32
      %sign3A_496 = arith.constant 0 : i32
      %sign3A_497 = arith.cmpi sgt, %jit3A_487, %sign3A_496 : i32
      %sign3A_498 = arith.extui %sign3A_497 : i1 to i32
      %sign3A_499 = arith.constant 0 : i32
      %sign3A_500 = arith.cmpi slt, %jit3A_487, %sign3A_499 : i32
      %sign3A_501 = arith.extui %sign3A_500 : i1 to i32
      %sign3A_502 = arith.subi %sign3A_498, %sign3A_501 : i32
      %ne3A_503 = arith.cmpi ne, %sign3A_495, %sign3A_502 : i32
      %rem3A_504 = arith.remsi %scan3A_478, %jit3A_487 : i32
      %ne3A_505 = arith.constant 0 : i32
      %ne3A_506 = arith.cmpi ne, %rem3A_504, %ne3A_505 : i32
      %and3A_507 = arith.andi %ne3A_503, %ne3A_506 : i1
      %sub3A_508 = arith.constant 1 : i32
      %sub3A_509 = arith.subi %div3A_488, %sub3A_508 : i32
      %select_n3A_510 = arith.select %and3A_507, %sub3A_509, %div3A_488 : i32
      %jit3A_511 = arith.constant 8 : i32
      %eq3A_512 = arith.constant 0 : i32
      %eq3A_513 = arith.cmpi eq, %jit3A_511, %eq3A_512 : i32
      %jit3A_514 = arith.constant 1 : i32
      %select_n3A_515 = arith.select %eq3A_513, %jit3A_514, %jit3A_511 : i32
      %rem3A_516 = arith.remsi %scan3A_478, %select_n3A_515 : i32
      %ne3A_517 = arith.constant 0 : i32
      %ne3A_518 = arith.cmpi ne, %rem3A_516, %ne3A_517 : i32
      %lt3A_519 = arith.constant 0 : i32
      %lt3A_520 = arith.cmpi slt, %rem3A_516, %lt3A_519 : i32
      %lt3A_521 = arith.constant 0 : i32
      %lt3A_522 = arith.cmpi slt, %select_n3A_515, %lt3A_521 : i32
      %ne3A_523 = arith.xori %lt3A_520, %lt3A_522 : i1
      %and3A_524 = arith.andi %ne3A_523, %ne3A_518 : i1
      %add3A_525 = arith.addi %rem3A_516, %select_n3A_515 : i32
      %select_n3A_526 = arith.select %and3A_524, %add3A_525, %rem3A_516 : i32
      %mul3A_527 = arith.constant 64 : i32
      %mul3A_528 = arith.muli %select_n3A_526, %mul3A_527 : i32
      %add3A_529 = arith.constant 0 : i32
      %add3A_530 = arith.addi %mul3A_528, %add3A_529 : i32
      %get3A = arith.constant 0 : i32
      %get3A_531 = arith.index_cast %get3A : i32 to index
      %get3A_532 = arith.index_cast %select_n3A_510 : i32 to index
      %get3A_533 = arith.index_cast %add3A_530 : i32 to index
      %get3A_534 = tpu.vector_load %arg7[%get3A_531, %get3A_532, %get3A_533] {strides = array<i32>} : memref<2x16x512xf32, #tpu.memory_space<vmem>>, vector<16xf32>,
      %get3A_535 = arith.constant 0 : i32
      %get3A_536 = arith.index_cast %get3A_535 : i32 to index
      %get3A_537 = arith.index_cast %select_n3A_510 : i32 to index
      %get3A_538 = arith.index_cast %add3A_530 : i32 to index
      %get3A_539 = tpu.vector_load %arg8[%get3A_536, %get3A_537, %get3A_538] {strides = array<i32>} : memref<2x16x512xf32, #tpu.memory_space<vmem>>, vector<16xf32>,
      %get3A_540 = arith.constant 0 : i32
      %get3A_541 = arith.index_cast %get3A_540 : i32 to index
      %get3A_542 = arith.index_cast %select_n3A_510 : i32 to index
      %get3A_543 = arith.index_cast %add3A_530 : i32 to index
      %get3A_544 = tpu.vector_load %arg9[%get3A_541, %get3A_542, %get3A_543] {strides = array<i32>} : memref<2x16x512xi32, #tpu.memory_space<vmem>>, vector<16xi32>,
      %sub3A_545 = arith.subf %get3A_534, %get3A_539 : vector<16xf32>
      %mul3A_546 = arith.mulf %sub3A_545, %sub3A_545 : vector<16xf32>
      %reshape3A = vector.shape_cast %get3A_544 : vector<16xi32> to vector<16x1xi32>
      %gather3A = vector.shape_cast %reshape3A : vector<16x1xi32> to vector<16xi32>
      %gather3A_547 = tpu.dynamic_gather %select_n3A_42[%gather3A] in [0] : vector<16xf32>, vector<16xi32> -> vector<16xf32>
      %gather3A_548 = vector.shape_cast %reshape3A : vector<16x1xi32> to vector<16xi32>
      %gather3A_549 = tpu.dynamic_gather %select_n3A_46[%gather3A_548] in [0] : vector<16xf32>, vector<16xi32> -> vector<16xf32>
      %gather3A_550 = vector.shape_cast %reshape3A : vector<16x1xi32> to vector<16xi32>
      %gather3A_551 = tpu.dynamic_gather %select_n3A_50[%gather3A_550] in [0] : vector<16xf32>, vector<16xi32> -> vector<16xf32>
      %gather3A_552 = vector.shape_cast %reshape3A : vector<16x1xi32> to vector<16xi32>
      %gather3A_553 = tpu.dynamic_gather %select_n3A_54[%gather3A_552] in [0] : vector<16xf32>, vector<16xi32> -> vector<16xf32>
      %mul3A_554 = arith.mulf %mul3A_546, %gather3A_547 : vector<16xf32>
      %add3A_555 = arith.addf %scan3A_479, %mul3A_554 : vector<16xf32>
      %mul3A_556 = arith.mulf %mul3A_546, %gather3A_549 : vector<16xf32>
      %add3A_557 = arith.addf %scan3A_480, %mul3A_556 : vector<16xf32>
      %mul3A_558 = arith.mulf %mul3A_546, %gather3A_551 : vector<16xf32>
      %add3A_559 = arith.addf %scan3A_481, %mul3A_558 : vector<16xf32>
      %mul3A_560 = arith.mulf %mul3A_546, %gather3A_553 : vector<16xf32>
      %add3A_561 = arith.addf %scan3A_482, %mul3A_560 : vector<16xf32>
      %add3A_562 = arith.addf %scan3A_483, %gather3A_547 : vector<16xf32>
      %add3A_563 = arith.addf %scan3A_484, %gather3A_549 : vector<16xf32>
      %add3A_564 = arith.addf %scan3A_485, %gather3A_551 : vector<16xf32>
      %add3A_565 = arith.addf %scan3A_486, %gather3A_553 : vector<16xf32>
      %add3A_566 = arith.constant 16 : i32
      %add3A_567 = arith.addi %mul3A_528, %add3A_566 : i32
      %get3A_568 = arith.constant 0 : i32
      %get3A_569 = arith.index_cast %get3A_568 : i32 to index
      %get3A_570 = arith.index_cast %select_n3A_510 : i32 to index
      %get3A_571 = arith.index_cast %add3A_567 : i32 to index
      %get3A_572 = tpu.vector_load %arg7[%get3A_569, %get3A_570, %get3A_571] {strides = array<i32>} : memref<2x16x512xf32, #tpu.memory_space<vmem>>, vector<16xf32>,
      %get3A_573 = arith.constant 0 : i32
      %get3A_574 = arith.index_cast %get3A_573 : i32 to index
      %get3A_575 = arith.index_cast %select_n3A_510 : i32 to index
      %get3A_576 = arith.index_cast %add3A_567 : i32 to index
      %get3A_577 = tpu.vector_load %arg8[%get3A_574, %get3A_575, %get3A_576] {strides = array<i32>} : memref<2x16x512xf32, #tpu.memory_space<vmem>>, vector<16xf32>,
      %get3A_578 = arith.constant 0 : i32
      %get3A_579 = arith.index_cast %get3A_578 : i32 to index
      %get3A_580 = arith.index_cast %select_n3A_510 : i32 to index
      %get3A_581 = arith.index_cast %add3A_567 : i32 to index
      %get3A_582 = tpu.vector_load %arg9[%get3A_579, %get3A_580, %get3A_581] {strides = array<i32>} : memref<2x16x512xi32, #tpu.memory_space<vmem>>, vector<16xi32>,
      %sub3A_583 = arith.subf %get3A_572, %get3A_577 : vector<16xf32>
      %mul3A_584 = arith.mulf %sub3A_583, %sub3A_583 : vector<16xf32>
      %reshape3A_585 = vector.shape_cast %get3A_582 : vector<16xi32> to vector<16x1xi32>
      %gather3A_586 = vector.shape_cast %reshape3A_585 : vector<16x1xi32> to vector<16xi32>
      %gather3A_587 = tpu.dynamic_gather %select_n3A_42[%gather3A_586] in [0] : vector<16xf32>, vector<16xi32> -> vector<16xf32>
      %gather3A_588 = vector.shape_cast %reshape3A_585 : vector<16x1xi32> to vector<16xi32>
      %gather3A_589 = tpu.dynamic_gather %select_n3A_46[%gather3A_588] in [0] : vector<16xf32>, vector<16xi32> -> vector<16xf32>
      %gather3A_590 = vector.shape_cast %reshape3A_585 : vector<16x1xi32> to vector<16xi32>
      %gather3A_591 = tpu.dynamic_gather %select_n3A_50[%gather3A_590] in [0] : vector<16xf32>, vector<16xi32> -> vector<16xf32>
      %gather3A_592 = vector.shape_cast %reshape3A_585 : vector<16x1xi32> to vector<16xi32>
      %gather3A_593 = tpu.dynamic_gather %select_n3A_54[%gather3A_592] in [0] : vector<16xf32>, vector<16xi32> -> vector<16xf32>
      %mul3A_594 = arith.mulf %mul3A_584, %gather3A_587 : vector<16xf32>
      %add3A_595 = arith.addf %add3A_555, %mul3A_594 : vector<16xf32>
      %mul3A_596 = arith.mulf %mul3A_584, %gather3A_589 : vector<16xf32>
      %add3A_597 = arith.addf %add3A_557, %mul3A_596 : vector<16xf32>
      %mul3A_598 = arith.mulf %mul3A_584, %gather3A_591 : vector<16xf32>
      %add3A_599 = arith.addf %add3A_559, %mul3A_598 : vector<16xf32>
      %mul3A_600 = arith.mulf %mul3A_584, %gather3A_593 : vector<16xf32>
      %add3A_601 = arith.addf %add3A_561, %mul3A_600 : vector<16xf32>
      %add3A_602 = arith.addf %add3A_562, %gather3A_587 : vector<16xf32>
      %add3A_603 = arith.addf %add3A_563, %gather3A_589 : vector<16xf32>
      %add3A_604 = arith.addf %add3A_564, %gather3A_591 : vector<16xf32>
      %add3A_605 = arith.addf %add3A_565, %gather3A_593 : vector<16xf32>
      %add3A_606 = arith.constant 32 : i32
      %add3A_607 = arith.addi %mul3A_528, %add3A_606 : i32
      %get3A_608 = arith.constant 0 : i32
      %get3A_609 = arith.index_cast %get3A_608 : i32 to index
      %get3A_610 = arith.index_cast %select_n3A_510 : i32 to index
      %get3A_611 = arith.index_cast %add3A_607 : i32 to index
      %get3A_612 = tpu.vector_load %arg7[%get3A_609, %get3A_610, %get3A_611] {strides = array<i32>} : memref<2x16x512xf32, #tpu.memory_space<vmem>>, vector<16xf32>,
      %get3A_613 = arith.constant 0 : i32
      %get3A_614 = arith.index_cast %get3A_613 : i32 to index
      %get3A_615 = arith.index_cast %select_n3A_510 : i32 to index
      %get3A_616 = arith.index_cast %add3A_607 : i32 to index
      %get3A_617 = tpu.vector_load %arg8[%get3A_614, %get3A_615, %get3A_616] {strides = array<i32>} : memref<2x16x512xf32, #tpu.memory_space<vmem>>, vector<16xf32>,
      %get3A_618 = arith.constant 0 : i32
      %get3A_619 = arith.index_cast %get3A_618 : i32 to index
      %get3A_620 = arith.index_cast %select_n3A_510 : i32 to index
      %get3A_621 = arith.index_cast %add3A_607 : i32 to index
      %get3A_622 = tpu.vector_load %arg9[%get3A_619, %get3A_620, %get3A_621] {strides = array<i32>} : memref<2x16x512xi32, #tpu.memory_space<vmem>>, vector<16xi32>,
      %sub3A_623 = arith.subf %get3A_612, %get3A_617 : vector<16xf32>
      %mul3A_624 = arith.mulf %sub3A_623, %sub3A_623 : vector<16xf32>
      %reshape3A_625 = vector.shape_cast %get3A_622 : vector<16xi32> to vector<16x1xi32>
      %gather3A_626 = vector.shape_cast %reshape3A_625 : vector<16x1xi32> to vector<16xi32>
      %gather3A_627 = tpu.dynamic_gather %select_n3A_42[%gather3A_626] in [0] : vector<16xf32>, vector<16xi32> -> vector<16xf32>
      %gather3A_628 = vector.shape_cast %reshape3A_625 : vector<16x1xi32> to vector<16xi32>
      %gather3A_629 = tpu.dynamic_gather %select_n3A_46[%gather3A_628] in [0] : vector<16xf32>, vector<16xi32> -> vector<16xf32>
      %gather3A_630 = vector.shape_cast %reshape3A_625 : vector<16x1xi32> to vector<16xi32>
      %gather3A_631 = tpu.dynamic_gather %select_n3A_50[%gather3A_630] in [0] : vector<16xf32>, vector<16xi32> -> vector<16xf32>
      %gather3A_632 = vector.shape_cast %reshape3A_625 : vector<16x1xi32> to vector<16xi32>
      %gather3A_633 = tpu.dynamic_gather %select_n3A_54[%gather3A_632] in [0] : vector<16xf32>, vector<16xi32> -> vector<16xf32>
      %mul3A_634 = arith.mulf %mul3A_624, %gather3A_627 : vector<16xf32>
      %add3A_635 = arith.addf %add3A_595, %mul3A_634 : vector<16xf32>
      %mul3A_636 = arith.mulf %mul3A_624, %gather3A_629 : vector<16xf32>
      %add3A_637 = arith.addf %add3A_597, %mul3A_636 : vector<16xf32>
      %mul3A_638 = arith.mulf %mul3A_624, %gather3A_631 : vector<16xf32>
      %add3A_639 = arith.addf %add3A_599, %mul3A_638 : vector<16xf32>
      %mul3A_640 = arith.mulf %mul3A_624, %gather3A_633 : vector<16xf32>
      %add3A_641 = arith.addf %add3A_601, %mul3A_640 : vector<16xf32>
      %add3A_642 = arith.addf %add3A_602, %gather3A_627 : vector<16xf32>
      %add3A_643 = arith.addf %add3A_603, %gather3A_629 : vector<16xf32>
      %add3A_644 = arith.addf %add3A_604, %gather3A_631 : vector<16xf32>
      %add3A_645 = arith.addf %add3A_605, %gather3A_633 : vector<16xf32>
      %add3A_646 = arith.constant 48 : i32
      %add3A_647 = arith.addi %mul3A_528, %add3A_646 : i32
      %get3A_648 = arith.constant 0 : i32
      %get3A_649 = arith.index_cast %get3A_648 : i32 to index
      %get3A_650 = arith.index_cast %select_n3A_510 : i32 to index
      %get3A_651 = arith.index_cast %add3A_647 : i32 to index
      %get3A_652 = tpu.vector_load %arg7[%get3A_649, %get3A_650, %get3A_651] {strides = array<i32>} : memref<2x16x512xf32, #tpu.memory_space<vmem>>, vector<16xf32>,
      %get3A_653 = arith.constant 0 : i32
      %get3A_654 = arith.index_cast %get3A_653 : i32 to index
      %get3A_655 = arith.index_cast %select_n3A_510 : i32 to index
      %get3A_656 = arith.index_cast %add3A_647 : i32 to index
      %get3A_657 = tpu.vector_load %arg8[%get3A_654, %get3A_655, %get3A_656] {strides = array<i32>} : memref<2x16x512xf32, #tpu.memory_space<vmem>>, vector<16xf32>,
      %get3A_658 = arith.constant 0 : i32
      %get3A_659 = arith.index_cast %get3A_658 : i32 to index
      %get3A_660 = arith.index_cast %select_n3A_510 : i32 to index
      %get3A_661 = arith.index_cast %add3A_647 : i32 to index
      %get3A_662 = tpu.vector_load %arg9[%get3A_659, %get3A_660, %get3A_661] {strides = array<i32>} : memref<2x16x512xi32, #tpu.memory_space<vmem>>, vector<16xi32>,
      %sub3A_663 = arith.subf %get3A_652, %get3A_657 : vector<16xf32>
      %mul3A_664 = arith.mulf %sub3A_663, %sub3A_663 : vector<16xf32>
      %reshape3A_665 = vector.shape_cast %get3A_662 : vector<16xi32> to vector<16x1xi32>
      %gather3A_666 = vector.shape_cast %reshape3A_665 : vector<16x1xi32> to vector<16xi32>
      %gather3A_667 = tpu.dynamic_gather %select_n3A_42[%gather3A_666] in [0] : vector<16xf32>, vector<16xi32> -> vector<16xf32>
      %gather3A_668 = vector.shape_cast %reshape3A_665 : vector<16x1xi32> to vector<16xi32>
      %gather3A_669 = tpu.dynamic_gather %select_n3A_46[%gather3A_668] in [0] : vector<16xf32>, vector<16xi32> -> vector<16xf32>
      %gather3A_670 = vector.shape_cast %reshape3A_665 : vector<16x1xi32> to vector<16xi32>
      %gather3A_671 = tpu.dynamic_gather %select_n3A_50[%gather3A_670] in [0] : vector<16xf32>, vector<16xi32> -> vector<16xf32>
      %gather3A_672 = vector.shape_cast %reshape3A_665 : vector<16x1xi32> to vector<16xi32>
      %gather3A_673 = tpu.dynamic_gather %select_n3A_54[%gather3A_672] in [0] : vector<16xf32>, vector<16xi32> -> vector<16xf32>
      %mul3A_674 = arith.mulf %mul3A_664, %gather3A_667 : vector<16xf32>
      %add3A_675 = arith.addf %add3A_635, %mul3A_674 : vector<16xf32>
      %mul3A_676 = arith.mulf %mul3A_664, %gather3A_669 : vector<16xf32>
      %add3A_677 = arith.addf %add3A_637, %mul3A_676 : vector<16xf32>
      %mul3A_678 = arith.mulf %mul3A_664, %gather3A_671 : vector<16xf32>
      %add3A_679 = arith.addf %add3A_639, %mul3A_678 : vector<16xf32>
      %mul3A_680 = arith.mulf %mul3A_664, %gather3A_673 : vector<16xf32>
      %add3A_681 = arith.addf %add3A_641, %mul3A_680 : vector<16xf32>
      %add3A_682 = arith.addf %add3A_642, %gather3A_667 : vector<16xf32>
      %add3A_683 = arith.addf %add3A_643, %gather3A_669 : vector<16xf32>
      %add3A_684 = arith.addf %add3A_644, %gather3A_671 : vector<16xf32>
      %add3A_685 = arith.addf %add3A_645, %gather3A_673 : vector<16xf32>
      scf.yield %add3A_675, %add3A_677, %add3A_679, %add3A_681, %add3A_682, %add3A_683, %add3A_684, %add3A_685 : vector<16xf32>, vector<16xf32>, vector<16xf32>, vector<16xf32>, vector<16xf32>, vector<16xf32>, vector<16xf32>, vector<16xf32>
    }
    %scan3A_392 = arith.constant 128 : i32
    %dma_wait3A_393 = arith.constant 1 : i32
    %dma_wait3A_394 = arith.constant 0 : i32
    %dma_wait3A_395 = arith.constant 0 : i32
    %dma_wait3A_396 = tpu.memref_slice %arg7[%dma_wait3A_393, %dma_wait3A_394, %dma_wait3A_395] : memref<2x16x512xf32, #tpu.memory_space<vmem>> -> memref<1x16x512xf32, #tpu.memory_space<vmem>>
    %dma_wait3A_397 = tpu.memref_squeeze %dma_wait3A_396 : memref<1x16x512xf32, #tpu.memory_space<vmem>> -> memref<16x512xf32, #tpu.memory_space<vmem>>
    %dma_wait3A_398 = arith.constant 0 : i32
    %dma_wait3A_399 = tpu.memref_slice %arg2[%add3A, %add3A_341, %dma_wait3A_398] : memref<8x512x512xf32, #tpu.memory_space<hbm>> -> memref<1x16x512xf32, #tpu.memory_space<hbm>>
    %dma_wait3A_400 = tpu.memref_squeeze %dma_wait3A_399 : memref<1x16x512xf32, #tpu.memory_space<hbm>> -> memref<16x512xf32, #tpu.memory_space<hbm>>
    %dma_wait3A_401 = arith.constant 0 : i32
    %dma_wait3A_402 = arith.constant 0 : i32
    %dma_wait3A_403 = tpu.memref_slice %arg7[%dma_wait3A_393, %dma_wait3A_401, %dma_wait3A_402] : memref<2x16x512xf32, #tpu.memory_space<vmem>> -> memref<1x16x512xf32, #tpu.memory_space<vmem>>
    %dma_wait3A_404 = tpu.memref_squeeze %dma_wait3A_403 : memref<1x16x512xf32, #tpu.memory_space<vmem>> -> memref<16x512xf32, #tpu.memory_space<vmem>>
    %dma_wait3A_405 = arith.constant 0 : i32
    %dma_wait3A_406 = tpu.memref_slice %arg2[%add3A, %add3A_341, %dma_wait3A_405] : memref<8x512x512xf32, #tpu.memory_space<hbm>> -> memref<1x16x512xf32, #tpu.memory_space<hbm>>
    %dma_wait3A_407 = tpu.memref_squeeze %dma_wait3A_406 : memref<1x16x512xf32, #tpu.memory_space<hbm>> -> memref<16x512xf32, #tpu.memory_space<hbm>>
    tpu.wait_dma2 semaphore(%arg14 : memref<!tpu.dma_semaphore, #tpu.memory_space<semaphore_mem>>) src(%dma_wait3A_407 : memref<16x512xf32, #tpu.memory_space<hbm>>) dst(%dma_wait3A_404 : memref<16x512xf32, #tpu.memory_space<vmem>>)
    %dma_wait3A_408 = arith.constant 1 : i32
    %dma_wait3A_409 = arith.constant 0 : i32
    %dma_wait3A_410 = arith.constant 0 : i32
    %dma_wait3A_411 = tpu.memref_slice %arg8[%dma_wait3A_408, %dma_wait3A_409, %dma_wait3A_410] : memref<2x16x512xf32, #tpu.memory_space<vmem>> -> memref<1x16x512xf32, #tpu.memory_space<vmem>>
    %dma_wait3A_412 = tpu.memref_squeeze %dma_wait3A_411 : memref<1x16x512xf32, #tpu.memory_space<vmem>> -> memref<16x512xf32, #tpu.memory_space<vmem>>
    %dma_wait3A_413 = arith.constant 0 : i32
    %dma_wait3A_414 = tpu.memref_slice %arg3[%add3A, %add3A_341, %dma_wait3A_413] : memref<8x512x512xf32, #tpu.memory_space<hbm>> -> memref<1x16x512xf32, #tpu.memory_space<hbm>>
    %dma_wait3A_415 = tpu.memref_squeeze %dma_wait3A_414 : memref<1x16x512xf32, #tpu.memory_space<hbm>> -> memref<16x512xf32, #tpu.memory_space<hbm>>
    %dma_wait3A_416 = arith.constant 0 : i32
    %dma_wait3A_417 = arith.constant 0 : i32
    %dma_wait3A_418 = tpu.memref_slice %arg8[%dma_wait3A_408, %dma_wait3A_416, %dma_wait3A_417] : memref<2x16x512xf32, #tpu.memory_space<vmem>> -> memref<1x16x512xf32, #tpu.memory_space<vmem>>
    %dma_wait3A_419 = tpu.memref_squeeze %dma_wait3A_418 : memref<1x16x512xf32, #tpu.memory_space<vmem>> -> memref<16x512xf32, #tpu.memory_space<vmem>>
    %dma_wait3A_420 = arith.constant 0 : i32
    %dma_wait3A_421 = tpu.memref_slice %arg3[%add3A, %add3A_341, %dma_wait3A_420] : memref<8x512x512xf32, #tpu.memory_space<hbm>> -> memref<1x16x512xf32, #tpu.memory_space<hbm>>
    %dma_wait3A_422 = tpu.memref_squeeze %dma_wait3A_421 : memref<1x16x512xf32, #tpu.memory_space<hbm>> -> memref<16x512xf32, #tpu.memory_space<hbm>>
    tpu.wait_dma2 semaphore(%arg14 : memref<!tpu.dma_semaphore, #tpu.memory_space<semaphore_mem>>) src(%dma_wait3A_422 : memref<16x512xf32, #tpu.memory_space<hbm>>) dst(%dma_wait3A_419 : memref<16x512xf32, #tpu.memory_space<vmem>>)
    %dma_wait3A_423 = arith.constant 1 : i32
    %dma_wait3A_424 = arith.constant 0 : i32
    %dma_wait3A_425 = arith.constant 0 : i32
    %dma_wait3A_426 = tpu.memref_slice %arg9[%dma_wait3A_423, %dma_wait3A_424, %dma_wait3A_425] : memref<2x16x512xi32, #tpu.memory_space<vmem>> -> memref<1x16x512xi32, #tpu.memory_space<vmem>>
    %dma_wait3A_427 = tpu.memref_squeeze %dma_wait3A_426 : memref<1x16x512xi32, #tpu.memory_space<vmem>> -> memref<16x512xi32, #tpu.memory_space<vmem>>
    %dma_wait3A_428 = arith.constant 0 : i32
    %dma_wait3A_429 = tpu.memref_slice %arg4[%add3A, %add3A_341, %dma_wait3A_428] : memref<8x512x512xi32, #tpu.memory_space<hbm>> -> memref<1x16x512xi32, #tpu.memory_space<hbm>>
    %dma_wait3A_430 = tpu.memref_squeeze %dma_wait3A_429 : memref<1x16x512xi32, #tpu.memory_space<hbm>> -> memref<16x512xi32, #tpu.memory_space<hbm>>
    %dma_wait3A_431 = arith.constant 0 : i32
    %dma_wait3A_432 = arith.constant 0 : i32
    %dma_wait3A_433 = tpu.memref_slice %arg9[%dma_wait3A_423, %dma_wait3A_431, %dma_wait3A_432] : memref<2x16x512xi32, #tpu.memory_space<vmem>> -> memref<1x16x512xi32, #tpu.memory_space<vmem>>
    %dma_wait3A_434 = tpu.memref_squeeze %dma_wait3A_433 : memref<1x16x512xi32, #tpu.memory_space<vmem>> -> memref<16x512xi32, #tpu.memory_space<vmem>>
    %dma_wait3A_435 = arith.constant 0 : i32
    %dma_wait3A_436 = tpu.memref_slice %arg4[%add3A, %add3A_341, %dma_wait3A_435] : memref<8x512x512xi32, #tpu.memory_space<hbm>> -> memref<1x16x512xi32, #tpu.memory_space<hbm>>
    %dma_wait3A_437 = tpu.memref_squeeze %dma_wait3A_436 : memref<1x16x512xi32, #tpu.memory_space<hbm>> -> memref<16x512xi32, #tpu.memory_space<hbm>>
    tpu.wait_dma2 semaphore(%arg14 : memref<!tpu.dma_semaphore, #tpu.memory_space<semaphore_mem>>) src(%dma_wait3A_437 : memref<16x512xi32, #tpu.memory_space<hbm>>) dst(%dma_wait3A_434 : memref<16x512xi32, #tpu.memory_space<vmem>>)
    %scan3A_438 = arith.constant 0 : i32
    %scan3A_439 = arith.constant 128 : i32
    %scan3A_440 = arith.addi %scan3A_438, %scan3A_439 : i32
    %scan3A_441 = arith.constant 1 : i32
    %scan3A_442:8 = scf.for %scan3A_478 = %scan3A_438 to %scan3A_440 step %scan3A_441 iter_args(%scan3A_479 = %scan3A_391#0, %scan3A_480 = %scan3A_391#1, %scan3A_481 = %scan3A_391#2, %scan3A_482 = %scan3A_391#3, %scan3A_483 = %scan3A_391#4, %scan3A_484 = %scan3A_391#5, %scan3A_485 = %scan3A_391#6, %scan3A_486 = %scan3A_391#7) -> (vector<16xf32>, vector<16xf32>, vector<16xf32>, vector<16xf32>, vector<16xf32>, vector<16xf32>, vector<16xf32>, vector<16xf32>)  : i32 {
      %jit3A_487 = arith.constant 8 : i32
      %div3A_488 = arith.divsi %scan3A_478, %jit3A_487 : i32
      %sign3A_489 = arith.constant 0 : i32
      %sign3A_490 = arith.cmpi sgt, %scan3A_478, %sign3A_489 : i32
      %sign3A_491 = arith.extui %sign3A_490 : i1 to i32
      %sign3A_492 = arith.constant 0 : i32
      %sign3A_493 = arith.cmpi slt, %scan3A_478, %sign3A_492 : i32
      %sign3A_494 = arith.extui %sign3A_493 : i1 to i32
      %sign3A_495 = arith.subi %sign3A_491, %sign3A_494 : i32
      %sign3A_496 = arith.constant 0 : i32
      %sign3A_497 = arith.cmpi sgt, %jit3A_487, %sign3A_496 : i32
      %sign3A_498 = arith.extui %sign3A_497 : i1 to i32
      %sign3A_499 = arith.constant 0 : i32
      %sign3A_500 = arith.cmpi slt, %jit3A_487, %sign3A_499 : i32
      %sign3A_501 = arith.extui %sign3A_500 : i1 to i32
      %sign3A_502 = arith.subi %sign3A_498, %sign3A_501 : i32
      %ne3A_503 = arith.cmpi ne, %sign3A_495, %sign3A_502 : i32
      %rem3A_504 = arith.remsi %scan3A_478, %jit3A_487 : i32
      %ne3A_505 = arith.constant 0 : i32
      %ne3A_506 = arith.cmpi ne, %rem3A_504, %ne3A_505 : i32
      %and3A_507 = arith.andi %ne3A_503, %ne3A_506 : i1
      %sub3A_508 = arith.constant 1 : i32
      %sub3A_509 = arith.subi %div3A_488, %sub3A_508 : i32
      %select_n3A_510 = arith.select %and3A_507, %sub3A_509, %div3A_488 : i32
      %jit3A_511 = arith.constant 8 : i32
      %eq3A_512 = arith.constant 0 : i32
      %eq3A_513 = arith.cmpi eq, %jit3A_511, %eq3A_512 : i32
      %jit3A_514 = arith.constant 1 : i32
      %select_n3A_515 = arith.select %eq3A_513, %jit3A_514, %jit3A_511 : i32
      %rem3A_516 = arith.remsi %scan3A_478, %select_n3A_515 : i32
      %ne3A_517 = arith.constant 0 : i32
      %ne3A_518 = arith.cmpi ne, %rem3A_516, %ne3A_517 : i32
      %lt3A_519 = arith.constant 0 : i32
      %lt3A_520 = arith.cmpi slt, %rem3A_516, %lt3A_519 : i32
      %lt3A_521 = arith.constant 0 : i32
      %lt3A_522 = arith.cmpi slt, %select_n3A_515, %lt3A_521 : i32
      %ne3A_523 = arith.xori %lt3A_520, %lt3A_522 : i1
      %and3A_524 = arith.andi %ne3A_523, %ne3A_518 : i1
      %add3A_525 = arith.addi %rem3A_516, %select_n3A_515 : i32
      %select_n3A_526 = arith.select %and3A_524, %add3A_525, %rem3A_516 : i32
      %mul3A_527 = arith.constant 64 : i32
      %mul3A_528 = arith.muli %select_n3A_526, %mul3A_527 : i32
      %add3A_529 = arith.constant 0 : i32
      %add3A_530 = arith.addi %mul3A_528, %add3A_529 : i32
      %get3A = arith.constant 1 : i32
      %get3A_531 = arith.index_cast %get3A : i32 to index
      %get3A_532 = arith.index_cast %select_n3A_510 : i32 to index
      %get3A_533 = arith.index_cast %add3A_530 : i32 to index
      %get3A_534 = tpu.vector_load %arg7[%get3A_531, %get3A_532, %get3A_533] {strides = array<i32>} : memref<2x16x512xf32, #tpu.memory_space<vmem>>, vector<16xf32>,
      %get3A_535 = arith.constant 1 : i32
      %get3A_536 = arith.index_cast %get3A_535 : i32 to index
      %get3A_537 = arith.index_cast %select_n3A_510 : i32 to index
      %get3A_538 = arith.index_cast %add3A_530 : i32 to index
      %get3A_539 = tpu.vector_load %arg8[%get3A_536, %get3A_537, %get3A_538] {strides = array<i32>} : memref<2x16x512xf32, #tpu.memory_space<vmem>>, vector<16xf32>,
      %get3A_540 = arith.constant 1 : i32
      %get3A_541 = arith.index_cast %get3A_540 : i32 to index
      %get3A_542 = arith.index_cast %select_n3A_510 : i32 to index
      %get3A_543 = arith.index_cast %add3A_530 : i32 to index
      %get3A_544 = tpu.vector_load %arg9[%get3A_541, %get3A_542, %get3A_543] {strides = array<i32>} : memref<2x16x512xi32, #tpu.memory_space<vmem>>, vector<16xi32>,
      %sub3A_545 = arith.subf %get3A_534, %get3A_539 : vector<16xf32>
      %mul3A_546 = arith.mulf %sub3A_545, %sub3A_545 : vector<16xf32>
      %reshape3A = vector.shape_cast %get3A_544 : vector<16xi32> to vector<16x1xi32>
      %gather3A = vector.shape_cast %reshape3A : vector<16x1xi32> to vector<16xi32>
      %gather3A_547 = tpu.dynamic_gather %select_n3A_42[%gather3A] in [0] : vector<16xf32>, vector<16xi32> -> vector<16xf32>
      %gather3A_548 = vector.shape_cast %reshape3A : vector<16x1xi32> to vector<16xi32>
      %gather3A_549 = tpu.dynamic_gather %select_n3A_46[%gather3A_548] in [0] : vector<16xf32>, vector<16xi32> -> vector<16xf32>
      %gather3A_550 = vector.shape_cast %reshape3A : vector<16x1xi32> to vector<16xi32>
      %gather3A_551 = tpu.dynamic_gather %select_n3A_50[%gather3A_550] in [0] : vector<16xf32>, vector<16xi32> -> vector<16xf32>
      %gather3A_552 = vector.shape_cast %reshape3A : vector<16x1xi32> to vector<16xi32>
      %gather3A_553 = tpu.dynamic_gather %select_n3A_54[%gather3A_552] in [0] : vector<16xf32>, vector<16xi32> -> vector<16xf32>
      %mul3A_554 = arith.mulf %mul3A_546, %gather3A_547 : vector<16xf32>
      %add3A_555 = arith.addf %scan3A_479, %mul3A_554 : vector<16xf32>
      %mul3A_556 = arith.mulf %mul3A_546, %gather3A_549 : vector<16xf32>
      %add3A_557 = arith.addf %scan3A_480, %mul3A_556 : vector<16xf32>
      %mul3A_558 = arith.mulf %mul3A_546, %gather3A_551 : vector<16xf32>
      %add3A_559 = arith.addf %scan3A_481, %mul3A_558 : vector<16xf32>
      %mul3A_560 = arith.mulf %mul3A_546, %gather3A_553 : vector<16xf32>
      %add3A_561 = arith.addf %scan3A_482, %mul3A_560 : vector<16xf32>
      %add3A_562 = arith.addf %scan3A_483, %gather3A_547 : vector<16xf32>
      %add3A_563 = arith.addf %scan3A_484, %gather3A_549 : vector<16xf32>
      %add3A_564 = arith.addf %scan3A_485, %gather3A_551 : vector<16xf32>
      %add3A_565 = arith.addf %scan3A_486, %gather3A_553 : vector<16xf32>
      %add3A_566 = arith.constant 16 : i32
      %add3A_567 = arith.addi %mul3A_528, %add3A_566 : i32
      %get3A_568 = arith.constant 1 : i32
      %get3A_569 = arith.index_cast %get3A_568 : i32 to index
      %get3A_570 = arith.index_cast %select_n3A_510 : i32 to index
      %get3A_571 = arith.index_cast %add3A_567 : i32 to index
      %get3A_572 = tpu.vector_load %arg7[%get3A_569, %get3A_570, %get3A_571] {strides = array<i32>} : memref<2x16x512xf32, #tpu.memory_space<vmem>>, vector<16xf32>,
      %get3A_573 = arith.constant 1 : i32
      %get3A_574 = arith.index_cast %get3A_573 : i32 to index
      %get3A_575 = arith.index_cast %select_n3A_510 : i32 to index
      %get3A_576 = arith.index_cast %add3A_567 : i32 to index
      %get3A_577 = tpu.vector_load %arg8[%get3A_574, %get3A_575, %get3A_576] {strides = array<i32>} : memref<2x16x512xf32, #tpu.memory_space<vmem>>, vector<16xf32>,
      %get3A_578 = arith.constant 1 : i32
      %get3A_579 = arith.index_cast %get3A_578 : i32 to index
      %get3A_580 = arith.index_cast %select_n3A_510 : i32 to index
      %get3A_581 = arith.index_cast %add3A_567 : i32 to index
      %get3A_582 = tpu.vector_load %arg9[%get3A_579, %get3A_580, %get3A_581] {strides = array<i32>} : memref<2x16x512xi32, #tpu.memory_space<vmem>>, vector<16xi32>,
      %sub3A_583 = arith.subf %get3A_572, %get3A_577 : vector<16xf32>
      %mul3A_584 = arith.mulf %sub3A_583, %sub3A_583 : vector<16xf32>
      %reshape3A_585 = vector.shape_cast %get3A_582 : vector<16xi32> to vector<16x1xi32>
      %gather3A_586 = vector.shape_cast %reshape3A_585 : vector<16x1xi32> to vector<16xi32>
      %gather3A_587 = tpu.dynamic_gather %select_n3A_42[%gather3A_586] in [0] : vector<16xf32>, vector<16xi32> -> vector<16xf32>
      %gather3A_588 = vector.shape_cast %reshape3A_585 : vector<16x1xi32> to vector<16xi32>
      %gather3A_589 = tpu.dynamic_gather %select_n3A_46[%gather3A_588] in [0] : vector<16xf32>, vector<16xi32> -> vector<16xf32>
      %gather3A_590 = vector.shape_cast %reshape3A_585 : vector<16x1xi32> to vector<16xi32>
      %gather3A_591 = tpu.dynamic_gather %select_n3A_50[%gather3A_590] in [0] : vector<16xf32>, vector<16xi32> -> vector<16xf32>
      %gather3A_592 = vector.shape_cast %reshape3A_585 : vector<16x1xi32> to vector<16xi32>
      %gather3A_593 = tpu.dynamic_gather %select_n3A_54[%gather3A_592] in [0] : vector<16xf32>, vector<16xi32> -> vector<16xf32>
      %mul3A_594 = arith.mulf %mul3A_584, %gather3A_587 : vector<16xf32>
      %add3A_595 = arith.addf %add3A_555, %mul3A_594 : vector<16xf32>
      %mul3A_596 = arith.mulf %mul3A_584, %gather3A_589 : vector<16xf32>
      %add3A_597 = arith.addf %add3A_557, %mul3A_596 : vector<16xf32>
      %mul3A_598 = arith.mulf %mul3A_584, %gather3A_591 : vector<16xf32>
      %add3A_599 = arith.addf %add3A_559, %mul3A_598 : vector<16xf32>
      %mul3A_600 = arith.mulf %mul3A_584, %gather3A_593 : vector<16xf32>
      %add3A_601 = arith.addf %add3A_561, %mul3A_600 : vector<16xf32>
      %add3A_602 = arith.addf %add3A_562, %gather3A_587 : vector<16xf32>
      %add3A_603 = arith.addf %add3A_563, %gather3A_589 : vector<16xf32>
      %add3A_604 = arith.addf %add3A_564, %gather3A_591 : vector<16xf32>
      %add3A_605 = arith.addf %add3A_565, %gather3A_593 : vector<16xf32>
      %add3A_606 = arith.constant 32 : i32
      %add3A_607 = arith.addi %mul3A_528, %add3A_606 : i32
      %get3A_608 = arith.constant 1 : i32
      %get3A_609 = arith.index_cast %get3A_608 : i32 to index
      %get3A_610 = arith.index_cast %select_n3A_510 : i32 to index
      %get3A_611 = arith.index_cast %add3A_607 : i32 to index
      %get3A_612 = tpu.vector_load %arg7[%get3A_609, %get3A_610, %get3A_611] {strides = array<i32>} : memref<2x16x512xf32, #tpu.memory_space<vmem>>, vector<16xf32>,
      %get3A_613 = arith.constant 1 : i32
      %get3A_614 = arith.index_cast %get3A_613 : i32 to index
      %get3A_615 = arith.index_cast %select_n3A_510 : i32 to index
      %get3A_616 = arith.index_cast %add3A_607 : i32 to index
      %get3A_617 = tpu.vector_load %arg8[%get3A_614, %get3A_615, %get3A_616] {strides = array<i32>} : memref<2x16x512xf32, #tpu.memory_space<vmem>>, vector<16xf32>,
      %get3A_618 = arith.constant 1 : i32
      %get3A_619 = arith.index_cast %get3A_618 : i32 to index
      %get3A_620 = arith.index_cast %select_n3A_510 : i32 to index
      %get3A_621 = arith.index_cast %add3A_607 : i32 to index
      %get3A_622 = tpu.vector_load %arg9[%get3A_619, %get3A_620, %get3A_621] {strides = array<i32>} : memref<2x16x512xi32, #tpu.memory_space<vmem>>, vector<16xi32>,
      %sub3A_623 = arith.subf %get3A_612, %get3A_617 : vector<16xf32>
      %mul3A_624 = arith.mulf %sub3A_623, %sub3A_623 : vector<16xf32>
      %reshape3A_625 = vector.shape_cast %get3A_622 : vector<16xi32> to vector<16x1xi32>
      %gather3A_626 = vector.shape_cast %reshape3A_625 : vector<16x1xi32> to vector<16xi32>
      %gather3A_627 = tpu.dynamic_gather %select_n3A_42[%gather3A_626] in [0] : vector<16xf32>, vector<16xi32> -> vector<16xf32>
      %gather3A_628 = vector.shape_cast %reshape3A_625 : vector<16x1xi32> to vector<16xi32>
      %gather3A_629 = tpu.dynamic_gather %select_n3A_46[%gather3A_628] in [0] : vector<16xf32>, vector<16xi32> -> vector<16xf32>
      %gather3A_630 = vector.shape_cast %reshape3A_625 : vector<16x1xi32> to vector<16xi32>
      %gather3A_631 = tpu.dynamic_gather %select_n3A_50[%gather3A_630] in [0] : vector<16xf32>, vector<16xi32> -> vector<16xf32>
      %gather3A_632 = vector.shape_cast %reshape3A_625 : vector<16x1xi32> to vector<16xi32>
      %gather3A_633 = tpu.dynamic_gather %select_n3A_54[%gather3A_632] in [0] : vector<16xf32>, vector<16xi32> -> vector<16xf32>
      %mul3A_634 = arith.mulf %mul3A_624, %gather3A_627 : vector<16xf32>
      %add3A_635 = arith.addf %add3A_595, %mul3A_634 : vector<16xf32>
      %mul3A_636 = arith.mulf %mul3A_624, %gather3A_629 : vector<16xf32>
      %add3A_637 = arith.addf %add3A_597, %mul3A_636 : vector<16xf32>
      %mul3A_638 = arith.mulf %mul3A_624, %gather3A_631 : vector<16xf32>
      %add3A_639 = arith.addf %add3A_599, %mul3A_638 : vector<16xf32>
      %mul3A_640 = arith.mulf %mul3A_624, %gather3A_633 : vector<16xf32>
      %add3A_641 = arith.addf %add3A_601, %mul3A_640 : vector<16xf32>
      %add3A_642 = arith.addf %add3A_602, %gather3A_627 : vector<16xf32>
      %add3A_643 = arith.addf %add3A_603, %gather3A_629 : vector<16xf32>
      %add3A_644 = arith.addf %add3A_604, %gather3A_631 : vector<16xf32>
      %add3A_645 = arith.addf %add3A_605, %gather3A_633 : vector<16xf32>
      %add3A_646 = arith.constant 48 : i32
      %add3A_647 = arith.addi %mul3A_528, %add3A_646 : i32
      %get3A_648 = arith.constant 1 : i32
      %get3A_649 = arith.index_cast %get3A_648 : i32 to index
      %get3A_650 = arith.index_cast %select_n3A_510 : i32 to index
      %get3A_651 = arith.index_cast %add3A_647 : i32 to index
      %get3A_652 = tpu.vector_load %arg7[%get3A_649, %get3A_650, %get3A_651] {strides = array<i32>} : memref<2x16x512xf32, #tpu.memory_space<vmem>>, vector<16xf32>,
      %get3A_653 = arith.constant 1 : i32
      %get3A_654 = arith.index_cast %get3A_653 : i32 to index
      %get3A_655 = arith.index_cast %select_n3A_510 : i32 to index
      %get3A_656 = arith.index_cast %add3A_647 : i32 to index
      %get3A_657 = tpu.vector_load %arg8[%get3A_654, %get3A_655, %get3A_656] {strides = array<i32>} : memref<2x16x512xf32, #tpu.memory_space<vmem>>, vector<16xf32>,
      %get3A_658 = arith.constant 1 : i32
      %get3A_659 = arith.index_cast %get3A_658 : i32 to index
      %get3A_660 = arith.index_cast %select_n3A_510 : i32 to index
      %get3A_661 = arith.index_cast %add3A_647 : i32 to index
      %get3A_662 = tpu.vector_load %arg9[%get3A_659, %get3A_660, %get3A_661] {strides = array<i32>} : memref<2x16x512xi32, #tpu.memory_space<vmem>>, vector<16xi32>,
      %sub3A_663 = arith.subf %get3A_652, %get3A_657 : vector<16xf32>
      %mul3A_664 = arith.mulf %sub3A_663, %sub3A_663 : vector<16xf32>
      %reshape3A_665 = vector.shape_cast %get3A_662 : vector<16xi32> to vector<16x1xi32>
      %gather3A_666 = vector.shape_cast %reshape3A_665 : vector<16x1xi32> to vector<16xi32>
      %gather3A_667 = tpu.dynamic_gather %select_n3A_42[%gather3A_666] in [0] : vector<16xf32>, vector<16xi32> -> vector<16xf32>
      %gather3A_668 = vector.shape_cast %reshape3A_665 : vector<16x1xi32> to vector<16xi32>
      %gather3A_669 = tpu.dynamic_gather %select_n3A_46[%gather3A_668] in [0] : vector<16xf32>, vector<16xi32> -> vector<16xf32>
      %gather3A_670 = vector.shape_cast %reshape3A_665 : vector<16x1xi32> to vector<16xi32>
      %gather3A_671 = tpu.dynamic_gather %select_n3A_50[%gather3A_670] in [0] : vector<16xf32>, vector<16xi32> -> vector<16xf32>
      %gather3A_672 = vector.shape_cast %reshape3A_665 : vector<16x1xi32> to vector<16xi32>
      %gather3A_673 = tpu.dynamic_gather %select_n3A_54[%gather3A_672] in [0] : vector<16xf32>, vector<16xi32> -> vector<16xf32>
      %mul3A_674 = arith.mulf %mul3A_664, %gather3A_667 : vector<16xf32>
      %add3A_675 = arith.addf %add3A_635, %mul3A_674 : vector<16xf32>
      %mul3A_676 = arith.mulf %mul3A_664, %gather3A_669 : vector<16xf32>
      %add3A_677 = arith.addf %add3A_637, %mul3A_676 : vector<16xf32>
      %mul3A_678 = arith.mulf %mul3A_664, %gather3A_671 : vector<16xf32>
      %add3A_679 = arith.addf %add3A_639, %mul3A_678 : vector<16xf32>
      %mul3A_680 = arith.mulf %mul3A_664, %gather3A_673 : vector<16xf32>
      %add3A_681 = arith.addf %add3A_641, %mul3A_680 : vector<16xf32>
      %add3A_682 = arith.addf %add3A_642, %gather3A_667 : vector<16xf32>
      %add3A_683 = arith.addf %add3A_643, %gather3A_669 : vector<16xf32>
      %add3A_684 = arith.addf %add3A_644, %gather3A_671 : vector<16xf32>
      %add3A_685 = arith.addf %add3A_645, %gather3A_673 : vector<16xf32>
      scf.yield %add3A_675, %add3A_677, %add3A_679, %add3A_681, %add3A_682, %add3A_683, %add3A_684, %add3A_685 : vector<16xf32>, vector<16xf32>, vector<16xf32>, vector<16xf32>, vector<16xf32>, vector<16xf32>, vector<16xf32>, vector<16xf32>
    }
    %scan3A_443 = arith.constant 128 : i32
    %swap3A = arith.constant 0 : i32
    %swap3A_444 = arith.index_cast %swap3A : i32 to index
    %swap3A_445 = arith.constant 0 : index
    %swap3A_446 = tpu.vector_load %arg10[%swap3A_444, %swap3A_445] {strides = array<i32>} : memref<8x16xf32, #tpu.memory_space<vmem>>, vector<16xf32>,
    tpu.vector_store %arg10[%swap3A_444, %swap3A_445], %scan3A_442#0 {strides = array<i32>} : memref<8x16xf32, #tpu.memory_space<vmem>>, vector<16xf32>,
    %swap3A_447 = arith.constant 1 : i32
    %swap3A_448 = arith.index_cast %swap3A_447 : i32 to index
    %swap3A_449 = arith.constant 0 : index
    %swap3A_450 = tpu.vector_load %arg10[%swap3A_448, %swap3A_449] {strides = array<i32>} : memref<8x16xf32, #tpu.memory_space<vmem>>, vector<16xf32>,
    tpu.vector_store %arg10[%swap3A_448, %swap3A_449], %scan3A_442#1 {strides = array<i32>} : memref<8x16xf32, #tpu.memory_space<vmem>>, vector<16xf32>,
    %swap3A_451 = arith.constant 2 : i32
    %swap3A_452 = arith.index_cast %swap3A_451 : i32 to index
    %swap3A_453 = arith.constant 0 : index
    %swap3A_454 = tpu.vector_load %arg10[%swap3A_452, %swap3A_453] {strides = array<i32>} : memref<8x16xf32, #tpu.memory_space<vmem>>, vector<16xf32>,
    tpu.vector_store %arg10[%swap3A_452, %swap3A_453], %scan3A_442#2 {strides = array<i32>} : memref<8x16xf32, #tpu.memory_space<vmem>>, vector<16xf32>,
    %swap3A_455 = arith.constant 3 : i32
    %swap3A_456 = arith.index_cast %swap3A_455 : i32 to index
    %swap3A_457 = arith.constant 0 : index
    %swap3A_458 = tpu.vector_load %arg10[%swap3A_456, %swap3A_457] {strides = array<i32>} : memref<8x16xf32, #tpu.memory_space<vmem>>, vector<16xf32>,
    tpu.vector_store %arg10[%swap3A_456, %swap3A_457], %scan3A_442#3 {strides = array<i32>} : memref<8x16xf32, #tpu.memory_space<vmem>>, vector<16xf32>,
    %swap3A_459 = arith.constant 4 : i32
    %swap3A_460 = arith.index_cast %swap3A_459 : i32 to index
    %swap3A_461 = arith.constant 0 : index
    %swap3A_462 = tpu.vector_load %arg10[%swap3A_460, %swap3A_461] {strides = array<i32>} : memref<8x16xf32, #tpu.memory_space<vmem>>, vector<16xf32>,
    tpu.vector_store %arg10[%swap3A_460, %swap3A_461], %scan3A_442#4 {strides = array<i32>} : memref<8x16xf32, #tpu.memory_space<vmem>>, vector<16xf32>,
    %swap3A_463 = arith.constant 5 : i32
    %swap3A_464 = arith.index_cast %swap3A_463 : i32 to index
    %swap3A_465 = arith.constant 0 : index
    %swap3A_466 = tpu.vector_load %arg10[%swap3A_464, %swap3A_465] {strides = array<i32>} : memref<8x16xf32, #tpu.memory_space<vmem>>, vector<16xf32>,
    tpu.vector_store %arg10[%swap3A_464, %swap3A_465], %scan3A_442#5 {strides = array<i32>} : memref<8x16xf32, #tpu.memory_space<vmem>>, vector<16xf32>,
    %swap3A_467 = arith.constant 6 : i32
    %swap3A_468 = arith.index_cast %swap3A_467 : i32 to index
    %swap3A_469 = arith.constant 0 : index
    %swap3A_470 = tpu.vector_load %arg10[%swap3A_468, %swap3A_469] {strides = array<i32>} : memref<8x16xf32, #tpu.memory_space<vmem>>, vector<16xf32>,
    tpu.vector_store %arg10[%swap3A_468, %swap3A_469], %scan3A_442#6 {strides = array<i32>} : memref<8x16xf32, #tpu.memory_space<vmem>>, vector<16xf32>,
    %swap3A_471 = arith.constant 7 : i32
    %swap3A_472 = arith.index_cast %swap3A_471 : i32 to index
    %swap3A_473 = arith.constant 0 : index
    %swap3A_474 = tpu.vector_load %arg10[%swap3A_472, %swap3A_473] {strides = array<i32>} : memref<8x16xf32, #tpu.memory_space<vmem>>, vector<16xf32>,
    tpu.vector_store %arg10[%swap3A_472, %swap3A_473], %scan3A_442#7 {strides = array<i32>} : memref<8x16xf32, #tpu.memory_space<vmem>>, vector<16xf32>,
    "tpu.region"() ({
      %run_scoped3A = tpu.sem_alloc : memref<!tpu.dma_semaphore, #tpu.memory_space<semaphore_mem>>
      %dma_start3A_478 = arith.constant 0 : i32
      %dma_start3A_479 = arith.constant 0 : i32
      %dma_start3A_480 = tpu.memref_slice %arg5[%add3A_35, %dma_start3A_478, %dma_start3A_479] : memref<32x8x16xf32, #tpu.memory_space<hbm>> -> memref<1x8x16xf32, #tpu.memory_space<hbm>>
      %dma_start3A_481 = tpu.memref_squeeze %dma_start3A_480 : memref<1x8x16xf32, #tpu.memory_space<hbm>> -> memref<8x16xf32, #tpu.memory_space<hbm>>
      %dma_start3A_482 = arith.constant 0 : i32
      %dma_start3A_483 = arith.constant 0 : i32
      %dma_start3A_484 = tpu.memref_slice %arg5[%add3A_35, %dma_start3A_482, %dma_start3A_483] : memref<32x8x16xf32, #tpu.memory_space<hbm>> -> memref<1x8x16xf32, #tpu.memory_space<hbm>>
      %dma_start3A_485 = tpu.memref_squeeze %dma_start3A_484 : memref<1x8x16xf32, #tpu.memory_space<hbm>> -> memref<8x16xf32, #tpu.memory_space<hbm>>
      tpu.enqueue_dma source(%arg10 : memref<8x16xf32, #tpu.memory_space<vmem>>) target(%dma_start3A_485 : memref<8x16xf32, #tpu.memory_space<hbm>>) target_semaphore(%run_scoped3A : memref<!tpu.dma_semaphore, #tpu.memory_space<semaphore_mem>>)
      %dma_wait3A_486 = arith.constant 0 : i32
      %dma_wait3A_487 = arith.constant 0 : i32
      %dma_wait3A_488 = tpu.memref_slice %arg5[%add3A_35, %dma_wait3A_486, %dma_wait3A_487] : memref<32x8x16xf32, #tpu.memory_space<hbm>> -> memref<1x8x16xf32, #tpu.memory_space<hbm>>
      %dma_wait3A_489 = tpu.memref_squeeze %dma_wait3A_488 : memref<1x8x16xf32, #tpu.memory_space<hbm>> -> memref<8x16xf32, #tpu.memory_space<hbm>>
      %dma_wait3A_490 = arith.constant 0 : i32
      %dma_wait3A_491 = arith.constant 0 : i32
      %dma_wait3A_492 = tpu.memref_slice %arg5[%add3A_35, %dma_wait3A_490, %dma_wait3A_491] : memref<32x8x16xf32, #tpu.memory_space<hbm>> -> memref<1x8x16xf32, #tpu.memory_space<hbm>>
      %dma_wait3A_493 = tpu.memref_squeeze %dma_wait3A_492 : memref<1x8x16xf32, #tpu.memory_space<hbm>> -> memref<8x16xf32, #tpu.memory_space<hbm>>
      tpu.wait_dma2 semaphore(%run_scoped3A : memref<!tpu.dma_semaphore, #tpu.memory_space<semaphore_mem>>) src(%arg10 : memref<8x16xf32, #tpu.memory_space<vmem>>) dst(%dma_wait3A_493 : memref<8x16xf32, #tpu.memory_space<hbm>>)
      tpu.yield
    }) : () -> ()
    %barrier3A = arith.constant 0 : index
    tpu.barrier barrier_id(%barrier3A)
    %eq3A_475 = arith.constant 0 : i32
    %eq3A_476 = arith.cmpi eq, %arg1, %eq3A_475 : i32
    %convert_element_type3A = arith.extui %eq3A_476 : i1 to i32
    %cond3A = arith.constant 0 : i32
    %cond3A_477 = arith.cmpi ne, %convert_element_type3A, %cond3A : i32
    scf.if %cond3A_477 {
      %mul3A_478 = arith.constant 16 : i32
      %mul3A_479 = arith.muli %arg0, %mul3A_478 : i32
      "tpu.region"() ({
        %run_scoped3A = tpu.sem_alloc : memref<!tpu.dma_semaphore, #tpu.memory_space<semaphore_mem>>
        %dma_start3A_1656 = arith.constant 0 : i32
        %dma_start3A_1657 = arith.constant 0 : i32
        %dma_start3A_1658 = tpu.memref_slice %arg5[%mul3A_479, %dma_start3A_1656, %dma_start3A_1657] : memref<32x8x16xf32, #tpu.memory_space<hbm>> -> memref<16x8x16xf32, #tpu.memory_space<hbm>>
        %dma_start3A_1659 = arith.constant 0 : i32
        %dma_start3A_1660 = arith.constant 0 : i32
        %dma_start3A_1661 = tpu.memref_slice %arg5[%mul3A_479, %dma_start3A_1659, %dma_start3A_1660] : memref<32x8x16xf32, #tpu.memory_space<hbm>> -> memref<16x8x16xf32, #tpu.memory_space<hbm>>
        tpu.enqueue_dma source(%dma_start3A_1661 : memref<16x8x16xf32, #tpu.memory_space<hbm>>) target(%arg11 : memref<16x8x16xf32, #tpu.memory_space<vmem>>) target_semaphore(%run_scoped3A : memref<!tpu.dma_semaphore, #tpu.memory_space<semaphore_mem>>)
        %dma_wait3A_1662 = arith.constant 0 : i32
        %dma_wait3A_1663 = arith.constant 0 : i32
        %dma_wait3A_1664 = tpu.memref_slice %arg5[%mul3A_479, %dma_wait3A_1662, %dma_wait3A_1663] : memref<32x8x16xf32, #tpu.memory_space<hbm>> -> memref<16x8x16xf32, #tpu.memory_space<hbm>>
        %dma_wait3A_1665 = arith.constant 0 : i32
        %dma_wait3A_1666 = arith.constant 0 : i32
        %dma_wait3A_1667 = tpu.memref_slice %arg5[%mul3A_479, %dma_wait3A_1665, %dma_wait3A_1666] : memref<32x8x16xf32, #tpu.memory_space<hbm>> -> memref<16x8x16xf32, #tpu.memory_space<hbm>>
        tpu.wait_dma2 semaphore(%run_scoped3A : memref<!tpu.dma_semaphore, #tpu.memory_space<semaphore_mem>>) src(%dma_wait3A_1667 : memref<16x8x16xf32, #tpu.memory_space<hbm>>) dst(%arg11 : memref<16x8x16xf32, #tpu.memory_space<vmem>>)
        tpu.yield
      }) : () -> ()
      %iota3A_480 = tpu.iota {dimensions = array<i32: 0>} : vector<16xi32>
      %xor3A = arith.constant 1 : i32
      %xor3A_481 = vector.broadcast %xor3A : i32 to vector<16xi32>
      %xor3A_482 = arith.xori %iota3A_480, %xor3A_481 : vector<16xi32>
      %reshape3A = vector.shape_cast %xor3A_482 : vector<16xi32> to vector<16x1xi32>
      %xor3A_483 = arith.constant 2 : i32
      %xor3A_484 = vector.broadcast %xor3A_483 : i32 to vector<16xi32>
      %xor3A_485 = arith.xori %iota3A_480, %xor3A_484 : vector<16xi32>
      %reshape3A_486 = vector.shape_cast %xor3A_485 : vector<16xi32> to vector<16x1xi32>
      %xor3A_487 = arith.constant 4 : i32
      %xor3A_488 = vector.broadcast %xor3A_487 : i32 to vector<16xi32>
      %xor3A_489 = arith.xori %iota3A_480, %xor3A_488 : vector<16xi32>
      %reshape3A_490 = vector.shape_cast %xor3A_489 : vector<16xi32> to vector<16x1xi32>
      %xor3A_491 = arith.constant 8 : i32
      %xor3A_492 = vector.broadcast %xor3A_491 : i32 to vector<16xi32>
      %xor3A_493 = arith.xori %iota3A_480, %xor3A_492 : vector<16xi32>
      %reshape3A_494 = vector.shape_cast %xor3A_493 : vector<16xi32> to vector<16x1xi32>
      %get3A = arith.constant 0 : i32
      %get3A_495 = arith.constant 0 : i32
      %get3A_496 = arith.index_cast %get3A : i32 to index
      %get3A_497 = arith.index_cast %get3A_495 : i32 to index
      %get3A_498 = arith.constant 0 : index
      %get3A_499 = tpu.vector_load %arg11[%get3A_496, %get3A_497, %get3A_498] {strides = array<i32>} : memref<16x8x16xf32, #tpu.memory_space<vmem>>, vector<16xf32>,
      %add3A_500 = arith.addf %broadcast_in_dim3A_36, %get3A_499 : vector<16xf32>
      %get3A_501 = arith.constant 0 : i32
      %get3A_502 = arith.constant 4 : i32
      %get3A_503 = arith.index_cast %get3A_501 : i32 to index
      %get3A_504 = arith.index_cast %get3A_502 : i32 to index
      %get3A_505 = arith.constant 0 : index
      %get3A_506 = tpu.vector_load %arg11[%get3A_503, %get3A_504, %get3A_505] {strides = array<i32>} : memref<16x8x16xf32, #tpu.memory_space<vmem>>, vector<16xf32>,
      %add3A_507 = arith.addf %broadcast_in_dim3A_36, %get3A_506 : vector<16xf32>
      %get3A_508 = arith.constant 1 : i32
      %get3A_509 = arith.constant 0 : i32
      %get3A_510 = arith.index_cast %get3A_508 : i32 to index
      %get3A_511 = arith.index_cast %get3A_509 : i32 to index
      %get3A_512 = arith.constant 0 : index
      %get3A_513 = tpu.vector_load %arg11[%get3A_510, %get3A_511, %get3A_512] {strides = array<i32>} : memref<16x8x16xf32, #tpu.memory_space<vmem>>, vector<16xf32>,
      %add3A_514 = arith.addf %add3A_500, %get3A_513 : vector<16xf32>
      %get3A_515 = arith.constant 1 : i32
      %get3A_516 = arith.constant 4 : i32
      %get3A_517 = arith.index_cast %get3A_515 : i32 to index
      %get3A_518 = arith.index_cast %get3A_516 : i32 to index
      %get3A_519 = arith.constant 0 : index
      %get3A_520 = tpu.vector_load %arg11[%get3A_517, %get3A_518, %get3A_519] {strides = array<i32>} : memref<16x8x16xf32, #tpu.memory_space<vmem>>, vector<16xf32>,
      %add3A_521 = arith.addf %add3A_507, %get3A_520 : vector<16xf32>
      %get3A_522 = arith.constant 2 : i32
      %get3A_523 = arith.constant 0 : i32
      %get3A_524 = arith.index_cast %get3A_522 : i32 to index
      %get3A_525 = arith.index_cast %get3A_523 : i32 to index
      %get3A_526 = arith.constant 0 : index
      %get3A_527 = tpu.vector_load %arg11[%get3A_524, %get3A_525, %get3A_526] {strides = array<i32>} : memref<16x8x16xf32, #tpu.memory_space<vmem>>, vector<16xf32>,
      %add3A_528 = arith.addf %add3A_514, %get3A_527 : vector<16xf32>
      %get3A_529 = arith.constant 2 : i32
      %get3A_530 = arith.constant 4 : i32
      %get3A_531 = arith.index_cast %get3A_529 : i32 to index
      %get3A_532 = arith.index_cast %get3A_530 : i32 to index
      %get3A_533 = arith.constant 0 : index
      %get3A_534 = tpu.vector_load %arg11[%get3A_531, %get3A_532, %get3A_533] {strides = array<i32>} : memref<16x8x16xf32, #tpu.memory_space<vmem>>, vector<16xf32>,
      %add3A_535 = arith.addf %add3A_521, %get3A_534 : vector<16xf32>
      %get3A_536 = arith.constant 3 : i32
      %get3A_537 = arith.constant 0 : i32
      %get3A_538 = arith.index_cast %get3A_536 : i32 to index
      %get3A_539 = arith.index_cast %get3A_537 : i32 to index
      %get3A_540 = arith.constant 0 : index
      %get3A_541 = tpu.vector_load %arg11[%get3A_538, %get3A_539, %get3A_540] {strides = array<i32>} : memref<16x8x16xf32, #tpu.memory_space<vmem>>, vector<16xf32>,
      %add3A_542 = arith.addf %add3A_528, %get3A_541 : vector<16xf32>
      %get3A_543 = arith.constant 3 : i32
      %get3A_544 = arith.constant 4 : i32
      %get3A_545 = arith.index_cast %get3A_543 : i32 to index
      %get3A_546 = arith.index_cast %get3A_544 : i32 to index
      %get3A_547 = arith.constant 0 : index
      %get3A_548 = tpu.vector_load %arg11[%get3A_545, %get3A_546, %get3A_547] {strides = array<i32>} : memref<16x8x16xf32, #tpu.memory_space<vmem>>, vector<16xf32>,
      %add3A_549 = arith.addf %add3A_535, %get3A_548 : vector<16xf32>
      %get3A_550 = arith.constant 4 : i32
      %get3A_551 = arith.constant 0 : i32
      %get3A_552 = arith.index_cast %get3A_550 : i32 to index
      %get3A_553 = arith.index_cast %get3A_551 : i32 to index
      %get3A_554 = arith.constant 0 : index
      %get3A_555 = tpu.vector_load %arg11[%get3A_552, %get3A_553, %get3A_554] {strides = array<i32>} : memref<16x8x16xf32, #tpu.memory_space<vmem>>, vector<16xf32>,
      %add3A_556 = arith.addf %add3A_542, %get3A_555 : vector<16xf32>
      %get3A_557 = arith.constant 4 : i32
      %get3A_558 = arith.constant 4 : i32
      %get3A_559 = arith.index_cast %get3A_557 : i32 to index
      %get3A_560 = arith.index_cast %get3A_558 : i32 to index
      %get3A_561 = arith.constant 0 : index
      %get3A_562 = tpu.vector_load %arg11[%get3A_559, %get3A_560, %get3A_561] {strides = array<i32>} : memref<16x8x16xf32, #tpu.memory_space<vmem>>, vector<16xf32>,
      %add3A_563 = arith.addf %add3A_549, %get3A_562 : vector<16xf32>
      %get3A_564 = arith.constant 5 : i32
      %get3A_565 = arith.constant 0 : i32
      %get3A_566 = arith.index_cast %get3A_564 : i32 to index
      %get3A_567 = arith.index_cast %get3A_565 : i32 to index
      %get3A_568 = arith.constant 0 : index
      %get3A_569 = tpu.vector_load %arg11[%get3A_566, %get3A_567, %get3A_568] {strides = array<i32>} : memref<16x8x16xf32, #tpu.memory_space<vmem>>, vector<16xf32>,
      %add3A_570 = arith.addf %add3A_556, %get3A_569 : vector<16xf32>
      %get3A_571 = arith.constant 5 : i32
      %get3A_572 = arith.constant 4 : i32
      %get3A_573 = arith.index_cast %get3A_571 : i32 to index
      %get3A_574 = arith.index_cast %get3A_572 : i32 to index
      %get3A_575 = arith.constant 0 : index
      %get3A_576 = tpu.vector_load %arg11[%get3A_573, %get3A_574, %get3A_575] {strides = array<i32>} : memref<16x8x16xf32, #tpu.memory_space<vmem>>, vector<16xf32>,
      %add3A_577 = arith.addf %add3A_563, %get3A_576 : vector<16xf32>
      %get3A_578 = arith.constant 6 : i32
      %get3A_579 = arith.constant 0 : i32
      %get3A_580 = arith.index_cast %get3A_578 : i32 to index
      %get3A_581 = arith.index_cast %get3A_579 : i32 to index
      %get3A_582 = arith.constant 0 : index
      %get3A_583 = tpu.vector_load %arg11[%get3A_580, %get3A_581, %get3A_582] {strides = array<i32>} : memref<16x8x16xf32, #tpu.memory_space<vmem>>, vector<16xf32>,
      %add3A_584 = arith.addf %add3A_570, %get3A_583 : vector<16xf32>
      %get3A_585 = arith.constant 6 : i32
      %get3A_586 = arith.constant 4 : i32
      %get3A_587 = arith.index_cast %get3A_585 : i32 to index
      %get3A_588 = arith.index_cast %get3A_586 : i32 to index
      %get3A_589 = arith.constant 0 : index
      %get3A_590 = tpu.vector_load %arg11[%get3A_587, %get3A_588, %get3A_589] {strides = array<i32>} : memref<16x8x16xf32, #tpu.memory_space<vmem>>, vector<16xf32>,
      %add3A_591 = arith.addf %add3A_577, %get3A_590 : vector<16xf32>
      %get3A_592 = arith.constant 7 : i32
      %get3A_593 = arith.constant 0 : i32
      %get3A_594 = arith.index_cast %get3A_592 : i32 to index
      %get3A_595 = arith.index_cast %get3A_593 : i32 to index
      %get3A_596 = arith.constant 0 : index
      %get3A_597 = tpu.vector_load %arg11[%get3A_594, %get3A_595, %get3A_596] {strides = array<i32>} : memref<16x8x16xf32, #tpu.memory_space<vmem>>, vector<16xf32>,
      %add3A_598 = arith.addf %add3A_584, %get3A_597 : vector<16xf32>
      %get3A_599 = arith.constant 7 : i32
      %get3A_600 = arith.constant 4 : i32
      %get3A_601 = arith.index_cast %get3A_599 : i32 to index
      %get3A_602 = arith.index_cast %get3A_600 : i32 to index
      %get3A_603 = arith.constant 0 : index
      %get3A_604 = tpu.vector_load %arg11[%get3A_601, %get3A_602, %get3A_603] {strides = array<i32>} : memref<16x8x16xf32, #tpu.memory_space<vmem>>, vector<16xf32>,
      %add3A_605 = arith.addf %add3A_591, %get3A_604 : vector<16xf32>
      %gather3A = vector.shape_cast %reshape3A : vector<16x1xi32> to vector<16xi32>
      %gather3A_606 = tpu.dynamic_gather %add3A_598[%gather3A] in [0] : vector<16xf32>, vector<16xi32> -> vector<16xf32>
      %add3A_607 = arith.addf %add3A_598, %gather3A_606 : vector<16xf32>
      %gather3A_608 = vector.shape_cast %reshape3A_486 : vector<16x1xi32> to vector<16xi32>
      %gather3A_609 = tpu.dynamic_gather %add3A_607[%gather3A_608] in [0] : vector<16xf32>, vector<16xi32> -> vector<16xf32>
      %add3A_610 = arith.addf %add3A_607, %gather3A_609 : vector<16xf32>
      %gather3A_611 = vector.shape_cast %reshape3A_490 : vector<16x1xi32> to vector<16xi32>
      %gather3A_612 = tpu.dynamic_gather %add3A_610[%gather3A_611] in [0] : vector<16xf32>, vector<16xi32> -> vector<16xf32>
      %add3A_613 = arith.addf %add3A_610, %gather3A_612 : vector<16xf32>
      %gather3A_614 = vector.shape_cast %reshape3A_494 : vector<16x1xi32> to vector<16xi32>
      %gather3A_615 = tpu.dynamic_gather %add3A_613[%gather3A_614] in [0] : vector<16xf32>, vector<16xi32> -> vector<16xf32>
      %add3A_616 = arith.addf %add3A_613, %gather3A_615 : vector<16xf32>
      %gather3A_617 = vector.shape_cast %reshape3A : vector<16x1xi32> to vector<16xi32>
      %gather3A_618 = tpu.dynamic_gather %add3A_605[%gather3A_617] in [0] : vector<16xf32>, vector<16xi32> -> vector<16xf32>
      %add3A_619 = arith.addf %add3A_605, %gather3A_618 : vector<16xf32>
      %gather3A_620 = vector.shape_cast %reshape3A_486 : vector<16x1xi32> to vector<16xi32>
      %gather3A_621 = tpu.dynamic_gather %add3A_619[%gather3A_620] in [0] : vector<16xf32>, vector<16xi32> -> vector<16xf32>
      %add3A_622 = arith.addf %add3A_619, %gather3A_621 : vector<16xf32>
      %gather3A_623 = vector.shape_cast %reshape3A_490 : vector<16x1xi32> to vector<16xi32>
      %gather3A_624 = tpu.dynamic_gather %add3A_622[%gather3A_623] in [0] : vector<16xf32>, vector<16xi32> -> vector<16xf32>
      %add3A_625 = arith.addf %add3A_622, %gather3A_624 : vector<16xf32>
      %gather3A_626 = vector.shape_cast %reshape3A_494 : vector<16x1xi32> to vector<16xi32>
      %gather3A_627 = tpu.dynamic_gather %add3A_625[%gather3A_626] in [0] : vector<16xf32>, vector<16xi32> -> vector<16xf32>
      %add3A_628 = arith.addf %add3A_625, %gather3A_627 : vector<16xf32>
      %gt3A = arith.constant 0.000000e+00 : f32
      %gt3A_629 = vector.broadcast %gt3A : f32 to vector<16xf32>
      %gt3A_630 = arith.cmpf ogt, %add3A_628, %gt3A_629 : vector<16xf32>
      %max3A = arith.constant 1.000000e+00 : f32
      %max3A_631 = vector.broadcast %max3A : f32 to vector<16xf32>
      %max3A_632 = arith.maximumf %add3A_628, %max3A_631 : vector<16xf32>
      %div3A_633 = arith.divf %add3A_616, %max3A_632 : vector<16xf32>
      %select_n3A_634 = arith.select %gt3A_630, %div3A_633, %broadcast_in_dim3A_36 : vector<16xi1>, vector<16xf32>
      %add3A_635 = arith.addf %broadcast_in_dim3A_36, %select_n3A_634 : vector<16xf32>
      %get3A_636 = arith.constant 0 : i32
      %get3A_637 = arith.constant 1 : i32
      %get3A_638 = arith.index_cast %get3A_636 : i32 to index
      %get3A_639 = arith.index_cast %get3A_637 : i32 to index
      %get3A_640 = arith.constant 0 : index
      %get3A_641 = tpu.vector_load %arg11[%get3A_638, %get3A_639, %get3A_640] {strides = array<i32>} : memref<16x8x16xf32, #tpu.memory_space<vmem>>, vector<16xf32>,
      %add3A_642 = arith.addf %broadcast_in_dim3A_36, %get3A_641 : vector<16xf32>
      %get3A_643 = arith.constant 0 : i32
      %get3A_644 = arith.constant 5 : i32
      %get3A_645 = arith.index_cast %get3A_643 : i32 to index
      %get3A_646 = arith.index_cast %get3A_644 : i32 to index
      %get3A_647 = arith.constant 0 : index
      %get3A_648 = tpu.vector_load %arg11[%get3A_645, %get3A_646, %get3A_647] {strides = array<i32>} : memref<16x8x16xf32, #tpu.memory_space<vmem>>, vector<16xf32>,
      %add3A_649 = arith.addf %broadcast_in_dim3A_36, %get3A_648 : vector<16xf32>
      %get3A_650 = arith.constant 1 : i32
      %get3A_651 = arith.constant 1 : i32
      %get3A_652 = arith.index_cast %get3A_650 : i32 to index
      %get3A_653 = arith.index_cast %get3A_651 : i32 to index
      %get3A_654 = arith.constant 0 : index
      %get3A_655 = tpu.vector_load %arg11[%get3A_652, %get3A_653, %get3A_654] {strides = array<i32>} : memref<16x8x16xf32, #tpu.memory_space<vmem>>, vector<16xf32>,
      %add3A_656 = arith.addf %add3A_642, %get3A_655 : vector<16xf32>
      %get3A_657 = arith.constant 1 : i32
      %get3A_658 = arith.constant 5 : i32
      %get3A_659 = arith.index_cast %get3A_657 : i32 to index
      %get3A_660 = arith.index_cast %get3A_658 : i32 to index
      %get3A_661 = arith.constant 0 : index
      %get3A_662 = tpu.vector_load %arg11[%get3A_659, %get3A_660, %get3A_661] {strides = array<i32>} : memref<16x8x16xf32, #tpu.memory_space<vmem>>, vector<16xf32>,
      %add3A_663 = arith.addf %add3A_649, %get3A_662 : vector<16xf32>
      %get3A_664 = arith.constant 2 : i32
      %get3A_665 = arith.constant 1 : i32
      %get3A_666 = arith.index_cast %get3A_664 : i32 to index
      %get3A_667 = arith.index_cast %get3A_665 : i32 to index
      %get3A_668 = arith.constant 0 : index
      %get3A_669 = tpu.vector_load %arg11[%get3A_666, %get3A_667, %get3A_668] {strides = array<i32>} : memref<16x8x16xf32, #tpu.memory_space<vmem>>, vector<16xf32>,
      %add3A_670 = arith.addf %add3A_656, %get3A_669 : vector<16xf32>
      %get3A_671 = arith.constant 2 : i32
      %get3A_672 = arith.constant 5 : i32
      %get3A_673 = arith.index_cast %get3A_671 : i32 to index
      %get3A_674 = arith.index_cast %get3A_672 : i32 to index
      %get3A_675 = arith.constant 0 : index
      %get3A_676 = tpu.vector_load %arg11[%get3A_673, %get3A_674, %get3A_675] {strides = array<i32>} : memref<16x8x16xf32, #tpu.memory_space<vmem>>, vector<16xf32>,
      %add3A_677 = arith.addf %add3A_663, %get3A_676 : vector<16xf32>
      %get3A_678 = arith.constant 3 : i32
      %get3A_679 = arith.constant 1 : i32
      %get3A_680 = arith.index_cast %get3A_678 : i32 to index
      %get3A_681 = arith.index_cast %get3A_679 : i32 to index
      %get3A_682 = arith.constant 0 : index
      %get3A_683 = tpu.vector_load %arg11[%get3A_680, %get3A_681, %get3A_682] {strides = array<i32>} : memref<16x8x16xf32, #tpu.memory_space<vmem>>, vector<16xf32>,
      %add3A_684 = arith.addf %add3A_670, %get3A_683 : vector<16xf32>
      %get3A_685 = arith.constant 3 : i32
      %get3A_686 = arith.constant 5 : i32
      %get3A_687 = arith.index_cast %get3A_685 : i32 to index
      %get3A_688 = arith.index_cast %get3A_686 : i32 to index
      %get3A_689 = arith.constant 0 : index
      %get3A_690 = tpu.vector_load %arg11[%get3A_687, %get3A_688, %get3A_689] {strides = array<i32>} : memref<16x8x16xf32, #tpu.memory_space<vmem>>, vector<16xf32>,
      %add3A_691 = arith.addf %add3A_677, %get3A_690 : vector<16xf32>
      %get3A_692 = arith.constant 4 : i32
      %get3A_693 = arith.constant 1 : i32
      %get3A_694 = arith.index_cast %get3A_692 : i32 to index
      %get3A_695 = arith.index_cast %get3A_693 : i32 to index
      %get3A_696 = arith.constant 0 : index
      %get3A_697 = tpu.vector_load %arg11[%get3A_694, %get3A_695, %get3A_696] {strides = array<i32>} : memref<16x8x16xf32, #tpu.memory_space<vmem>>, vector<16xf32>,
      %add3A_698 = arith.addf %add3A_684, %get3A_697 : vector<16xf32>
      %get3A_699 = arith.constant 4 : i32
      %get3A_700 = arith.constant 5 : i32
      %get3A_701 = arith.index_cast %get3A_699 : i32 to index
      %get3A_702 = arith.index_cast %get3A_700 : i32 to index
      %get3A_703 = arith.constant 0 : index
      %get3A_704 = tpu.vector_load %arg11[%get3A_701, %get3A_702, %get3A_703] {strides = array<i32>} : memref<16x8x16xf32, #tpu.memory_space<vmem>>, vector<16xf32>,
      %add3A_705 = arith.addf %add3A_691, %get3A_704 : vector<16xf32>
      %get3A_706 = arith.constant 5 : i32
      %get3A_707 = arith.constant 1 : i32
      %get3A_708 = arith.index_cast %get3A_706 : i32 to index
      %get3A_709 = arith.index_cast %get3A_707 : i32 to index
      %get3A_710 = arith.constant 0 : index
      %get3A_711 = tpu.vector_load %arg11[%get3A_708, %get3A_709, %get3A_710] {strides = array<i32>} : memref<16x8x16xf32, #tpu.memory_space<vmem>>, vector<16xf32>,
      %add3A_712 = arith.addf %add3A_698, %get3A_711 : vector<16xf32>
      %get3A_713 = arith.constant 5 : i32
      %get3A_714 = arith.constant 5 : i32
      %get3A_715 = arith.index_cast %get3A_713 : i32 to index
      %get3A_716 = arith.index_cast %get3A_714 : i32 to index
      %get3A_717 = arith.constant 0 : index
      %get3A_718 = tpu.vector_load %arg11[%get3A_715, %get3A_716, %get3A_717] {strides = array<i32>} : memref<16x8x16xf32, #tpu.memory_space<vmem>>, vector<16xf32>,
      %add3A_719 = arith.addf %add3A_705, %get3A_718 : vector<16xf32>
      %get3A_720 = arith.constant 6 : i32
      %get3A_721 = arith.constant 1 : i32
      %get3A_722 = arith.index_cast %get3A_720 : i32 to index
      %get3A_723 = arith.index_cast %get3A_721 : i32 to index
      %get3A_724 = arith.constant 0 : index
      %get3A_725 = tpu.vector_load %arg11[%get3A_722, %get3A_723, %get3A_724] {strides = array<i32>} : memref<16x8x16xf32, #tpu.memory_space<vmem>>, vector<16xf32>,
      %add3A_726 = arith.addf %add3A_712, %get3A_725 : vector<16xf32>
      %get3A_727 = arith.constant 6 : i32
      %get3A_728 = arith.constant 5 : i32
      %get3A_729 = arith.index_cast %get3A_727 : i32 to index
      %get3A_730 = arith.index_cast %get3A_728 : i32 to index
      %get3A_731 = arith.constant 0 : index
      %get3A_732 = tpu.vector_load %arg11[%get3A_729, %get3A_730, %get3A_731] {strides = array<i32>} : memref<16x8x16xf32, #tpu.memory_space<vmem>>, vector<16xf32>,
      %add3A_733 = arith.addf %add3A_719, %get3A_732 : vector<16xf32>
      %get3A_734 = arith.constant 7 : i32
      %get3A_735 = arith.constant 1 : i32
      %get3A_736 = arith.index_cast %get3A_734 : i32 to index
      %get3A_737 = arith.index_cast %get3A_735 : i32 to index
      %get3A_738 = arith.constant 0 : index
      %get3A_739 = tpu.vector_load %arg11[%get3A_736, %get3A_737, %get3A_738] {strides = array<i32>} : memref<16x8x16xf32, #tpu.memory_space<vmem>>, vector<16xf32>,
      %add3A_740 = arith.addf %add3A_726, %get3A_739 : vector<16xf32>
      %get3A_741 = arith.constant 7 : i32
      %get3A_742 = arith.constant 5 : i32
      %get3A_743 = arith.index_cast %get3A_741 : i32 to index
      %get3A_744 = arith.index_cast %get3A_742 : i32 to index
      %get3A_745 = arith.constant 0 : index
      %get3A_746 = tpu.vector_load %arg11[%get3A_743, %get3A_744, %get3A_745] {strides = array<i32>} : memref<16x8x16xf32, #tpu.memory_space<vmem>>, vector<16xf32>,
      %add3A_747 = arith.addf %add3A_733, %get3A_746 : vector<16xf32>
      %gather3A_748 = vector.shape_cast %reshape3A : vector<16x1xi32> to vector<16xi32>
      %gather3A_749 = tpu.dynamic_gather %add3A_740[%gather3A_748] in [0] : vector<16xf32>, vector<16xi32> -> vector<16xf32>
      %add3A_750 = arith.addf %add3A_740, %gather3A_749 : vector<16xf32>
      %gather3A_751 = vector.shape_cast %reshape3A_486 : vector<16x1xi32> to vector<16xi32>
      %gather3A_752 = tpu.dynamic_gather %add3A_750[%gather3A_751] in [0] : vector<16xf32>, vector<16xi32> -> vector<16xf32>
      %add3A_753 = arith.addf %add3A_750, %gather3A_752 : vector<16xf32>
      %gather3A_754 = vector.shape_cast %reshape3A_490 : vector<16x1xi32> to vector<16xi32>
      %gather3A_755 = tpu.dynamic_gather %add3A_753[%gather3A_754] in [0] : vector<16xf32>, vector<16xi32> -> vector<16xf32>
      %add3A_756 = arith.addf %add3A_753, %gather3A_755 : vector<16xf32>
      %gather3A_757 = vector.shape_cast %reshape3A_494 : vector<16x1xi32> to vector<16xi32>
      %gather3A_758 = tpu.dynamic_gather %add3A_756[%gather3A_757] in [0] : vector<16xf32>, vector<16xi32> -> vector<16xf32>
      %add3A_759 = arith.addf %add3A_756, %gather3A_758 : vector<16xf32>
      %gather3A_760 = vector.shape_cast %reshape3A : vector<16x1xi32> to vector<16xi32>
      %gather3A_761 = tpu.dynamic_gather %add3A_747[%gather3A_760] in [0] : vector<16xf32>, vector<16xi32> -> vector<16xf32>
      %add3A_762 = arith.addf %add3A_747, %gather3A_761 : vector<16xf32>
      %gather3A_763 = vector.shape_cast %reshape3A_486 : vector<16x1xi32> to vector<16xi32>
      %gather3A_764 = tpu.dynamic_gather %add3A_762[%gather3A_763] in [0] : vector<16xf32>, vector<16xi32> -> vector<16xf32>
      %add3A_765 = arith.addf %add3A_762, %gather3A_764 : vector<16xf32>
      %gather3A_766 = vector.shape_cast %reshape3A_490 : vector<16x1xi32> to vector<16xi32>
      %gather3A_767 = tpu.dynamic_gather %add3A_765[%gather3A_766] in [0] : vector<16xf32>, vector<16xi32> -> vector<16xf32>
      %add3A_768 = arith.addf %add3A_765, %gather3A_767 : vector<16xf32>
      %gather3A_769 = vector.shape_cast %reshape3A_494 : vector<16x1xi32> to vector<16xi32>
      %gather3A_770 = tpu.dynamic_gather %add3A_768[%gather3A_769] in [0] : vector<16xf32>, vector<16xi32> -> vector<16xf32>
      %add3A_771 = arith.addf %add3A_768, %gather3A_770 : vector<16xf32>
      %gt3A_772 = arith.constant 0.000000e+00 : f32
      %gt3A_773 = vector.broadcast %gt3A_772 : f32 to vector<16xf32>
      %gt3A_774 = arith.cmpf ogt, %add3A_771, %gt3A_773 : vector<16xf32>
      %max3A_775 = arith.constant 1.000000e+00 : f32
      %max3A_776 = vector.broadcast %max3A_775 : f32 to vector<16xf32>
      %max3A_777 = arith.maximumf %add3A_771, %max3A_776 : vector<16xf32>
      %div3A_778 = arith.divf %add3A_759, %max3A_777 : vector<16xf32>
      %select_n3A_779 = arith.select %gt3A_774, %div3A_778, %broadcast_in_dim3A_36 : vector<16xi1>, vector<16xf32>
      %add3A_780 = arith.addf %add3A_635, %select_n3A_779 : vector<16xf32>
      %get3A_781 = arith.constant 0 : i32
      %get3A_782 = arith.constant 2 : i32
      %get3A_783 = arith.index_cast %get3A_781 : i32 to index
      %get3A_784 = arith.index_cast %get3A_782 : i32 to index
      %get3A_785 = arith.constant 0 : index
      %get3A_786 = tpu.vector_load %arg11[%get3A_783, %get3A_784, %get3A_785] {strides = array<i32>} : memref<16x8x16xf32, #tpu.memory_space<vmem>>, vector<16xf32>,
      %add3A_787 = arith.addf %broadcast_in_dim3A_36, %get3A_786 : vector<16xf32>
      %get3A_788 = arith.constant 0 : i32
      %get3A_789 = arith.constant 6 : i32
      %get3A_790 = arith.index_cast %get3A_788 : i32 to index
      %get3A_791 = arith.index_cast %get3A_789 : i32 to index
      %get3A_792 = arith.constant 0 : index
      %get3A_793 = tpu.vector_load %arg11[%get3A_790, %get3A_791, %get3A_792] {strides = array<i32>} : memref<16x8x16xf32, #tpu.memory_space<vmem>>, vector<16xf32>,
      %add3A_794 = arith.addf %broadcast_in_dim3A_36, %get3A_793 : vector<16xf32>
      %get3A_795 = arith.constant 1 : i32
      %get3A_796 = arith.constant 2 : i32
      %get3A_797 = arith.index_cast %get3A_795 : i32 to index
      %get3A_798 = arith.index_cast %get3A_796 : i32 to index
      %get3A_799 = arith.constant 0 : index
      %get3A_800 = tpu.vector_load %arg11[%get3A_797, %get3A_798, %get3A_799] {strides = array<i32>} : memref<16x8x16xf32, #tpu.memory_space<vmem>>, vector<16xf32>,
      %add3A_801 = arith.addf %add3A_787, %get3A_800 : vector<16xf32>
      %get3A_802 = arith.constant 1 : i32
      %get3A_803 = arith.constant 6 : i32
      %get3A_804 = arith.index_cast %get3A_802 : i32 to index
      %get3A_805 = arith.index_cast %get3A_803 : i32 to index
      %get3A_806 = arith.constant 0 : index
      %get3A_807 = tpu.vector_load %arg11[%get3A_804, %get3A_805, %get3A_806] {strides = array<i32>} : memref<16x8x16xf32, #tpu.memory_space<vmem>>, vector<16xf32>,
      %add3A_808 = arith.addf %add3A_794, %get3A_807 : vector<16xf32>
      %get3A_809 = arith.constant 2 : i32
      %get3A_810 = arith.constant 2 : i32
      %get3A_811 = arith.index_cast %get3A_809 : i32 to index
      %get3A_812 = arith.index_cast %get3A_810 : i32 to index
      %get3A_813 = arith.constant 0 : index
      %get3A_814 = tpu.vector_load %arg11[%get3A_811, %get3A_812, %get3A_813] {strides = array<i32>} : memref<16x8x16xf32, #tpu.memory_space<vmem>>, vector<16xf32>,
      %add3A_815 = arith.addf %add3A_801, %get3A_814 : vector<16xf32>
      %get3A_816 = arith.constant 2 : i32
      %get3A_817 = arith.constant 6 : i32
      %get3A_818 = arith.index_cast %get3A_816 : i32 to index
      %get3A_819 = arith.index_cast %get3A_817 : i32 to index
      %get3A_820 = arith.constant 0 : index
      %get3A_821 = tpu.vector_load %arg11[%get3A_818, %get3A_819, %get3A_820] {strides = array<i32>} : memref<16x8x16xf32, #tpu.memory_space<vmem>>, vector<16xf32>,
      %add3A_822 = arith.addf %add3A_808, %get3A_821 : vector<16xf32>
      %get3A_823 = arith.constant 3 : i32
      %get3A_824 = arith.constant 2 : i32
      %get3A_825 = arith.index_cast %get3A_823 : i32 to index
      %get3A_826 = arith.index_cast %get3A_824 : i32 to index
      %get3A_827 = arith.constant 0 : index
      %get3A_828 = tpu.vector_load %arg11[%get3A_825, %get3A_826, %get3A_827] {strides = array<i32>} : memref<16x8x16xf32, #tpu.memory_space<vmem>>, vector<16xf32>,
      %add3A_829 = arith.addf %add3A_815, %get3A_828 : vector<16xf32>
      %get3A_830 = arith.constant 3 : i32
      %get3A_831 = arith.constant 6 : i32
      %get3A_832 = arith.index_cast %get3A_830 : i32 to index
      %get3A_833 = arith.index_cast %get3A_831 : i32 to index
      %get3A_834 = arith.constant 0 : index
      %get3A_835 = tpu.vector_load %arg11[%get3A_832, %get3A_833, %get3A_834] {strides = array<i32>} : memref<16x8x16xf32, #tpu.memory_space<vmem>>, vector<16xf32>,
      %add3A_836 = arith.addf %add3A_822, %get3A_835 : vector<16xf32>
      %get3A_837 = arith.constant 4 : i32
      %get3A_838 = arith.constant 2 : i32
      %get3A_839 = arith.index_cast %get3A_837 : i32 to index
      %get3A_840 = arith.index_cast %get3A_838 : i32 to index
      %get3A_841 = arith.constant 0 : index
      %get3A_842 = tpu.vector_load %arg11[%get3A_839, %get3A_840, %get3A_841] {strides = array<i32>} : memref<16x8x16xf32, #tpu.memory_space<vmem>>, vector<16xf32>,
      %add3A_843 = arith.addf %add3A_829, %get3A_842 : vector<16xf32>
      %get3A_844 = arith.constant 4 : i32
      %get3A_845 = arith.constant 6 : i32
      %get3A_846 = arith.index_cast %get3A_844 : i32 to index
      %get3A_847 = arith.index_cast %get3A_845 : i32 to index
      %get3A_848 = arith.constant 0 : index
      %get3A_849 = tpu.vector_load %arg11[%get3A_846, %get3A_847, %get3A_848] {strides = array<i32>} : memref<16x8x16xf32, #tpu.memory_space<vmem>>, vector<16xf32>,
      %add3A_850 = arith.addf %add3A_836, %get3A_849 : vector<16xf32>
      %get3A_851 = arith.constant 5 : i32
      %get3A_852 = arith.constant 2 : i32
      %get3A_853 = arith.index_cast %get3A_851 : i32 to index
      %get3A_854 = arith.index_cast %get3A_852 : i32 to index
      %get3A_855 = arith.constant 0 : index
      %get3A_856 = tpu.vector_load %arg11[%get3A_853, %get3A_854, %get3A_855] {strides = array<i32>} : memref<16x8x16xf32, #tpu.memory_space<vmem>>, vector<16xf32>,
      %add3A_857 = arith.addf %add3A_843, %get3A_856 : vector<16xf32>
      %get3A_858 = arith.constant 5 : i32
      %get3A_859 = arith.constant 6 : i32
      %get3A_860 = arith.index_cast %get3A_858 : i32 to index
      %get3A_861 = arith.index_cast %get3A_859 : i32 to index
      %get3A_862 = arith.constant 0 : index
      %get3A_863 = tpu.vector_load %arg11[%get3A_860, %get3A_861, %get3A_862] {strides = array<i32>} : memref<16x8x16xf32, #tpu.memory_space<vmem>>, vector<16xf32>,
      %add3A_864 = arith.addf %add3A_850, %get3A_863 : vector<16xf32>
      %get3A_865 = arith.constant 6 : i32
      %get3A_866 = arith.constant 2 : i32
      %get3A_867 = arith.index_cast %get3A_865 : i32 to index
      %get3A_868 = arith.index_cast %get3A_866 : i32 to index
      %get3A_869 = arith.constant 0 : index
      %get3A_870 = tpu.vector_load %arg11[%get3A_867, %get3A_868, %get3A_869] {strides = array<i32>} : memref<16x8x16xf32, #tpu.memory_space<vmem>>, vector<16xf32>,
      %add3A_871 = arith.addf %add3A_857, %get3A_870 : vector<16xf32>
      %get3A_872 = arith.constant 6 : i32
      %get3A_873 = arith.constant 6 : i32
      %get3A_874 = arith.index_cast %get3A_872 : i32 to index
      %get3A_875 = arith.index_cast %get3A_873 : i32 to index
      %get3A_876 = arith.constant 0 : index
      %get3A_877 = tpu.vector_load %arg11[%get3A_874, %get3A_875, %get3A_876] {strides = array<i32>} : memref<16x8x16xf32, #tpu.memory_space<vmem>>, vector<16xf32>,
      %add3A_878 = arith.addf %add3A_864, %get3A_877 : vector<16xf32>
      %get3A_879 = arith.constant 7 : i32
      %get3A_880 = arith.constant 2 : i32
      %get3A_881 = arith.index_cast %get3A_879 : i32 to index
      %get3A_882 = arith.index_cast %get3A_880 : i32 to index
      %get3A_883 = arith.constant 0 : index
      %get3A_884 = tpu.vector_load %arg11[%get3A_881, %get3A_882, %get3A_883] {strides = array<i32>} : memref<16x8x16xf32, #tpu.memory_space<vmem>>, vector<16xf32>,
      %add3A_885 = arith.addf %add3A_871, %get3A_884 : vector<16xf32>
      %get3A_886 = arith.constant 7 : i32
      %get3A_887 = arith.constant 6 : i32
      %get3A_888 = arith.index_cast %get3A_886 : i32 to index
      %get3A_889 = arith.index_cast %get3A_887 : i32 to index
      %get3A_890 = arith.constant 0 : index
      %get3A_891 = tpu.vector_load %arg11[%get3A_888, %get3A_889, %get3A_890] {strides = array<i32>} : memref<16x8x16xf32, #tpu.memory_space<vmem>>, vector<16xf32>,
      %add3A_892 = arith.addf %add3A_878, %get3A_891 : vector<16xf32>
      %gather3A_893 = vector.shape_cast %reshape3A : vector<16x1xi32> to vector<16xi32>
      %gather3A_894 = tpu.dynamic_gather %add3A_885[%gather3A_893] in [0] : vector<16xf32>, vector<16xi32> -> vector<16xf32>
      %add3A_895 = arith.addf %add3A_885, %gather3A_894 : vector<16xf32>
      %gather3A_896 = vector.shape_cast %reshape3A_486 : vector<16x1xi32> to vector<16xi32>
      %gather3A_897 = tpu.dynamic_gather %add3A_895[%gather3A_896] in [0] : vector<16xf32>, vector<16xi32> -> vector<16xf32>
      %add3A_898 = arith.addf %add3A_895, %gather3A_897 : vector<16xf32>
      %gather3A_899 = vector.shape_cast %reshape3A_490 : vector<16x1xi32> to vector<16xi32>
      %gather3A_900 = tpu.dynamic_gather %add3A_898[%gather3A_899] in [0] : vector<16xf32>, vector<16xi32> -> vector<16xf32>
      %add3A_901 = arith.addf %add3A_898, %gather3A_900 : vector<16xf32>
      %gather3A_902 = vector.shape_cast %reshape3A_494 : vector<16x1xi32> to vector<16xi32>
      %gather3A_903 = tpu.dynamic_gather %add3A_901[%gather3A_902] in [0] : vector<16xf32>, vector<16xi32> -> vector<16xf32>
      %add3A_904 = arith.addf %add3A_901, %gather3A_903 : vector<16xf32>
      %gather3A_905 = vector.shape_cast %reshape3A : vector<16x1xi32> to vector<16xi32>
      %gather3A_906 = tpu.dynamic_gather %add3A_892[%gather3A_905] in [0] : vector<16xf32>, vector<16xi32> -> vector<16xf32>
      %add3A_907 = arith.addf %add3A_892, %gather3A_906 : vector<16xf32>
      %gather3A_908 = vector.shape_cast %reshape3A_486 : vector<16x1xi32> to vector<16xi32>
      %gather3A_909 = tpu.dynamic_gather %add3A_907[%gather3A_908] in [0] : vector<16xf32>, vector<16xi32> -> vector<16xf32>
      %add3A_910 = arith.addf %add3A_907, %gather3A_909 : vector<16xf32>
      %gather3A_911 = vector.shape_cast %reshape3A_490 : vector<16x1xi32> to vector<16xi32>
      %gather3A_912 = tpu.dynamic_gather %add3A_910[%gather3A_911] in [0] : vector<16xf32>, vector<16xi32> -> vector<16xf32>
      %add3A_913 = arith.addf %add3A_910, %gather3A_912 : vector<16xf32>
      %gather3A_914 = vector.shape_cast %reshape3A_494 : vector<16x1xi32> to vector<16xi32>
      %gather3A_915 = tpu.dynamic_gather %add3A_913[%gather3A_914] in [0] : vector<16xf32>, vector<16xi32> -> vector<16xf32>
      %add3A_916 = arith.addf %add3A_913, %gather3A_915 : vector<16xf32>
      %gt3A_917 = arith.constant 0.000000e+00 : f32
      %gt3A_918 = vector.broadcast %gt3A_917 : f32 to vector<16xf32>
      %gt3A_919 = arith.cmpf ogt, %add3A_916, %gt3A_918 : vector<16xf32>
      %max3A_920 = arith.constant 1.000000e+00 : f32
      %max3A_921 = vector.broadcast %max3A_920 : f32 to vector<16xf32>
      %max3A_922 = arith.maximumf %add3A_916, %max3A_921 : vector<16xf32>
      %div3A_923 = arith.divf %add3A_904, %max3A_922 : vector<16xf32>
      %select_n3A_924 = arith.select %gt3A_919, %div3A_923, %broadcast_in_dim3A_36 : vector<16xi1>, vector<16xf32>
      %add3A_925 = arith.addf %add3A_780, %select_n3A_924 : vector<16xf32>
      %get3A_926 = arith.constant 0 : i32
      %get3A_927 = arith.constant 3 : i32
      %get3A_928 = arith.index_cast %get3A_926 : i32 to index
      %get3A_929 = arith.index_cast %get3A_927 : i32 to index
      %get3A_930 = arith.constant 0 : index
      %get3A_931 = tpu.vector_load %arg11[%get3A_928, %get3A_929, %get3A_930] {strides = array<i32>} : memref<16x8x16xf32, #tpu.memory_space<vmem>>, vector<16xf32>,
      %add3A_932 = arith.addf %broadcast_in_dim3A_36, %get3A_931 : vector<16xf32>
      %get3A_933 = arith.constant 0 : i32
      %get3A_934 = arith.constant 7 : i32
      %get3A_935 = arith.index_cast %get3A_933 : i32 to index
      %get3A_936 = arith.index_cast %get3A_934 : i32 to index
      %get3A_937 = arith.constant 0 : index
      %get3A_938 = tpu.vector_load %arg11[%get3A_935, %get3A_936, %get3A_937] {strides = array<i32>} : memref<16x8x16xf32, #tpu.memory_space<vmem>>, vector<16xf32>,
      %add3A_939 = arith.addf %broadcast_in_dim3A_36, %get3A_938 : vector<16xf32>
      %get3A_940 = arith.constant 1 : i32
      %get3A_941 = arith.constant 3 : i32
      %get3A_942 = arith.index_cast %get3A_940 : i32 to index
      %get3A_943 = arith.index_cast %get3A_941 : i32 to index
      %get3A_944 = arith.constant 0 : index
      %get3A_945 = tpu.vector_load %arg11[%get3A_942, %get3A_943, %get3A_944] {strides = array<i32>} : memref<16x8x16xf32, #tpu.memory_space<vmem>>, vector<16xf32>,
      %add3A_946 = arith.addf %add3A_932, %get3A_945 : vector<16xf32>
      %get3A_947 = arith.constant 1 : i32
      %get3A_948 = arith.constant 7 : i32
      %get3A_949 = arith.index_cast %get3A_947 : i32 to index
      %get3A_950 = arith.index_cast %get3A_948 : i32 to index
      %get3A_951 = arith.constant 0 : index
      %get3A_952 = tpu.vector_load %arg11[%get3A_949, %get3A_950, %get3A_951] {strides = array<i32>} : memref<16x8x16xf32, #tpu.memory_space<vmem>>, vector<16xf32>,
      %add3A_953 = arith.addf %add3A_939, %get3A_952 : vector<16xf32>
      %get3A_954 = arith.constant 2 : i32
      %get3A_955 = arith.constant 3 : i32
      %get3A_956 = arith.index_cast %get3A_954 : i32 to index
      %get3A_957 = arith.index_cast %get3A_955 : i32 to index
      %get3A_958 = arith.constant 0 : index
      %get3A_959 = tpu.vector_load %arg11[%get3A_956, %get3A_957, %get3A_958] {strides = array<i32>} : memref<16x8x16xf32, #tpu.memory_space<vmem>>, vector<16xf32>,
      %add3A_960 = arith.addf %add3A_946, %get3A_959 : vector<16xf32>
      %get3A_961 = arith.constant 2 : i32
      %get3A_962 = arith.constant 7 : i32
      %get3A_963 = arith.index_cast %get3A_961 : i32 to index
      %get3A_964 = arith.index_cast %get3A_962 : i32 to index
      %get3A_965 = arith.constant 0 : index
      %get3A_966 = tpu.vector_load %arg11[%get3A_963, %get3A_964, %get3A_965] {strides = array<i32>} : memref<16x8x16xf32, #tpu.memory_space<vmem>>, vector<16xf32>,
      %add3A_967 = arith.addf %add3A_953, %get3A_966 : vector<16xf32>
      %get3A_968 = arith.constant 3 : i32
      %get3A_969 = arith.constant 3 : i32
      %get3A_970 = arith.index_cast %get3A_968 : i32 to index
      %get3A_971 = arith.index_cast %get3A_969 : i32 to index
      %get3A_972 = arith.constant 0 : index
      %get3A_973 = tpu.vector_load %arg11[%get3A_970, %get3A_971, %get3A_972] {strides = array<i32>} : memref<16x8x16xf32, #tpu.memory_space<vmem>>, vector<16xf32>,
      %add3A_974 = arith.addf %add3A_960, %get3A_973 : vector<16xf32>
      %get3A_975 = arith.constant 3 : i32
      %get3A_976 = arith.constant 7 : i32
      %get3A_977 = arith.index_cast %get3A_975 : i32 to index
      %get3A_978 = arith.index_cast %get3A_976 : i32 to index
      %get3A_979 = arith.constant 0 : index
      %get3A_980 = tpu.vector_load %arg11[%get3A_977, %get3A_978, %get3A_979] {strides = array<i32>} : memref<16x8x16xf32, #tpu.memory_space<vmem>>, vector<16xf32>,
      %add3A_981 = arith.addf %add3A_967, %get3A_980 : vector<16xf32>
      %get3A_982 = arith.constant 4 : i32
      %get3A_983 = arith.constant 3 : i32
      %get3A_984 = arith.index_cast %get3A_982 : i32 to index
      %get3A_985 = arith.index_cast %get3A_983 : i32 to index
      %get3A_986 = arith.constant 0 : index
      %get3A_987 = tpu.vector_load %arg11[%get3A_984, %get3A_985, %get3A_986] {strides = array<i32>} : memref<16x8x16xf32, #tpu.memory_space<vmem>>, vector<16xf32>,
      %add3A_988 = arith.addf %add3A_974, %get3A_987 : vector<16xf32>
      %get3A_989 = arith.constant 4 : i32
      %get3A_990 = arith.constant 7 : i32
      %get3A_991 = arith.index_cast %get3A_989 : i32 to index
      %get3A_992 = arith.index_cast %get3A_990 : i32 to index
      %get3A_993 = arith.constant 0 : index
      %get3A_994 = tpu.vector_load %arg11[%get3A_991, %get3A_992, %get3A_993] {strides = array<i32>} : memref<16x8x16xf32, #tpu.memory_space<vmem>>, vector<16xf32>,
      %add3A_995 = arith.addf %add3A_981, %get3A_994 : vector<16xf32>
      %get3A_996 = arith.constant 5 : i32
      %get3A_997 = arith.constant 3 : i32
      %get3A_998 = arith.index_cast %get3A_996 : i32 to index
      %get3A_999 = arith.index_cast %get3A_997 : i32 to index
      %get3A_1000 = arith.constant 0 : index
      %get3A_1001 = tpu.vector_load %arg11[%get3A_998, %get3A_999, %get3A_1000] {strides = array<i32>} : memref<16x8x16xf32, #tpu.memory_space<vmem>>, vector<16xf32>,
      %add3A_1002 = arith.addf %add3A_988, %get3A_1001 : vector<16xf32>
      %get3A_1003 = arith.constant 5 : i32
      %get3A_1004 = arith.constant 7 : i32
      %get3A_1005 = arith.index_cast %get3A_1003 : i32 to index
      %get3A_1006 = arith.index_cast %get3A_1004 : i32 to index
      %get3A_1007 = arith.constant 0 : index
      %get3A_1008 = tpu.vector_load %arg11[%get3A_1005, %get3A_1006, %get3A_1007] {strides = array<i32>} : memref<16x8x16xf32, #tpu.memory_space<vmem>>, vector<16xf32>,
      %add3A_1009 = arith.addf %add3A_995, %get3A_1008 : vector<16xf32>
      %get3A_1010 = arith.constant 6 : i32
      %get3A_1011 = arith.constant 3 : i32
      %get3A_1012 = arith.index_cast %get3A_1010 : i32 to index
      %get3A_1013 = arith.index_cast %get3A_1011 : i32 to index
      %get3A_1014 = arith.constant 0 : index
      %get3A_1015 = tpu.vector_load %arg11[%get3A_1012, %get3A_1013, %get3A_1014] {strides = array<i32>} : memref<16x8x16xf32, #tpu.memory_space<vmem>>, vector<16xf32>,
      %add3A_1016 = arith.addf %add3A_1002, %get3A_1015 : vector<16xf32>
      %get3A_1017 = arith.constant 6 : i32
      %get3A_1018 = arith.constant 7 : i32
      %get3A_1019 = arith.index_cast %get3A_1017 : i32 to index
      %get3A_1020 = arith.index_cast %get3A_1018 : i32 to index
      %get3A_1021 = arith.constant 0 : index
      %get3A_1022 = tpu.vector_load %arg11[%get3A_1019, %get3A_1020, %get3A_1021] {strides = array<i32>} : memref<16x8x16xf32, #tpu.memory_space<vmem>>, vector<16xf32>,
      %add3A_1023 = arith.addf %add3A_1009, %get3A_1022 : vector<16xf32>
      %get3A_1024 = arith.constant 7 : i32
      %get3A_1025 = arith.constant 3 : i32
      %get3A_1026 = arith.index_cast %get3A_1024 : i32 to index
      %get3A_1027 = arith.index_cast %get3A_1025 : i32 to index
      %get3A_1028 = arith.constant 0 : index
      %get3A_1029 = tpu.vector_load %arg11[%get3A_1026, %get3A_1027, %get3A_1028] {strides = array<i32>} : memref<16x8x16xf32, #tpu.memory_space<vmem>>, vector<16xf32>,
      %add3A_1030 = arith.addf %add3A_1016, %get3A_1029 : vector<16xf32>
      %get3A_1031 = arith.constant 7 : i32
      %get3A_1032 = arith.constant 7 : i32
      %get3A_1033 = arith.index_cast %get3A_1031 : i32 to index
      %get3A_1034 = arith.index_cast %get3A_1032 : i32 to index
      %get3A_1035 = arith.constant 0 : index
      %get3A_1036 = tpu.vector_load %arg11[%get3A_1033, %get3A_1034, %get3A_1035] {strides = array<i32>} : memref<16x8x16xf32, #tpu.memory_space<vmem>>, vector<16xf32>,
      %add3A_1037 = arith.addf %add3A_1023, %get3A_1036 : vector<16xf32>
      %gather3A_1038 = vector.shape_cast %reshape3A : vector<16x1xi32> to vector<16xi32>
      %gather3A_1039 = tpu.dynamic_gather %add3A_1030[%gather3A_1038] in [0] : vector<16xf32>, vector<16xi32> -> vector<16xf32>
      %add3A_1040 = arith.addf %add3A_1030, %gather3A_1039 : vector<16xf32>
      %gather3A_1041 = vector.shape_cast %reshape3A_486 : vector<16x1xi32> to vector<16xi32>
      %gather3A_1042 = tpu.dynamic_gather %add3A_1040[%gather3A_1041] in [0] : vector<16xf32>, vector<16xi32> -> vector<16xf32>
      %add3A_1043 = arith.addf %add3A_1040, %gather3A_1042 : vector<16xf32>
      %gather3A_1044 = vector.shape_cast %reshape3A_490 : vector<16x1xi32> to vector<16xi32>
      %gather3A_1045 = tpu.dynamic_gather %add3A_1043[%gather3A_1044] in [0] : vector<16xf32>, vector<16xi32> -> vector<16xf32>
      %add3A_1046 = arith.addf %add3A_1043, %gather3A_1045 : vector<16xf32>
      %gather3A_1047 = vector.shape_cast %reshape3A_494 : vector<16x1xi32> to vector<16xi32>
      %gather3A_1048 = tpu.dynamic_gather %add3A_1046[%gather3A_1047] in [0] : vector<16xf32>, vector<16xi32> -> vector<16xf32>
      %add3A_1049 = arith.addf %add3A_1046, %gather3A_1048 : vector<16xf32>
      %gather3A_1050 = vector.shape_cast %reshape3A : vector<16x1xi32> to vector<16xi32>
      %gather3A_1051 = tpu.dynamic_gather %add3A_1037[%gather3A_1050] in [0] : vector<16xf32>, vector<16xi32> -> vector<16xf32>
      %add3A_1052 = arith.addf %add3A_1037, %gather3A_1051 : vector<16xf32>
      %gather3A_1053 = vector.shape_cast %reshape3A_486 : vector<16x1xi32> to vector<16xi32>
      %gather3A_1054 = tpu.dynamic_gather %add3A_1052[%gather3A_1053] in [0] : vector<16xf32>, vector<16xi32> -> vector<16xf32>
      %add3A_1055 = arith.addf %add3A_1052, %gather3A_1054 : vector<16xf32>
      %gather3A_1056 = vector.shape_cast %reshape3A_490 : vector<16x1xi32> to vector<16xi32>
      %gather3A_1057 = tpu.dynamic_gather %add3A_1055[%gather3A_1056] in [0] : vector<16xf32>, vector<16xi32> -> vector<16xf32>
      %add3A_1058 = arith.addf %add3A_1055, %gather3A_1057 : vector<16xf32>
      %gather3A_1059 = vector.shape_cast %reshape3A_494 : vector<16x1xi32> to vector<16xi32>
      %gather3A_1060 = tpu.dynamic_gather %add3A_1058[%gather3A_1059] in [0] : vector<16xf32>, vector<16xi32> -> vector<16xf32>
      %add3A_1061 = arith.addf %add3A_1058, %gather3A_1060 : vector<16xf32>
      %gt3A_1062 = arith.constant 0.000000e+00 : f32
      %gt3A_1063 = vector.broadcast %gt3A_1062 : f32 to vector<16xf32>
      %gt3A_1064 = arith.cmpf ogt, %add3A_1061, %gt3A_1063 : vector<16xf32>
      %max3A_1065 = arith.constant 1.000000e+00 : f32
      %max3A_1066 = vector.broadcast %max3A_1065 : f32 to vector<16xf32>
      %max3A_1067 = arith.maximumf %add3A_1061, %max3A_1066 : vector<16xf32>
      %div3A_1068 = arith.divf %add3A_1049, %max3A_1067 : vector<16xf32>
      %select_n3A_1069 = arith.select %gt3A_1064, %div3A_1068, %broadcast_in_dim3A_36 : vector<16xi1>, vector<16xf32>
      %add3A_1070 = arith.addf %add3A_925, %select_n3A_1069 : vector<16xf32>
      %get3A_1071 = arith.constant 8 : i32
      %get3A_1072 = arith.constant 0 : i32
      %get3A_1073 = arith.index_cast %get3A_1071 : i32 to index
      %get3A_1074 = arith.index_cast %get3A_1072 : i32 to index
      %get3A_1075 = arith.constant 0 : index
      %get3A_1076 = tpu.vector_load %arg11[%get3A_1073, %get3A_1074, %get3A_1075] {strides = array<i32>} : memref<16x8x16xf32, #tpu.memory_space<vmem>>, vector<16xf32>,
      %add3A_1077 = arith.addf %broadcast_in_dim3A_36, %get3A_1076 : vector<16xf32>
      %get3A_1078 = arith.constant 8 : i32
      %get3A_1079 = arith.constant 4 : i32
      %get3A_1080 = arith.index_cast %get3A_1078 : i32 to index
      %get3A_1081 = arith.index_cast %get3A_1079 : i32 to index
      %get3A_1082 = arith.constant 0 : index
      %get3A_1083 = tpu.vector_load %arg11[%get3A_1080, %get3A_1081, %get3A_1082] {strides = array<i32>} : memref<16x8x16xf32, #tpu.memory_space<vmem>>, vector<16xf32>,
      %add3A_1084 = arith.addf %broadcast_in_dim3A_36, %get3A_1083 : vector<16xf32>
      %get3A_1085 = arith.constant 9 : i32
      %get3A_1086 = arith.constant 0 : i32
      %get3A_1087 = arith.index_cast %get3A_1085 : i32 to index
      %get3A_1088 = arith.index_cast %get3A_1086 : i32 to index
      %get3A_1089 = arith.constant 0 : index
      %get3A_1090 = tpu.vector_load %arg11[%get3A_1087, %get3A_1088, %get3A_1089] {strides = array<i32>} : memref<16x8x16xf32, #tpu.memory_space<vmem>>, vector<16xf32>,
      %add3A_1091 = arith.addf %add3A_1077, %get3A_1090 : vector<16xf32>
      %get3A_1092 = arith.constant 9 : i32
      %get3A_1093 = arith.constant 4 : i32
      %get3A_1094 = arith.index_cast %get3A_1092 : i32 to index
      %get3A_1095 = arith.index_cast %get3A_1093 : i32 to index
      %get3A_1096 = arith.constant 0 : index
      %get3A_1097 = tpu.vector_load %arg11[%get3A_1094, %get3A_1095, %get3A_1096] {strides = array<i32>} : memref<16x8x16xf32, #tpu.memory_space<vmem>>, vector<16xf32>,
      %add3A_1098 = arith.addf %add3A_1084, %get3A_1097 : vector<16xf32>
      %get3A_1099 = arith.constant 10 : i32
      %get3A_1100 = arith.constant 0 : i32
      %get3A_1101 = arith.index_cast %get3A_1099 : i32 to index
      %get3A_1102 = arith.index_cast %get3A_1100 : i32 to index
      %get3A_1103 = arith.constant 0 : index
      %get3A_1104 = tpu.vector_load %arg11[%get3A_1101, %get3A_1102, %get3A_1103] {strides = array<i32>} : memref<16x8x16xf32, #tpu.memory_space<vmem>>, vector<16xf32>,
      %add3A_1105 = arith.addf %add3A_1091, %get3A_1104 : vector<16xf32>
      %get3A_1106 = arith.constant 10 : i32
      %get3A_1107 = arith.constant 4 : i32
      %get3A_1108 = arith.index_cast %get3A_1106 : i32 to index
      %get3A_1109 = arith.index_cast %get3A_1107 : i32 to index
      %get3A_1110 = arith.constant 0 : index
      %get3A_1111 = tpu.vector_load %arg11[%get3A_1108, %get3A_1109, %get3A_1110] {strides = array<i32>} : memref<16x8x16xf32, #tpu.memory_space<vmem>>, vector<16xf32>,
      %add3A_1112 = arith.addf %add3A_1098, %get3A_1111 : vector<16xf32>
      %get3A_1113 = arith.constant 11 : i32
      %get3A_1114 = arith.constant 0 : i32
      %get3A_1115 = arith.index_cast %get3A_1113 : i32 to index
      %get3A_1116 = arith.index_cast %get3A_1114 : i32 to index
      %get3A_1117 = arith.constant 0 : index
      %get3A_1118 = tpu.vector_load %arg11[%get3A_1115, %get3A_1116, %get3A_1117] {strides = array<i32>} : memref<16x8x16xf32, #tpu.memory_space<vmem>>, vector<16xf32>,
      %add3A_1119 = arith.addf %add3A_1105, %get3A_1118 : vector<16xf32>
      %get3A_1120 = arith.constant 11 : i32
      %get3A_1121 = arith.constant 4 : i32
      %get3A_1122 = arith.index_cast %get3A_1120 : i32 to index
      %get3A_1123 = arith.index_cast %get3A_1121 : i32 to index
      %get3A_1124 = arith.constant 0 : index
      %get3A_1125 = tpu.vector_load %arg11[%get3A_1122, %get3A_1123, %get3A_1124] {strides = array<i32>} : memref<16x8x16xf32, #tpu.memory_space<vmem>>, vector<16xf32>,
      %add3A_1126 = arith.addf %add3A_1112, %get3A_1125 : vector<16xf32>
      %get3A_1127 = arith.constant 12 : i32
      %get3A_1128 = arith.constant 0 : i32
      %get3A_1129 = arith.index_cast %get3A_1127 : i32 to index
      %get3A_1130 = arith.index_cast %get3A_1128 : i32 to index
      %get3A_1131 = arith.constant 0 : index
      %get3A_1132 = tpu.vector_load %arg11[%get3A_1129, %get3A_1130, %get3A_1131] {strides = array<i32>} : memref<16x8x16xf32, #tpu.memory_space<vmem>>, vector<16xf32>,
      %add3A_1133 = arith.addf %add3A_1119, %get3A_1132 : vector<16xf32>
      %get3A_1134 = arith.constant 12 : i32
      %get3A_1135 = arith.constant 4 : i32
      %get3A_1136 = arith.index_cast %get3A_1134 : i32 to index
      %get3A_1137 = arith.index_cast %get3A_1135 : i32 to index
      %get3A_1138 = arith.constant 0 : index
      %get3A_1139 = tpu.vector_load %arg11[%get3A_1136, %get3A_1137, %get3A_1138] {strides = array<i32>} : memref<16x8x16xf32, #tpu.memory_space<vmem>>, vector<16xf32>,
      %add3A_1140 = arith.addf %add3A_1126, %get3A_1139 : vector<16xf32>
      %get3A_1141 = arith.constant 13 : i32
      %get3A_1142 = arith.constant 0 : i32
      %get3A_1143 = arith.index_cast %get3A_1141 : i32 to index
      %get3A_1144 = arith.index_cast %get3A_1142 : i32 to index
      %get3A_1145 = arith.constant 0 : index
      %get3A_1146 = tpu.vector_load %arg11[%get3A_1143, %get3A_1144, %get3A_1145] {strides = array<i32>} : memref<16x8x16xf32, #tpu.memory_space<vmem>>, vector<16xf32>,
      %add3A_1147 = arith.addf %add3A_1133, %get3A_1146 : vector<16xf32>
      %get3A_1148 = arith.constant 13 : i32
      %get3A_1149 = arith.constant 4 : i32
      %get3A_1150 = arith.index_cast %get3A_1148 : i32 to index
      %get3A_1151 = arith.index_cast %get3A_1149 : i32 to index
      %get3A_1152 = arith.constant 0 : index
      %get3A_1153 = tpu.vector_load %arg11[%get3A_1150, %get3A_1151, %get3A_1152] {strides = array<i32>} : memref<16x8x16xf32, #tpu.memory_space<vmem>>, vector<16xf32>,
      %add3A_1154 = arith.addf %add3A_1140, %get3A_1153 : vector<16xf32>
      %get3A_1155 = arith.constant 14 : i32
      %get3A_1156 = arith.constant 0 : i32
      %get3A_1157 = arith.index_cast %get3A_1155 : i32 to index
      %get3A_1158 = arith.index_cast %get3A_1156 : i32 to index
      %get3A_1159 = arith.constant 0 : index
      %get3A_1160 = tpu.vector_load %arg11[%get3A_1157, %get3A_1158, %get3A_1159] {strides = array<i32>} : memref<16x8x16xf32, #tpu.memory_space<vmem>>, vector<16xf32>,
      %add3A_1161 = arith.addf %add3A_1147, %get3A_1160 : vector<16xf32>
      %get3A_1162 = arith.constant 14 : i32
      %get3A_1163 = arith.constant 4 : i32
      %get3A_1164 = arith.index_cast %get3A_1162 : i32 to index
      %get3A_1165 = arith.index_cast %get3A_1163 : i32 to index
      %get3A_1166 = arith.constant 0 : index
      %get3A_1167 = tpu.vector_load %arg11[%get3A_1164, %get3A_1165, %get3A_1166] {strides = array<i32>} : memref<16x8x16xf32, #tpu.memory_space<vmem>>, vector<16xf32>,
      %add3A_1168 = arith.addf %add3A_1154, %get3A_1167 : vector<16xf32>
      %get3A_1169 = arith.constant 15 : i32
      %get3A_1170 = arith.constant 0 : i32
      %get3A_1171 = arith.index_cast %get3A_1169 : i32 to index
      %get3A_1172 = arith.index_cast %get3A_1170 : i32 to index
      %get3A_1173 = arith.constant 0 : index
      %get3A_1174 = tpu.vector_load %arg11[%get3A_1171, %get3A_1172, %get3A_1173] {strides = array<i32>} : memref<16x8x16xf32, #tpu.memory_space<vmem>>, vector<16xf32>,
      %add3A_1175 = arith.addf %add3A_1161, %get3A_1174 : vector<16xf32>
      %get3A_1176 = arith.constant 15 : i32
      %get3A_1177 = arith.constant 4 : i32
      %get3A_1178 = arith.index_cast %get3A_1176 : i32 to index
      %get3A_1179 = arith.index_cast %get3A_1177 : i32 to index
      %get3A_1180 = arith.constant 0 : index
      %get3A_1181 = tpu.vector_load %arg11[%get3A_1178, %get3A_1179, %get3A_1180] {strides = array<i32>} : memref<16x8x16xf32, #tpu.memory_space<vmem>>, vector<16xf32>,
      %add3A_1182 = arith.addf %add3A_1168, %get3A_1181 : vector<16xf32>
      %gather3A_1183 = vector.shape_cast %reshape3A : vector<16x1xi32> to vector<16xi32>
      %gather3A_1184 = tpu.dynamic_gather %add3A_1175[%gather3A_1183] in [0] : vector<16xf32>, vector<16xi32> -> vector<16xf32>
      %add3A_1185 = arith.addf %add3A_1175, %gather3A_1184 : vector<16xf32>
      %gather3A_1186 = vector.shape_cast %reshape3A_486 : vector<16x1xi32> to vector<16xi32>
      %gather3A_1187 = tpu.dynamic_gather %add3A_1185[%gather3A_1186] in [0] : vector<16xf32>, vector<16xi32> -> vector<16xf32>
      %add3A_1188 = arith.addf %add3A_1185, %gather3A_1187 : vector<16xf32>
      %gather3A_1189 = vector.shape_cast %reshape3A_490 : vector<16x1xi32> to vector<16xi32>
      %gather3A_1190 = tpu.dynamic_gather %add3A_1188[%gather3A_1189] in [0] : vector<16xf32>, vector<16xi32> -> vector<16xf32>
      %add3A_1191 = arith.addf %add3A_1188, %gather3A_1190 : vector<16xf32>
      %gather3A_1192 = vector.shape_cast %reshape3A_494 : vector<16x1xi32> to vector<16xi32>
      %gather3A_1193 = tpu.dynamic_gather %add3A_1191[%gather3A_1192] in [0] : vector<16xf32>, vector<16xi32> -> vector<16xf32>
      %add3A_1194 = arith.addf %add3A_1191, %gather3A_1193 : vector<16xf32>
      %gather3A_1195 = vector.shape_cast %reshape3A : vector<16x1xi32> to vector<16xi32>
      %gather3A_1196 = tpu.dynamic_gather %add3A_1182[%gather3A_1195] in [0] : vector<16xf32>, vector<16xi32> -> vector<16xf32>
      %add3A_1197 = arith.addf %add3A_1182, %gather3A_1196 : vector<16xf32>
      %gather3A_1198 = vector.shape_cast %reshape3A_486 : vector<16x1xi32> to vector<16xi32>
      %gather3A_1199 = tpu.dynamic_gather %add3A_1197[%gather3A_1198] in [0] : vector<16xf32>, vector<16xi32> -> vector<16xf32>
      %add3A_1200 = arith.addf %add3A_1197, %gather3A_1199 : vector<16xf32>
      %gather3A_1201 = vector.shape_cast %reshape3A_490 : vector<16x1xi32> to vector<16xi32>
      %gather3A_1202 = tpu.dynamic_gather %add3A_1200[%gather3A_1201] in [0] : vector<16xf32>, vector<16xi32> -> vector<16xf32>
      %add3A_1203 = arith.addf %add3A_1200, %gather3A_1202 : vector<16xf32>
      %gather3A_1204 = vector.shape_cast %reshape3A_494 : vector<16x1xi32> to vector<16xi32>
      %gather3A_1205 = tpu.dynamic_gather %add3A_1203[%gather3A_1204] in [0] : vector<16xf32>, vector<16xi32> -> vector<16xf32>
      %add3A_1206 = arith.addf %add3A_1203, %gather3A_1205 : vector<16xf32>
      %gt3A_1207 = arith.constant 0.000000e+00 : f32
      %gt3A_1208 = vector.broadcast %gt3A_1207 : f32 to vector<16xf32>
      %gt3A_1209 = arith.cmpf ogt, %add3A_1206, %gt3A_1208 : vector<16xf32>
      %max3A_1210 = arith.constant 1.000000e+00 : f32
      %max3A_1211 = vector.broadcast %max3A_1210 : f32 to vector<16xf32>
      %max3A_1212 = arith.maximumf %add3A_1206, %max3A_1211 : vector<16xf32>
      %div3A_1213 = arith.divf %add3A_1194, %max3A_1212 : vector<16xf32>
      %select_n3A_1214 = arith.select %gt3A_1209, %div3A_1213, %broadcast_in_dim3A_36 : vector<16xi1>, vector<16xf32>
      %add3A_1215 = arith.addf %add3A_1070, %select_n3A_1214 : vector<16xf32>
      %get3A_1216 = arith.constant 8 : i32
      %get3A_1217 = arith.constant 1 : i32
      %get3A_1218 = arith.index_cast %get3A_1216 : i32 to index
      %get3A_1219 = arith.index_cast %get3A_1217 : i32 to index
      %get3A_1220 = arith.constant 0 : index
      %get3A_1221 = tpu.vector_load %arg11[%get3A_1218, %get3A_1219, %get3A_1220] {strides = array<i32>} : memref<16x8x16xf32, #tpu.memory_space<vmem>>, vector<16xf32>,
      %add3A_1222 = arith.addf %broadcast_in_dim3A_36, %get3A_1221 : vector<16xf32>
      %get3A_1223 = arith.constant 8 : i32
      %get3A_1224 = arith.constant 5 : i32
      %get3A_1225 = arith.index_cast %get3A_1223 : i32 to index
      %get3A_1226 = arith.index_cast %get3A_1224 : i32 to index
      %get3A_1227 = arith.constant 0 : index
      %get3A_1228 = tpu.vector_load %arg11[%get3A_1225, %get3A_1226, %get3A_1227] {strides = array<i32>} : memref<16x8x16xf32, #tpu.memory_space<vmem>>, vector<16xf32>,
      %add3A_1229 = arith.addf %broadcast_in_dim3A_36, %get3A_1228 : vector<16xf32>
      %get3A_1230 = arith.constant 9 : i32
      %get3A_1231 = arith.constant 1 : i32
      %get3A_1232 = arith.index_cast %get3A_1230 : i32 to index
      %get3A_1233 = arith.index_cast %get3A_1231 : i32 to index
      %get3A_1234 = arith.constant 0 : index
      %get3A_1235 = tpu.vector_load %arg11[%get3A_1232, %get3A_1233, %get3A_1234] {strides = array<i32>} : memref<16x8x16xf32, #tpu.memory_space<vmem>>, vector<16xf32>,
      %add3A_1236 = arith.addf %add3A_1222, %get3A_1235 : vector<16xf32>
      %get3A_1237 = arith.constant 9 : i32
      %get3A_1238 = arith.constant 5 : i32
      %get3A_1239 = arith.index_cast %get3A_1237 : i32 to index
      %get3A_1240 = arith.index_cast %get3A_1238 : i32 to index
      %get3A_1241 = arith.constant 0 : index
      %get3A_1242 = tpu.vector_load %arg11[%get3A_1239, %get3A_1240, %get3A_1241] {strides = array<i32>} : memref<16x8x16xf32, #tpu.memory_space<vmem>>, vector<16xf32>,
      %add3A_1243 = arith.addf %add3A_1229, %get3A_1242 : vector<16xf32>
      %get3A_1244 = arith.constant 10 : i32
      %get3A_1245 = arith.constant 1 : i32
      %get3A_1246 = arith.index_cast %get3A_1244 : i32 to index
      %get3A_1247 = arith.index_cast %get3A_1245 : i32 to index
      %get3A_1248 = arith.constant 0 : index
      %get3A_1249 = tpu.vector_load %arg11[%get3A_1246, %get3A_1247, %get3A_1248] {strides = array<i32>} : memref<16x8x16xf32, #tpu.memory_space<vmem>>, vector<16xf32>,
      %add3A_1250 = arith.addf %add3A_1236, %get3A_1249 : vector<16xf32>
      %get3A_1251 = arith.constant 10 : i32
      %get3A_1252 = arith.constant 5 : i32
      %get3A_1253 = arith.index_cast %get3A_1251 : i32 to index
      %get3A_1254 = arith.index_cast %get3A_1252 : i32 to index
      %get3A_1255 = arith.constant 0 : index
      %get3A_1256 = tpu.vector_load %arg11[%get3A_1253, %get3A_1254, %get3A_1255] {strides = array<i32>} : memref<16x8x16xf32, #tpu.memory_space<vmem>>, vector<16xf32>,
      %add3A_1257 = arith.addf %add3A_1243, %get3A_1256 : vector<16xf32>
      %get3A_1258 = arith.constant 11 : i32
      %get3A_1259 = arith.constant 1 : i32
      %get3A_1260 = arith.index_cast %get3A_1258 : i32 to index
      %get3A_1261 = arith.index_cast %get3A_1259 : i32 to index
      %get3A_1262 = arith.constant 0 : index
      %get3A_1263 = tpu.vector_load %arg11[%get3A_1260, %get3A_1261, %get3A_1262] {strides = array<i32>} : memref<16x8x16xf32, #tpu.memory_space<vmem>>, vector<16xf32>,
      %add3A_1264 = arith.addf %add3A_1250, %get3A_1263 : vector<16xf32>
      %get3A_1265 = arith.constant 11 : i32
      %get3A_1266 = arith.constant 5 : i32
      %get3A_1267 = arith.index_cast %get3A_1265 : i32 to index
      %get3A_1268 = arith.index_cast %get3A_1266 : i32 to index
      %get3A_1269 = arith.constant 0 : index
      %get3A_1270 = tpu.vector_load %arg11[%get3A_1267, %get3A_1268, %get3A_1269] {strides = array<i32>} : memref<16x8x16xf32, #tpu.memory_space<vmem>>, vector<16xf32>,
      %add3A_1271 = arith.addf %add3A_1257, %get3A_1270 : vector<16xf32>
      %get3A_1272 = arith.constant 12 : i32
      %get3A_1273 = arith.constant 1 : i32
      %get3A_1274 = arith.index_cast %get3A_1272 : i32 to index
      %get3A_1275 = arith.index_cast %get3A_1273 : i32 to index
      %get3A_1276 = arith.constant 0 : index
      %get3A_1277 = tpu.vector_load %arg11[%get3A_1274, %get3A_1275, %get3A_1276] {strides = array<i32>} : memref<16x8x16xf32, #tpu.memory_space<vmem>>, vector<16xf32>,
      %add3A_1278 = arith.addf %add3A_1264, %get3A_1277 : vector<16xf32>
      %get3A_1279 = arith.constant 12 : i32
      %get3A_1280 = arith.constant 5 : i32
      %get3A_1281 = arith.index_cast %get3A_1279 : i32 to index
      %get3A_1282 = arith.index_cast %get3A_1280 : i32 to index
      %get3A_1283 = arith.constant 0 : index
      %get3A_1284 = tpu.vector_load %arg11[%get3A_1281, %get3A_1282, %get3A_1283] {strides = array<i32>} : memref<16x8x16xf32, #tpu.memory_space<vmem>>, vector<16xf32>,
      %add3A_1285 = arith.addf %add3A_1271, %get3A_1284 : vector<16xf32>
      %get3A_1286 = arith.constant 13 : i32
      %get3A_1287 = arith.constant 1 : i32
      %get3A_1288 = arith.index_cast %get3A_1286 : i32 to index
      %get3A_1289 = arith.index_cast %get3A_1287 : i32 to index
      %get3A_1290 = arith.constant 0 : index
      %get3A_1291 = tpu.vector_load %arg11[%get3A_1288, %get3A_1289, %get3A_1290] {strides = array<i32>} : memref<16x8x16xf32, #tpu.memory_space<vmem>>, vector<16xf32>,
      %add3A_1292 = arith.addf %add3A_1278, %get3A_1291 : vector<16xf32>
      %get3A_1293 = arith.constant 13 : i32
      %get3A_1294 = arith.constant 5 : i32
      %get3A_1295 = arith.index_cast %get3A_1293 : i32 to index
      %get3A_1296 = arith.index_cast %get3A_1294 : i32 to index
      %get3A_1297 = arith.constant 0 : index
      %get3A_1298 = tpu.vector_load %arg11[%get3A_1295, %get3A_1296, %get3A_1297] {strides = array<i32>} : memref<16x8x16xf32, #tpu.memory_space<vmem>>, vector<16xf32>,
      %add3A_1299 = arith.addf %add3A_1285, %get3A_1298 : vector<16xf32>
      %get3A_1300 = arith.constant 14 : i32
      %get3A_1301 = arith.constant 1 : i32
      %get3A_1302 = arith.index_cast %get3A_1300 : i32 to index
      %get3A_1303 = arith.index_cast %get3A_1301 : i32 to index
      %get3A_1304 = arith.constant 0 : index
      %get3A_1305 = tpu.vector_load %arg11[%get3A_1302, %get3A_1303, %get3A_1304] {strides = array<i32>} : memref<16x8x16xf32, #tpu.memory_space<vmem>>, vector<16xf32>,
      %add3A_1306 = arith.addf %add3A_1292, %get3A_1305 : vector<16xf32>
      %get3A_1307 = arith.constant 14 : i32
      %get3A_1308 = arith.constant 5 : i32
      %get3A_1309 = arith.index_cast %get3A_1307 : i32 to index
      %get3A_1310 = arith.index_cast %get3A_1308 : i32 to index
      %get3A_1311 = arith.constant 0 : index
      %get3A_1312 = tpu.vector_load %arg11[%get3A_1309, %get3A_1310, %get3A_1311] {strides = array<i32>} : memref<16x8x16xf32, #tpu.memory_space<vmem>>, vector<16xf32>,
      %add3A_1313 = arith.addf %add3A_1299, %get3A_1312 : vector<16xf32>
      %get3A_1314 = arith.constant 15 : i32
      %get3A_1315 = arith.constant 1 : i32
      %get3A_1316 = arith.index_cast %get3A_1314 : i32 to index
      %get3A_1317 = arith.index_cast %get3A_1315 : i32 to index
      %get3A_1318 = arith.constant 0 : index
      %get3A_1319 = tpu.vector_load %arg11[%get3A_1316, %get3A_1317, %get3A_1318] {strides = array<i32>} : memref<16x8x16xf32, #tpu.memory_space<vmem>>, vector<16xf32>,
      %add3A_1320 = arith.addf %add3A_1306, %get3A_1319 : vector<16xf32>
      %get3A_1321 = arith.constant 15 : i32
      %get3A_1322 = arith.constant 5 : i32
      %get3A_1323 = arith.index_cast %get3A_1321 : i32 to index
      %get3A_1324 = arith.index_cast %get3A_1322 : i32 to index
      %get3A_1325 = arith.constant 0 : index
      %get3A_1326 = tpu.vector_load %arg11[%get3A_1323, %get3A_1324, %get3A_1325] {strides = array<i32>} : memref<16x8x16xf32, #tpu.memory_space<vmem>>, vector<16xf32>,
      %add3A_1327 = arith.addf %add3A_1313, %get3A_1326 : vector<16xf32>
      %gather3A_1328 = vector.shape_cast %reshape3A : vector<16x1xi32> to vector<16xi32>
      %gather3A_1329 = tpu.dynamic_gather %add3A_1320[%gather3A_1328] in [0] : vector<16xf32>, vector<16xi32> -> vector<16xf32>
      %add3A_1330 = arith.addf %add3A_1320, %gather3A_1329 : vector<16xf32>
      %gather3A_1331 = vector.shape_cast %reshape3A_486 : vector<16x1xi32> to vector<16xi32>
      %gather3A_1332 = tpu.dynamic_gather %add3A_1330[%gather3A_1331] in [0] : vector<16xf32>, vector<16xi32> -> vector<16xf32>
      %add3A_1333 = arith.addf %add3A_1330, %gather3A_1332 : vector<16xf32>
      %gather3A_1334 = vector.shape_cast %reshape3A_490 : vector<16x1xi32> to vector<16xi32>
      %gather3A_1335 = tpu.dynamic_gather %add3A_1333[%gather3A_1334] in [0] : vector<16xf32>, vector<16xi32> -> vector<16xf32>
      %add3A_1336 = arith.addf %add3A_1333, %gather3A_1335 : vector<16xf32>
      %gather3A_1337 = vector.shape_cast %reshape3A_494 : vector<16x1xi32> to vector<16xi32>
      %gather3A_1338 = tpu.dynamic_gather %add3A_1336[%gather3A_1337] in [0] : vector<16xf32>, vector<16xi32> -> vector<16xf32>
      %add3A_1339 = arith.addf %add3A_1336, %gather3A_1338 : vector<16xf32>
      %gather3A_1340 = vector.shape_cast %reshape3A : vector<16x1xi32> to vector<16xi32>
      %gather3A_1341 = tpu.dynamic_gather %add3A_1327[%gather3A_1340] in [0] : vector<16xf32>, vector<16xi32> -> vector<16xf32>
      %add3A_1342 = arith.addf %add3A_1327, %gather3A_1341 : vector<16xf32>
      %gather3A_1343 = vector.shape_cast %reshape3A_486 : vector<16x1xi32> to vector<16xi32>
      %gather3A_1344 = tpu.dynamic_gather %add3A_1342[%gather3A_1343] in [0] : vector<16xf32>, vector<16xi32> -> vector<16xf32>
      %add3A_1345 = arith.addf %add3A_1342, %gather3A_1344 : vector<16xf32>
      %gather3A_1346 = vector.shape_cast %reshape3A_490 : vector<16x1xi32> to vector<16xi32>
      %gather3A_1347 = tpu.dynamic_gather %add3A_1345[%gather3A_1346] in [0] : vector<16xf32>, vector<16xi32> -> vector<16xf32>
      %add3A_1348 = arith.addf %add3A_1345, %gather3A_1347 : vector<16xf32>
      %gather3A_1349 = vector.shape_cast %reshape3A_494 : vector<16x1xi32> to vector<16xi32>
      %gather3A_1350 = tpu.dynamic_gather %add3A_1348[%gather3A_1349] in [0] : vector<16xf32>, vector<16xi32> -> vector<16xf32>
      %add3A_1351 = arith.addf %add3A_1348, %gather3A_1350 : vector<16xf32>
      %gt3A_1352 = arith.constant 0.000000e+00 : f32
      %gt3A_1353 = vector.broadcast %gt3A_1352 : f32 to vector<16xf32>
      %gt3A_1354 = arith.cmpf ogt, %add3A_1351, %gt3A_1353 : vector<16xf32>
      %max3A_1355 = arith.constant 1.000000e+00 : f32
      %max3A_1356 = vector.broadcast %max3A_1355 : f32 to vector<16xf32>
      %max3A_1357 = arith.maximumf %add3A_1351, %max3A_1356 : vector<16xf32>
      %div3A_1358 = arith.divf %add3A_1339, %max3A_1357 : vector<16xf32>
      %select_n3A_1359 = arith.select %gt3A_1354, %div3A_1358, %broadcast_in_dim3A_36 : vector<16xi1>, vector<16xf32>
      %add3A_1360 = arith.addf %add3A_1215, %select_n3A_1359 : vector<16xf32>
      %get3A_1361 = arith.constant 8 : i32
      %get3A_1362 = arith.constant 2 : i32
      %get3A_1363 = arith.index_cast %get3A_1361 : i32 to index
      %get3A_1364 = arith.index_cast %get3A_1362 : i32 to index
      %get3A_1365 = arith.constant 0 : index
      %get3A_1366 = tpu.vector_load %arg11[%get3A_1363, %get3A_1364, %get3A_1365] {strides = array<i32>} : memref<16x8x16xf32, #tpu.memory_space<vmem>>, vector<16xf32>,
      %add3A_1367 = arith.addf %broadcast_in_dim3A_36, %get3A_1366 : vector<16xf32>
      %get3A_1368 = arith.constant 8 : i32
      %get3A_1369 = arith.constant 6 : i32
      %get3A_1370 = arith.index_cast %get3A_1368 : i32 to index
      %get3A_1371 = arith.index_cast %get3A_1369 : i32 to index
      %get3A_1372 = arith.constant 0 : index
      %get3A_1373 = tpu.vector_load %arg11[%get3A_1370, %get3A_1371, %get3A_1372] {strides = array<i32>} : memref<16x8x16xf32, #tpu.memory_space<vmem>>, vector<16xf32>,
      %add3A_1374 = arith.addf %broadcast_in_dim3A_36, %get3A_1373 : vector<16xf32>
      %get3A_1375 = arith.constant 9 : i32
      %get3A_1376 = arith.constant 2 : i32
      %get3A_1377 = arith.index_cast %get3A_1375 : i32 to index
      %get3A_1378 = arith.index_cast %get3A_1376 : i32 to index
      %get3A_1379 = arith.constant 0 : index
      %get3A_1380 = tpu.vector_load %arg11[%get3A_1377, %get3A_1378, %get3A_1379] {strides = array<i32>} : memref<16x8x16xf32, #tpu.memory_space<vmem>>, vector<16xf32>,
      %add3A_1381 = arith.addf %add3A_1367, %get3A_1380 : vector<16xf32>
      %get3A_1382 = arith.constant 9 : i32
      %get3A_1383 = arith.constant 6 : i32
      %get3A_1384 = arith.index_cast %get3A_1382 : i32 to index
      %get3A_1385 = arith.index_cast %get3A_1383 : i32 to index
      %get3A_1386 = arith.constant 0 : index
      %get3A_1387 = tpu.vector_load %arg11[%get3A_1384, %get3A_1385, %get3A_1386] {strides = array<i32>} : memref<16x8x16xf32, #tpu.memory_space<vmem>>, vector<16xf32>,
      %add3A_1388 = arith.addf %add3A_1374, %get3A_1387 : vector<16xf32>
      %get3A_1389 = arith.constant 10 : i32
      %get3A_1390 = arith.constant 2 : i32
      %get3A_1391 = arith.index_cast %get3A_1389 : i32 to index
      %get3A_1392 = arith.index_cast %get3A_1390 : i32 to index
      %get3A_1393 = arith.constant 0 : index
      %get3A_1394 = tpu.vector_load %arg11[%get3A_1391, %get3A_1392, %get3A_1393] {strides = array<i32>} : memref<16x8x16xf32, #tpu.memory_space<vmem>>, vector<16xf32>,
      %add3A_1395 = arith.addf %add3A_1381, %get3A_1394 : vector<16xf32>
      %get3A_1396 = arith.constant 10 : i32
      %get3A_1397 = arith.constant 6 : i32
      %get3A_1398 = arith.index_cast %get3A_1396 : i32 to index
      %get3A_1399 = arith.index_cast %get3A_1397 : i32 to index
      %get3A_1400 = arith.constant 0 : index
      %get3A_1401 = tpu.vector_load %arg11[%get3A_1398, %get3A_1399, %get3A_1400] {strides = array<i32>} : memref<16x8x16xf32, #tpu.memory_space<vmem>>, vector<16xf32>,
      %add3A_1402 = arith.addf %add3A_1388, %get3A_1401 : vector<16xf32>
      %get3A_1403 = arith.constant 11 : i32
      %get3A_1404 = arith.constant 2 : i32
      %get3A_1405 = arith.index_cast %get3A_1403 : i32 to index
      %get3A_1406 = arith.index_cast %get3A_1404 : i32 to index
      %get3A_1407 = arith.constant 0 : index
      %get3A_1408 = tpu.vector_load %arg11[%get3A_1405, %get3A_1406, %get3A_1407] {strides = array<i32>} : memref<16x8x16xf32, #tpu.memory_space<vmem>>, vector<16xf32>,
      %add3A_1409 = arith.addf %add3A_1395, %get3A_1408 : vector<16xf32>
      %get3A_1410 = arith.constant 11 : i32
      %get3A_1411 = arith.constant 6 : i32
      %get3A_1412 = arith.index_cast %get3A_1410 : i32 to index
      %get3A_1413 = arith.index_cast %get3A_1411 : i32 to index
      %get3A_1414 = arith.constant 0 : index
      %get3A_1415 = tpu.vector_load %arg11[%get3A_1412, %get3A_1413, %get3A_1414] {strides = array<i32>} : memref<16x8x16xf32, #tpu.memory_space<vmem>>, vector<16xf32>,
      %add3A_1416 = arith.addf %add3A_1402, %get3A_1415 : vector<16xf32>
      %get3A_1417 = arith.constant 12 : i32
      %get3A_1418 = arith.constant 2 : i32
      %get3A_1419 = arith.index_cast %get3A_1417 : i32 to index
      %get3A_1420 = arith.index_cast %get3A_1418 : i32 to index
      %get3A_1421 = arith.constant 0 : index
      %get3A_1422 = tpu.vector_load %arg11[%get3A_1419, %get3A_1420, %get3A_1421] {strides = array<i32>} : memref<16x8x16xf32, #tpu.memory_space<vmem>>, vector<16xf32>,
      %add3A_1423 = arith.addf %add3A_1409, %get3A_1422 : vector<16xf32>
      %get3A_1424 = arith.constant 12 : i32
      %get3A_1425 = arith.constant 6 : i32
      %get3A_1426 = arith.index_cast %get3A_1424 : i32 to index
      %get3A_1427 = arith.index_cast %get3A_1425 : i32 to index
      %get3A_1428 = arith.constant 0 : index
      %get3A_1429 = tpu.vector_load %arg11[%get3A_1426, %get3A_1427, %get3A_1428] {strides = array<i32>} : memref<16x8x16xf32, #tpu.memory_space<vmem>>, vector<16xf32>,
      %add3A_1430 = arith.addf %add3A_1416, %get3A_1429 : vector<16xf32>
      %get3A_1431 = arith.constant 13 : i32
      %get3A_1432 = arith.constant 2 : i32
      %get3A_1433 = arith.index_cast %get3A_1431 : i32 to index
      %get3A_1434 = arith.index_cast %get3A_1432 : i32 to index
      %get3A_1435 = arith.constant 0 : index
      %get3A_1436 = tpu.vector_load %arg11[%get3A_1433, %get3A_1434, %get3A_1435] {strides = array<i32>} : memref<16x8x16xf32, #tpu.memory_space<vmem>>, vector<16xf32>,
      %add3A_1437 = arith.addf %add3A_1423, %get3A_1436 : vector<16xf32>
      %get3A_1438 = arith.constant 13 : i32
      %get3A_1439 = arith.constant 6 : i32
      %get3A_1440 = arith.index_cast %get3A_1438 : i32 to index
      %get3A_1441 = arith.index_cast %get3A_1439 : i32 to index
      %get3A_1442 = arith.constant 0 : index
      %get3A_1443 = tpu.vector_load %arg11[%get3A_1440, %get3A_1441, %get3A_1442] {strides = array<i32>} : memref<16x8x16xf32, #tpu.memory_space<vmem>>, vector<16xf32>,
      %add3A_1444 = arith.addf %add3A_1430, %get3A_1443 : vector<16xf32>
      %get3A_1445 = arith.constant 14 : i32
      %get3A_1446 = arith.constant 2 : i32
      %get3A_1447 = arith.index_cast %get3A_1445 : i32 to index
      %get3A_1448 = arith.index_cast %get3A_1446 : i32 to index
      %get3A_1449 = arith.constant 0 : index
      %get3A_1450 = tpu.vector_load %arg11[%get3A_1447, %get3A_1448, %get3A_1449] {strides = array<i32>} : memref<16x8x16xf32, #tpu.memory_space<vmem>>, vector<16xf32>,
      %add3A_1451 = arith.addf %add3A_1437, %get3A_1450 : vector<16xf32>
      %get3A_1452 = arith.constant 14 : i32
      %get3A_1453 = arith.constant 6 : i32
      %get3A_1454 = arith.index_cast %get3A_1452 : i32 to index
      %get3A_1455 = arith.index_cast %get3A_1453 : i32 to index
      %get3A_1456 = arith.constant 0 : index
      %get3A_1457 = tpu.vector_load %arg11[%get3A_1454, %get3A_1455, %get3A_1456] {strides = array<i32>} : memref<16x8x16xf32, #tpu.memory_space<vmem>>, vector<16xf32>,
      %add3A_1458 = arith.addf %add3A_1444, %get3A_1457 : vector<16xf32>
      %get3A_1459 = arith.constant 15 : i32
      %get3A_1460 = arith.constant 2 : i32
      %get3A_1461 = arith.index_cast %get3A_1459 : i32 to index
      %get3A_1462 = arith.index_cast %get3A_1460 : i32 to index
      %get3A_1463 = arith.constant 0 : index
      %get3A_1464 = tpu.vector_load %arg11[%get3A_1461, %get3A_1462, %get3A_1463] {strides = array<i32>} : memref<16x8x16xf32, #tpu.memory_space<vmem>>, vector<16xf32>,
      %add3A_1465 = arith.addf %add3A_1451, %get3A_1464 : vector<16xf32>
      %get3A_1466 = arith.constant 15 : i32
      %get3A_1467 = arith.constant 6 : i32
      %get3A_1468 = arith.index_cast %get3A_1466 : i32 to index
      %get3A_1469 = arith.index_cast %get3A_1467 : i32 to index
      %get3A_1470 = arith.constant 0 : index
      %get3A_1471 = tpu.vector_load %arg11[%get3A_1468, %get3A_1469, %get3A_1470] {strides = array<i32>} : memref<16x8x16xf32, #tpu.memory_space<vmem>>, vector<16xf32>,
      %add3A_1472 = arith.addf %add3A_1458, %get3A_1471 : vector<16xf32>
      %gather3A_1473 = vector.shape_cast %reshape3A : vector<16x1xi32> to vector<16xi32>
      %gather3A_1474 = tpu.dynamic_gather %add3A_1465[%gather3A_1473] in [0] : vector<16xf32>, vector<16xi32> -> vector<16xf32>
      %add3A_1475 = arith.addf %add3A_1465, %gather3A_1474 : vector<16xf32>
      %gather3A_1476 = vector.shape_cast %reshape3A_486 : vector<16x1xi32> to vector<16xi32>
      %gather3A_1477 = tpu.dynamic_gather %add3A_1475[%gather3A_1476] in [0] : vector<16xf32>, vector<16xi32> -> vector<16xf32>
      %add3A_1478 = arith.addf %add3A_1475, %gather3A_1477 : vector<16xf32>
      %gather3A_1479 = vector.shape_cast %reshape3A_490 : vector<16x1xi32> to vector<16xi32>
      %gather3A_1480 = tpu.dynamic_gather %add3A_1478[%gather3A_1479] in [0] : vector<16xf32>, vector<16xi32> -> vector<16xf32>
      %add3A_1481 = arith.addf %add3A_1478, %gather3A_1480 : vector<16xf32>
      %gather3A_1482 = vector.shape_cast %reshape3A_494 : vector<16x1xi32> to vector<16xi32>
      %gather3A_1483 = tpu.dynamic_gather %add3A_1481[%gather3A_1482] in [0] : vector<16xf32>, vector<16xi32> -> vector<16xf32>
      %add3A_1484 = arith.addf %add3A_1481, %gather3A_1483 : vector<16xf32>
      %gather3A_1485 = vector.shape_cast %reshape3A : vector<16x1xi32> to vector<16xi32>
      %gather3A_1486 = tpu.dynamic_gather %add3A_1472[%gather3A_1485] in [0] : vector<16xf32>, vector<16xi32> -> vector<16xf32>
      %add3A_1487 = arith.addf %add3A_1472, %gather3A_1486 : vector<16xf32>
      %gather3A_1488 = vector.shape_cast %reshape3A_486 : vector<16x1xi32> to vector<16xi32>
      %gather3A_1489 = tpu.dynamic_gather %add3A_1487[%gather3A_1488] in [0] : vector<16xf32>, vector<16xi32> -> vector<16xf32>
      %add3A_1490 = arith.addf %add3A_1487, %gather3A_1489 : vector<16xf32>
      %gather3A_1491 = vector.shape_cast %reshape3A_490 : vector<16x1xi32> to vector<16xi32>
      %gather3A_1492 = tpu.dynamic_gather %add3A_1490[%gather3A_1491] in [0] : vector<16xf32>, vector<16xi32> -> vector<16xf32>
      %add3A_1493 = arith.addf %add3A_1490, %gather3A_1492 : vector<16xf32>
      %gather3A_1494 = vector.shape_cast %reshape3A_494 : vector<16x1xi32> to vector<16xi32>
      %gather3A_1495 = tpu.dynamic_gather %add3A_1493[%gather3A_1494] in [0] : vector<16xf32>, vector<16xi32> -> vector<16xf32>
      %add3A_1496 = arith.addf %add3A_1493, %gather3A_1495 : vector<16xf32>
      %gt3A_1497 = arith.constant 0.000000e+00 : f32
      %gt3A_1498 = vector.broadcast %gt3A_1497 : f32 to vector<16xf32>
      %gt3A_1499 = arith.cmpf ogt, %add3A_1496, %gt3A_1498 : vector<16xf32>
      %max3A_1500 = arith.constant 1.000000e+00 : f32
      %max3A_1501 = vector.broadcast %max3A_1500 : f32 to vector<16xf32>
      %max3A_1502 = arith.maximumf %add3A_1496, %max3A_1501 : vector<16xf32>
      %div3A_1503 = arith.divf %add3A_1484, %max3A_1502 : vector<16xf32>
      %select_n3A_1504 = arith.select %gt3A_1499, %div3A_1503, %broadcast_in_dim3A_36 : vector<16xi1>, vector<16xf32>
      %add3A_1505 = arith.addf %add3A_1360, %select_n3A_1504 : vector<16xf32>
      %get3A_1506 = arith.constant 8 : i32
      %get3A_1507 = arith.constant 3 : i32
      %get3A_1508 = arith.index_cast %get3A_1506 : i32 to index
      %get3A_1509 = arith.index_cast %get3A_1507 : i32 to index
      %get3A_1510 = arith.constant 0 : index
      %get3A_1511 = tpu.vector_load %arg11[%get3A_1508, %get3A_1509, %get3A_1510] {strides = array<i32>} : memref<16x8x16xf32, #tpu.memory_space<vmem>>, vector<16xf32>,
      %add3A_1512 = arith.addf %broadcast_in_dim3A_36, %get3A_1511 : vector<16xf32>
      %get3A_1513 = arith.constant 8 : i32
      %get3A_1514 = arith.constant 7 : i32
      %get3A_1515 = arith.index_cast %get3A_1513 : i32 to index
      %get3A_1516 = arith.index_cast %get3A_1514 : i32 to index
      %get3A_1517 = arith.constant 0 : index
      %get3A_1518 = tpu.vector_load %arg11[%get3A_1515, %get3A_1516, %get3A_1517] {strides = array<i32>} : memref<16x8x16xf32, #tpu.memory_space<vmem>>, vector<16xf32>,
      %add3A_1519 = arith.addf %broadcast_in_dim3A_36, %get3A_1518 : vector<16xf32>
      %get3A_1520 = arith.constant 9 : i32
      %get3A_1521 = arith.constant 3 : i32
      %get3A_1522 = arith.index_cast %get3A_1520 : i32 to index
      %get3A_1523 = arith.index_cast %get3A_1521 : i32 to index
      %get3A_1524 = arith.constant 0 : index
      %get3A_1525 = tpu.vector_load %arg11[%get3A_1522, %get3A_1523, %get3A_1524] {strides = array<i32>} : memref<16x8x16xf32, #tpu.memory_space<vmem>>, vector<16xf32>,
      %add3A_1526 = arith.addf %add3A_1512, %get3A_1525 : vector<16xf32>
      %get3A_1527 = arith.constant 9 : i32
      %get3A_1528 = arith.constant 7 : i32
      %get3A_1529 = arith.index_cast %get3A_1527 : i32 to index
      %get3A_1530 = arith.index_cast %get3A_1528 : i32 to index
      %get3A_1531 = arith.constant 0 : index
      %get3A_1532 = tpu.vector_load %arg11[%get3A_1529, %get3A_1530, %get3A_1531] {strides = array<i32>} : memref<16x8x16xf32, #tpu.memory_space<vmem>>, vector<16xf32>,
      %add3A_1533 = arith.addf %add3A_1519, %get3A_1532 : vector<16xf32>
      %get3A_1534 = arith.constant 10 : i32
      %get3A_1535 = arith.constant 3 : i32
      %get3A_1536 = arith.index_cast %get3A_1534 : i32 to index
      %get3A_1537 = arith.index_cast %get3A_1535 : i32 to index
      %get3A_1538 = arith.constant 0 : index
      %get3A_1539 = tpu.vector_load %arg11[%get3A_1536, %get3A_1537, %get3A_1538] {strides = array<i32>} : memref<16x8x16xf32, #tpu.memory_space<vmem>>, vector<16xf32>,
      %add3A_1540 = arith.addf %add3A_1526, %get3A_1539 : vector<16xf32>
      %get3A_1541 = arith.constant 10 : i32
      %get3A_1542 = arith.constant 7 : i32
      %get3A_1543 = arith.index_cast %get3A_1541 : i32 to index
      %get3A_1544 = arith.index_cast %get3A_1542 : i32 to index
      %get3A_1545 = arith.constant 0 : index
      %get3A_1546 = tpu.vector_load %arg11[%get3A_1543, %get3A_1544, %get3A_1545] {strides = array<i32>} : memref<16x8x16xf32, #tpu.memory_space<vmem>>, vector<16xf32>,
      %add3A_1547 = arith.addf %add3A_1533, %get3A_1546 : vector<16xf32>
      %get3A_1548 = arith.constant 11 : i32
      %get3A_1549 = arith.constant 3 : i32
      %get3A_1550 = arith.index_cast %get3A_1548 : i32 to index
      %get3A_1551 = arith.index_cast %get3A_1549 : i32 to index
      %get3A_1552 = arith.constant 0 : index
      %get3A_1553 = tpu.vector_load %arg11[%get3A_1550, %get3A_1551, %get3A_1552] {strides = array<i32>} : memref<16x8x16xf32, #tpu.memory_space<vmem>>, vector<16xf32>,
      %add3A_1554 = arith.addf %add3A_1540, %get3A_1553 : vector<16xf32>
      %get3A_1555 = arith.constant 11 : i32
      %get3A_1556 = arith.constant 7 : i32
      %get3A_1557 = arith.index_cast %get3A_1555 : i32 to index
      %get3A_1558 = arith.index_cast %get3A_1556 : i32 to index
      %get3A_1559 = arith.constant 0 : index
      %get3A_1560 = tpu.vector_load %arg11[%get3A_1557, %get3A_1558, %get3A_1559] {strides = array<i32>} : memref<16x8x16xf32, #tpu.memory_space<vmem>>, vector<16xf32>,
      %add3A_1561 = arith.addf %add3A_1547, %get3A_1560 : vector<16xf32>
      %get3A_1562 = arith.constant 12 : i32
      %get3A_1563 = arith.constant 3 : i32
      %get3A_1564 = arith.index_cast %get3A_1562 : i32 to index
      %get3A_1565 = arith.index_cast %get3A_1563 : i32 to index
      %get3A_1566 = arith.constant 0 : index
      %get3A_1567 = tpu.vector_load %arg11[%get3A_1564, %get3A_1565, %get3A_1566] {strides = array<i32>} : memref<16x8x16xf32, #tpu.memory_space<vmem>>, vector<16xf32>,
      %add3A_1568 = arith.addf %add3A_1554, %get3A_1567 : vector<16xf32>
      %get3A_1569 = arith.constant 12 : i32
      %get3A_1570 = arith.constant 7 : i32
      %get3A_1571 = arith.index_cast %get3A_1569 : i32 to index
      %get3A_1572 = arith.index_cast %get3A_1570 : i32 to index
      %get3A_1573 = arith.constant 0 : index
      %get3A_1574 = tpu.vector_load %arg11[%get3A_1571, %get3A_1572, %get3A_1573] {strides = array<i32>} : memref<16x8x16xf32, #tpu.memory_space<vmem>>, vector<16xf32>,
      %add3A_1575 = arith.addf %add3A_1561, %get3A_1574 : vector<16xf32>
      %get3A_1576 = arith.constant 13 : i32
      %get3A_1577 = arith.constant 3 : i32
      %get3A_1578 = arith.index_cast %get3A_1576 : i32 to index
      %get3A_1579 = arith.index_cast %get3A_1577 : i32 to index
      %get3A_1580 = arith.constant 0 : index
      %get3A_1581 = tpu.vector_load %arg11[%get3A_1578, %get3A_1579, %get3A_1580] {strides = array<i32>} : memref<16x8x16xf32, #tpu.memory_space<vmem>>, vector<16xf32>,
      %add3A_1582 = arith.addf %add3A_1568, %get3A_1581 : vector<16xf32>
      %get3A_1583 = arith.constant 13 : i32
      %get3A_1584 = arith.constant 7 : i32
      %get3A_1585 = arith.index_cast %get3A_1583 : i32 to index
      %get3A_1586 = arith.index_cast %get3A_1584 : i32 to index
      %get3A_1587 = arith.constant 0 : index
      %get3A_1588 = tpu.vector_load %arg11[%get3A_1585, %get3A_1586, %get3A_1587] {strides = array<i32>} : memref<16x8x16xf32, #tpu.memory_space<vmem>>, vector<16xf32>,
      %add3A_1589 = arith.addf %add3A_1575, %get3A_1588 : vector<16xf32>
      %get3A_1590 = arith.constant 14 : i32
      %get3A_1591 = arith.constant 3 : i32
      %get3A_1592 = arith.index_cast %get3A_1590 : i32 to index
      %get3A_1593 = arith.index_cast %get3A_1591 : i32 to index
      %get3A_1594 = arith.constant 0 : index
      %get3A_1595 = tpu.vector_load %arg11[%get3A_1592, %get3A_1593, %get3A_1594] {strides = array<i32>} : memref<16x8x16xf32, #tpu.memory_space<vmem>>, vector<16xf32>,
      %add3A_1596 = arith.addf %add3A_1582, %get3A_1595 : vector<16xf32>
      %get3A_1597 = arith.constant 14 : i32
      %get3A_1598 = arith.constant 7 : i32
      %get3A_1599 = arith.index_cast %get3A_1597 : i32 to index
      %get3A_1600 = arith.index_cast %get3A_1598 : i32 to index
      %get3A_1601 = arith.constant 0 : index
      %get3A_1602 = tpu.vector_load %arg11[%get3A_1599, %get3A_1600, %get3A_1601] {strides = array<i32>} : memref<16x8x16xf32, #tpu.memory_space<vmem>>, vector<16xf32>,
      %add3A_1603 = arith.addf %add3A_1589, %get3A_1602 : vector<16xf32>
      %get3A_1604 = arith.constant 15 : i32
      %get3A_1605 = arith.constant 3 : i32
      %get3A_1606 = arith.index_cast %get3A_1604 : i32 to index
      %get3A_1607 = arith.index_cast %get3A_1605 : i32 to index
      %get3A_1608 = arith.constant 0 : index
      %get3A_1609 = tpu.vector_load %arg11[%get3A_1606, %get3A_1607, %get3A_1608] {strides = array<i32>} : memref<16x8x16xf32, #tpu.memory_space<vmem>>, vector<16xf32>,
      %add3A_1610 = arith.addf %add3A_1596, %get3A_1609 : vector<16xf32>
      %get3A_1611 = arith.constant 15 : i32
      %get3A_1612 = arith.constant 7 : i32
      %get3A_1613 = arith.index_cast %get3A_1611 : i32 to index
      %get3A_1614 = arith.index_cast %get3A_1612 : i32 to index
      %get3A_1615 = arith.constant 0 : index
      %get3A_1616 = tpu.vector_load %arg11[%get3A_1613, %get3A_1614, %get3A_1615] {strides = array<i32>} : memref<16x8x16xf32, #tpu.memory_space<vmem>>, vector<16xf32>,
      %add3A_1617 = arith.addf %add3A_1603, %get3A_1616 : vector<16xf32>
      %gather3A_1618 = vector.shape_cast %reshape3A : vector<16x1xi32> to vector<16xi32>
      %gather3A_1619 = tpu.dynamic_gather %add3A_1610[%gather3A_1618] in [0] : vector<16xf32>, vector<16xi32> -> vector<16xf32>
      %add3A_1620 = arith.addf %add3A_1610, %gather3A_1619 : vector<16xf32>
      %gather3A_1621 = vector.shape_cast %reshape3A_486 : vector<16x1xi32> to vector<16xi32>
      %gather3A_1622 = tpu.dynamic_gather %add3A_1620[%gather3A_1621] in [0] : vector<16xf32>, vector<16xi32> -> vector<16xf32>
      %add3A_1623 = arith.addf %add3A_1620, %gather3A_1622 : vector<16xf32>
      %gather3A_1624 = vector.shape_cast %reshape3A_490 : vector<16x1xi32> to vector<16xi32>
      %gather3A_1625 = tpu.dynamic_gather %add3A_1623[%gather3A_1624] in [0] : vector<16xf32>, vector<16xi32> -> vector<16xf32>
      %add3A_1626 = arith.addf %add3A_1623, %gather3A_1625 : vector<16xf32>
      %gather3A_1627 = vector.shape_cast %reshape3A_494 : vector<16x1xi32> to vector<16xi32>
      %gather3A_1628 = tpu.dynamic_gather %add3A_1626[%gather3A_1627] in [0] : vector<16xf32>, vector<16xi32> -> vector<16xf32>
      %add3A_1629 = arith.addf %add3A_1626, %gather3A_1628 : vector<16xf32>
      %gather3A_1630 = vector.shape_cast %reshape3A : vector<16x1xi32> to vector<16xi32>
      %gather3A_1631 = tpu.dynamic_gather %add3A_1617[%gather3A_1630] in [0] : vector<16xf32>, vector<16xi32> -> vector<16xf32>
      %add3A_1632 = arith.addf %add3A_1617, %gather3A_1631 : vector<16xf32>
      %gather3A_1633 = vector.shape_cast %reshape3A_486 : vector<16x1xi32> to vector<16xi32>
      %gather3A_1634 = tpu.dynamic_gather %add3A_1632[%gather3A_1633] in [0] : vector<16xf32>, vector<16xi32> -> vector<16xf32>
      %add3A_1635 = arith.addf %add3A_1632, %gather3A_1634 : vector<16xf32>
      %gather3A_1636 = vector.shape_cast %reshape3A_490 : vector<16x1xi32> to vector<16xi32>
      %gather3A_1637 = tpu.dynamic_gather %add3A_1635[%gather3A_1636] in [0] : vector<16xf32>, vector<16xi32> -> vector<16xf32>
      %add3A_1638 = arith.addf %add3A_1635, %gather3A_1637 : vector<16xf32>
      %gather3A_1639 = vector.shape_cast %reshape3A_494 : vector<16x1xi32> to vector<16xi32>
      %gather3A_1640 = tpu.dynamic_gather %add3A_1638[%gather3A_1639] in [0] : vector<16xf32>, vector<16xi32> -> vector<16xf32>
      %add3A_1641 = arith.addf %add3A_1638, %gather3A_1640 : vector<16xf32>
      %gt3A_1642 = arith.constant 0.000000e+00 : f32
      %gt3A_1643 = vector.broadcast %gt3A_1642 : f32 to vector<16xf32>
      %gt3A_1644 = arith.cmpf ogt, %add3A_1641, %gt3A_1643 : vector<16xf32>
      %max3A_1645 = arith.constant 1.000000e+00 : f32
      %max3A_1646 = vector.broadcast %max3A_1645 : f32 to vector<16xf32>
      %max3A_1647 = arith.maximumf %add3A_1641, %max3A_1646 : vector<16xf32>
      %div3A_1648 = arith.divf %add3A_1629, %max3A_1647 : vector<16xf32>
      %select_n3A_1649 = arith.select %gt3A_1644, %div3A_1648, %broadcast_in_dim3A_36 : vector<16xi1>, vector<16xf32>
      %add3A_1650 = arith.addf %add3A_1505, %select_n3A_1649 : vector<16xf32>
      %mul3A_1651 = arith.constant 1.250000e-01 : f32
      %mul3A_1652 = vector.broadcast %mul3A_1651 : f32 to vector<16xf32>
      %mul3A_1653 = arith.mulf %add3A_1650, %mul3A_1652 : vector<16xf32>
      %swap3A_1654 = arith.constant 0 : index
      %swap3A_1655 = tpu.vector_load %arg12[%swap3A_1654] {strides = array<i32>} : memref<16xf32, #tpu.memory_space<vmem>>, vector<16xf32>,
      tpu.vector_store %arg12[%swap3A_1654], %mul3A_1653 {strides = array<i32>} : memref<16xf32, #tpu.memory_space<vmem>>, vector<16xf32>,
      "tpu.region"() ({
        %run_scoped3A = tpu.sem_alloc : memref<!tpu.dma_semaphore, #tpu.memory_space<semaphore_mem>>
        %dma_start3A_1656 = arith.constant 0 : i32
        %dma_start3A_1657 = tpu.memref_slice %arg6[%arg0, %dma_start3A_1656] : memref<2x16xf32, #tpu.memory_space<hbm>> -> memref<1x16xf32, #tpu.memory_space<hbm>>
        %dma_start3A_1658 = tpu.memref_squeeze %dma_start3A_1657 : memref<1x16xf32, #tpu.memory_space<hbm>> -> memref<16xf32, #tpu.memory_space<hbm>>
        %dma_start3A_1659 = arith.constant 0 : i32
        %dma_start3A_1660 = tpu.memref_slice %arg6[%arg0, %dma_start3A_1659] : memref<2x16xf32, #tpu.memory_space<hbm>> -> memref<1x16xf32, #tpu.memory_space<hbm>>
        %dma_start3A_1661 = tpu.memref_squeeze %dma_start3A_1660 : memref<1x16xf32, #tpu.memory_space<hbm>> -> memref<16xf32, #tpu.memory_space<hbm>>
        tpu.enqueue_dma source(%arg12 : memref<16xf32, #tpu.memory_space<vmem>>) target(%dma_start3A_1661 : memref<16xf32, #tpu.memory_space<hbm>>) target_semaphore(%run_scoped3A : memref<!tpu.dma_semaphore, #tpu.memory_space<semaphore_mem>>)
        %dma_wait3A_1662 = arith.constant 0 : i32
        %dma_wait3A_1663 = tpu.memref_slice %arg6[%arg0, %dma_wait3A_1662] : memref<2x16xf32, #tpu.memory_space<hbm>> -> memref<1x16xf32, #tpu.memory_space<hbm>>
        %dma_wait3A_1664 = tpu.memref_squeeze %dma_wait3A_1663 : memref<1x16xf32, #tpu.memory_space<hbm>> -> memref<16xf32, #tpu.memory_space<hbm>>
        %dma_wait3A_1665 = arith.constant 0 : i32
        %dma_wait3A_1666 = tpu.memref_slice %arg6[%arg0, %dma_wait3A_1665] : memref<2x16xf32, #tpu.memory_space<hbm>> -> memref<1x16xf32, #tpu.memory_space<hbm>>
        %dma_wait3A_1667 = tpu.memref_squeeze %dma_wait3A_1666 : memref<1x16xf32, #tpu.memory_space<hbm>> -> memref<16xf32, #tpu.memory_space<hbm>>
        tpu.wait_dma2 semaphore(%run_scoped3A : memref<!tpu.dma_semaphore, #tpu.memory_space<semaphore_mem>>) src(%arg12 : memref<16xf32, #tpu.memory_space<vmem>>) dst(%dma_wait3A_1667 : memref<16xf32, #tpu.memory_space<hbm>>)
        tpu.yield
      }) : () -> ()
    } else {
    }
    return
  }
}

module attributes {stable_mosaic.version = 14 : i64} {
  func.func @_tc_body(%arg0: i32, %arg1: i32, %arg2: memref<1x128x512xf32, #tpu.memory_space<vmem>>, %arg3: memref<1x128x512xf32, #tpu.memory_space<vmem>>, %arg4: memref<1x128x512xi32, #tpu.memory_space<vmem>>, %arg5: memref<1x128xf32, #tpu.memory_space<vmem>>, %arg6: memref<8x128xf32, #tpu.memory_space<vmem>>) attributes {dimension_semantics = [#tpu.dimension_semantics<arbitrary>, #tpu.dimension_semantics<arbitrary>], iteration_bounds = array<i64: 4, 4>, scalar_prefetch = 0 : i64, scratch_operands = 1 : i64, tpu.core_type = #tpu.core_type<tc>, window_params = [{transform_indices = @transform_0, window_bounds = array<i64: 1, 128, 512>}, {transform_indices = @transform_1, window_bounds = array<i64: 1, 128, 512>}, {transform_indices = @transform_2, window_bounds = array<i64: 1, 128, 512>}, {pipeline_mode = #tpu.pipeline_mode<synchronous>, transform_indices = @transform_3, window_bounds = array<i64: 1, 128>}]} {
    %get3A = arith.constant 0 : index
    %get3A_0 = arith.constant 0 : index
    %get3A_1 = arith.constant 0 : index
    %get3A_2 = vector.load %arg2[%get3A, %get3A_0, %get3A_1] : memref<1x128x512xf32, #tpu.memory_space<vmem>>, vector<1x128x512xf32>
    %get3A_3 = vector.shape_cast %get3A_2 : vector<1x128x512xf32> to vector<128x512xf32>
    %get3A_4 = arith.constant 0 : index
    %get3A_5 = arith.constant 0 : index
    %get3A_6 = arith.constant 0 : index
    %get3A_7 = vector.load %arg3[%get3A_4, %get3A_5, %get3A_6] : memref<1x128x512xf32, #tpu.memory_space<vmem>>, vector<1x128x512xf32>
    %get3A_8 = vector.shape_cast %get3A_7 : vector<1x128x512xf32> to vector<128x512xf32>
    %sub3A = arith.subf %get3A_3, %get3A_8 : vector<128x512xf32>
    %mul3A = arith.mulf %sub3A, %sub3A : vector<128x512xf32>
    %get3A_9 = arith.constant 0 : index
    %get3A_10 = arith.constant 0 : index
    %get3A_11 = arith.constant 0 : index
    %get3A_12 = vector.load %arg4[%get3A_9, %get3A_10, %get3A_11] : memref<1x128x512xi32, #tpu.memory_space<vmem>>, vector<1x128x512xi32>
    %get3A_13 = vector.shape_cast %get3A_12 : vector<1x128x512xi32> to vector<128x512xi32>
    %iota3A = tpu.iota {dimensions = array<i32: 1>} : vector<8x128xi32>
    %iota3A_14 = tpu.iota {dimensions = array<i32: 0>} : vector<8x128xi32>
    %broadcast_in_dim3A = arith.constant 0.000000e+00 : f32
    %broadcast_in_dim3A_15 = vector.broadcast %broadcast_in_dim3A : f32 to vector<8x128xf32>
    %eq3A = arith.constant 1 : i32
    %eq3A_16 = vector.broadcast %eq3A : i32 to vector<128x512xi32>
    %eq3A_17 = arith.cmpi eq, %get3A_13, %eq3A_16 : vector<128x512xi32>
    %jit3A = arith.constant 0.000000e+00 : f32
    %broadcast_in_dim3A_18 = vector.broadcast %jit3A : f32 to vector<128x512xf32>
    %select_n3A = arith.select %eq3A_17, %mul3A, %broadcast_in_dim3A_18 : vector<128x512xi1>, vector<128x512xf32>
    %reduce_sum3A = vector.shape_cast %select_n3A : vector<128x512xf32> to vector<1x128x512xf32>
    %reduce_sum3A_19 = arith.constant dense<0.000000e+00> : vector<1xf32>
    %reduce_sum3A_20 = vector.multi_reduction <add>, %reduce_sum3A, %reduce_sum3A_19 [1, 2] : vector<1x128x512xf32> to vector<1xf32>
    %reduce_sum3A_21 = vector.shape_cast %reduce_sum3A_20 : vector<1xf32> to vector<1x1x1xf32>
    %reduce_sum3A_22 = vector.extract %reduce_sum3A_21[0, 0, 0] : f32 from vector<1x1x1xf32>
    %jit3A_23 = arith.constant 1.000000e+00 : f32
    %jit3A_24 = arith.constant 0.000000e+00 : f32
    %broadcast_in_dim3A_25 = vector.broadcast %jit3A_23 : f32 to vector<128x512xf32>
    %broadcast_in_dim3A_26 = vector.broadcast %jit3A_24 : f32 to vector<128x512xf32>
    %select_n3A_27 = arith.select %eq3A_17, %broadcast_in_dim3A_25, %broadcast_in_dim3A_26 : vector<128x512xi1>, vector<128x512xf32>
    %reduce_sum3A_28 = vector.shape_cast %select_n3A_27 : vector<128x512xf32> to vector<1x128x512xf32>
    %reduce_sum3A_29 = arith.constant dense<0.000000e+00> : vector<1xf32>
    %reduce_sum3A_30 = vector.multi_reduction <add>, %reduce_sum3A_28, %reduce_sum3A_29 [1, 2] : vector<1x128x512xf32> to vector<1xf32>
    %reduce_sum3A_31 = vector.shape_cast %reduce_sum3A_30 : vector<1xf32> to vector<1x1x1xf32>
    %reduce_sum3A_32 = vector.extract %reduce_sum3A_31[0, 0, 0] : f32 from vector<1x1x1xf32>
    %eq3A_33 = arith.constant 1 : i32
    %eq3A_34 = vector.broadcast %eq3A_33 : i32 to vector<8x128xi32>
    %eq3A_35 = arith.cmpi eq, %iota3A, %eq3A_34 : vector<8x128xi32>
    %jit3A_36 = arith.constant 0.000000e+00 : f32
    %broadcast_in_dim3A_37 = vector.broadcast %reduce_sum3A_22 : f32 to vector<8x128xf32>
    %broadcast_in_dim3A_38 = vector.broadcast %jit3A_36 : f32 to vector<8x128xf32>
    %select_n3A_39 = arith.select %eq3A_35, %broadcast_in_dim3A_37, %broadcast_in_dim3A_38 : vector<8x128xi1>, vector<8x128xf32>
    %add3A = arith.addf %broadcast_in_dim3A_15, %select_n3A_39 : vector<8x128xf32>
    %eq3A_40 = arith.constant 9 : i32
    %eq3A_41 = vector.broadcast %eq3A_40 : i32 to vector<8x128xi32>
    %eq3A_42 = arith.cmpi eq, %iota3A, %eq3A_41 : vector<8x128xi32>
    %jit3A_43 = arith.constant 0.000000e+00 : f32
    %broadcast_in_dim3A_44 = vector.broadcast %reduce_sum3A_32 : f32 to vector<8x128xf32>
    %broadcast_in_dim3A_45 = vector.broadcast %jit3A_43 : f32 to vector<8x128xf32>
    %select_n3A_46 = arith.select %eq3A_42, %broadcast_in_dim3A_44, %broadcast_in_dim3A_45 : vector<8x128xi1>, vector<8x128xf32>
    %add3A_47 = arith.addf %add3A, %select_n3A_46 : vector<8x128xf32>
    %eq3A_48 = arith.constant 2 : i32
    %eq3A_49 = vector.broadcast %eq3A_48 : i32 to vector<128x512xi32>
    %eq3A_50 = arith.cmpi eq, %get3A_13, %eq3A_49 : vector<128x512xi32>
    %jit3A_51 = arith.constant 0.000000e+00 : f32
    %broadcast_in_dim3A_52 = vector.broadcast %jit3A_51 : f32 to vector<128x512xf32>
    %select_n3A_53 = arith.select %eq3A_50, %mul3A, %broadcast_in_dim3A_52 : vector<128x512xi1>, vector<128x512xf32>
    %reduce_sum3A_54 = vector.shape_cast %select_n3A_53 : vector<128x512xf32> to vector<1x128x512xf32>
    %reduce_sum3A_55 = arith.constant dense<0.000000e+00> : vector<1xf32>
    %reduce_sum3A_56 = vector.multi_reduction <add>, %reduce_sum3A_54, %reduce_sum3A_55 [1, 2] : vector<1x128x512xf32> to vector<1xf32>
    %reduce_sum3A_57 = vector.shape_cast %reduce_sum3A_56 : vector<1xf32> to vector<1x1x1xf32>
    %reduce_sum3A_58 = vector.extract %reduce_sum3A_57[0, 0, 0] : f32 from vector<1x1x1xf32>
    %jit3A_59 = arith.constant 1.000000e+00 : f32
    %jit3A_60 = arith.constant 0.000000e+00 : f32
    %broadcast_in_dim3A_61 = vector.broadcast %jit3A_59 : f32 to vector<128x512xf32>
    %broadcast_in_dim3A_62 = vector.broadcast %jit3A_60 : f32 to vector<128x512xf32>
    %select_n3A_63 = arith.select %eq3A_50, %broadcast_in_dim3A_61, %broadcast_in_dim3A_62 : vector<128x512xi1>, vector<128x512xf32>
    %reduce_sum3A_64 = vector.shape_cast %select_n3A_63 : vector<128x512xf32> to vector<1x128x512xf32>
    %reduce_sum3A_65 = arith.constant dense<0.000000e+00> : vector<1xf32>
    %reduce_sum3A_66 = vector.multi_reduction <add>, %reduce_sum3A_64, %reduce_sum3A_65 [1, 2] : vector<1x128x512xf32> to vector<1xf32>
    %reduce_sum3A_67 = vector.shape_cast %reduce_sum3A_66 : vector<1xf32> to vector<1x1x1xf32>
    %reduce_sum3A_68 = vector.extract %reduce_sum3A_67[0, 0, 0] : f32 from vector<1x1x1xf32>
    %eq3A_69 = arith.constant 2 : i32
    %eq3A_70 = vector.broadcast %eq3A_69 : i32 to vector<8x128xi32>
    %eq3A_71 = arith.cmpi eq, %iota3A, %eq3A_70 : vector<8x128xi32>
    %jit3A_72 = arith.constant 0.000000e+00 : f32
    %broadcast_in_dim3A_73 = vector.broadcast %reduce_sum3A_58 : f32 to vector<8x128xf32>
    %broadcast_in_dim3A_74 = vector.broadcast %jit3A_72 : f32 to vector<8x128xf32>
    %select_n3A_75 = arith.select %eq3A_71, %broadcast_in_dim3A_73, %broadcast_in_dim3A_74 : vector<8x128xi1>, vector<8x128xf32>
    %add3A_76 = arith.addf %add3A_47, %select_n3A_75 : vector<8x128xf32>
    %eq3A_77 = arith.constant 10 : i32
    %eq3A_78 = vector.broadcast %eq3A_77 : i32 to vector<8x128xi32>
    %eq3A_79 = arith.cmpi eq, %iota3A, %eq3A_78 : vector<8x128xi32>
    %jit3A_80 = arith.constant 0.000000e+00 : f32
    %broadcast_in_dim3A_81 = vector.broadcast %reduce_sum3A_68 : f32 to vector<8x128xf32>
    %broadcast_in_dim3A_82 = vector.broadcast %jit3A_80 : f32 to vector<8x128xf32>
    %select_n3A_83 = arith.select %eq3A_79, %broadcast_in_dim3A_81, %broadcast_in_dim3A_82 : vector<8x128xi1>, vector<8x128xf32>
    %add3A_84 = arith.addf %add3A_76, %select_n3A_83 : vector<8x128xf32>
    %eq3A_85 = arith.constant 3 : i32
    %eq3A_86 = vector.broadcast %eq3A_85 : i32 to vector<128x512xi32>
    %eq3A_87 = arith.cmpi eq, %get3A_13, %eq3A_86 : vector<128x512xi32>
    %jit3A_88 = arith.constant 0.000000e+00 : f32
    %broadcast_in_dim3A_89 = vector.broadcast %jit3A_88 : f32 to vector<128x512xf32>
    %select_n3A_90 = arith.select %eq3A_87, %mul3A, %broadcast_in_dim3A_89 : vector<128x512xi1>, vector<128x512xf32>
    %reduce_sum3A_91 = vector.shape_cast %select_n3A_90 : vector<128x512xf32> to vector<1x128x512xf32>
    %reduce_sum3A_92 = arith.constant dense<0.000000e+00> : vector<1xf32>
    %reduce_sum3A_93 = vector.multi_reduction <add>, %reduce_sum3A_91, %reduce_sum3A_92 [1, 2] : vector<1x128x512xf32> to vector<1xf32>
    %reduce_sum3A_94 = vector.shape_cast %reduce_sum3A_93 : vector<1xf32> to vector<1x1x1xf32>
    %reduce_sum3A_95 = vector.extract %reduce_sum3A_94[0, 0, 0] : f32 from vector<1x1x1xf32>
    %jit3A_96 = arith.constant 1.000000e+00 : f32
    %jit3A_97 = arith.constant 0.000000e+00 : f32
    %broadcast_in_dim3A_98 = vector.broadcast %jit3A_96 : f32 to vector<128x512xf32>
    %broadcast_in_dim3A_99 = vector.broadcast %jit3A_97 : f32 to vector<128x512xf32>
    %select_n3A_100 = arith.select %eq3A_87, %broadcast_in_dim3A_98, %broadcast_in_dim3A_99 : vector<128x512xi1>, vector<128x512xf32>
    %reduce_sum3A_101 = vector.shape_cast %select_n3A_100 : vector<128x512xf32> to vector<1x128x512xf32>
    %reduce_sum3A_102 = arith.constant dense<0.000000e+00> : vector<1xf32>
    %reduce_sum3A_103 = vector.multi_reduction <add>, %reduce_sum3A_101, %reduce_sum3A_102 [1, 2] : vector<1x128x512xf32> to vector<1xf32>
    %reduce_sum3A_104 = vector.shape_cast %reduce_sum3A_103 : vector<1xf32> to vector<1x1x1xf32>
    %reduce_sum3A_105 = vector.extract %reduce_sum3A_104[0, 0, 0] : f32 from vector<1x1x1xf32>
    %eq3A_106 = arith.constant 3 : i32
    %eq3A_107 = vector.broadcast %eq3A_106 : i32 to vector<8x128xi32>
    %eq3A_108 = arith.cmpi eq, %iota3A, %eq3A_107 : vector<8x128xi32>
    %jit3A_109 = arith.constant 0.000000e+00 : f32
    %broadcast_in_dim3A_110 = vector.broadcast %reduce_sum3A_95 : f32 to vector<8x128xf32>
    %broadcast_in_dim3A_111 = vector.broadcast %jit3A_109 : f32 to vector<8x128xf32>
    %select_n3A_112 = arith.select %eq3A_108, %broadcast_in_dim3A_110, %broadcast_in_dim3A_111 : vector<8x128xi1>, vector<8x128xf32>
    %add3A_113 = arith.addf %add3A_84, %select_n3A_112 : vector<8x128xf32>
    %eq3A_114 = arith.constant 11 : i32
    %eq3A_115 = vector.broadcast %eq3A_114 : i32 to vector<8x128xi32>
    %eq3A_116 = arith.cmpi eq, %iota3A, %eq3A_115 : vector<8x128xi32>
    %jit3A_117 = arith.constant 0.000000e+00 : f32
    %broadcast_in_dim3A_118 = vector.broadcast %reduce_sum3A_105 : f32 to vector<8x128xf32>
    %broadcast_in_dim3A_119 = vector.broadcast %jit3A_117 : f32 to vector<8x128xf32>
    %select_n3A_120 = arith.select %eq3A_116, %broadcast_in_dim3A_118, %broadcast_in_dim3A_119 : vector<8x128xi1>, vector<8x128xf32>
    %add3A_121 = arith.addf %add3A_113, %select_n3A_120 : vector<8x128xf32>
    %eq3A_122 = arith.constant 4 : i32
    %eq3A_123 = vector.broadcast %eq3A_122 : i32 to vector<128x512xi32>
    %eq3A_124 = arith.cmpi eq, %get3A_13, %eq3A_123 : vector<128x512xi32>
    %jit3A_125 = arith.constant 0.000000e+00 : f32
    %broadcast_in_dim3A_126 = vector.broadcast %jit3A_125 : f32 to vector<128x512xf32>
    %select_n3A_127 = arith.select %eq3A_124, %mul3A, %broadcast_in_dim3A_126 : vector<128x512xi1>, vector<128x512xf32>
    %reduce_sum3A_128 = vector.shape_cast %select_n3A_127 : vector<128x512xf32> to vector<1x128x512xf32>
    %reduce_sum3A_129 = arith.constant dense<0.000000e+00> : vector<1xf32>
    %reduce_sum3A_130 = vector.multi_reduction <add>, %reduce_sum3A_128, %reduce_sum3A_129 [1, 2] : vector<1x128x512xf32> to vector<1xf32>
    %reduce_sum3A_131 = vector.shape_cast %reduce_sum3A_130 : vector<1xf32> to vector<1x1x1xf32>
    %reduce_sum3A_132 = vector.extract %reduce_sum3A_131[0, 0, 0] : f32 from vector<1x1x1xf32>
    %jit3A_133 = arith.constant 1.000000e+00 : f32
    %jit3A_134 = arith.constant 0.000000e+00 : f32
    %broadcast_in_dim3A_135 = vector.broadcast %jit3A_133 : f32 to vector<128x512xf32>
    %broadcast_in_dim3A_136 = vector.broadcast %jit3A_134 : f32 to vector<128x512xf32>
    %select_n3A_137 = arith.select %eq3A_124, %broadcast_in_dim3A_135, %broadcast_in_dim3A_136 : vector<128x512xi1>, vector<128x512xf32>
    %reduce_sum3A_138 = vector.shape_cast %select_n3A_137 : vector<128x512xf32> to vector<1x128x512xf32>
    %reduce_sum3A_139 = arith.constant dense<0.000000e+00> : vector<1xf32>
    %reduce_sum3A_140 = vector.multi_reduction <add>, %reduce_sum3A_138, %reduce_sum3A_139 [1, 2] : vector<1x128x512xf32> to vector<1xf32>
    %reduce_sum3A_141 = vector.shape_cast %reduce_sum3A_140 : vector<1xf32> to vector<1x1x1xf32>
    %reduce_sum3A_142 = vector.extract %reduce_sum3A_141[0, 0, 0] : f32 from vector<1x1x1xf32>
    %eq3A_143 = arith.constant 4 : i32
    %eq3A_144 = vector.broadcast %eq3A_143 : i32 to vector<8x128xi32>
    %eq3A_145 = arith.cmpi eq, %iota3A, %eq3A_144 : vector<8x128xi32>
    %jit3A_146 = arith.constant 0.000000e+00 : f32
    %broadcast_in_dim3A_147 = vector.broadcast %reduce_sum3A_132 : f32 to vector<8x128xf32>
    %broadcast_in_dim3A_148 = vector.broadcast %jit3A_146 : f32 to vector<8x128xf32>
    %select_n3A_149 = arith.select %eq3A_145, %broadcast_in_dim3A_147, %broadcast_in_dim3A_148 : vector<8x128xi1>, vector<8x128xf32>
    %add3A_150 = arith.addf %add3A_121, %select_n3A_149 : vector<8x128xf32>
    %eq3A_151 = arith.constant 12 : i32
    %eq3A_152 = vector.broadcast %eq3A_151 : i32 to vector<8x128xi32>
    %eq3A_153 = arith.cmpi eq, %iota3A, %eq3A_152 : vector<8x128xi32>
    %jit3A_154 = arith.constant 0.000000e+00 : f32
    %broadcast_in_dim3A_155 = vector.broadcast %reduce_sum3A_142 : f32 to vector<8x128xf32>
    %broadcast_in_dim3A_156 = vector.broadcast %jit3A_154 : f32 to vector<8x128xf32>
    %select_n3A_157 = arith.select %eq3A_153, %broadcast_in_dim3A_155, %broadcast_in_dim3A_156 : vector<8x128xi1>, vector<8x128xf32>
    %add3A_158 = arith.addf %add3A_150, %select_n3A_157 : vector<8x128xf32>
    %eq3A_159 = vector.broadcast %arg0 : i32 to vector<8x128xi32>
    %eq3A_160 = arith.cmpi eq, %iota3A_14, %eq3A_159 : vector<8x128xi32>
    %jit3A_161 = arith.constant 0.000000e+00 : f32
    %broadcast_in_dim3A_162 = vector.broadcast %jit3A_161 : f32 to vector<8x128xf32>
    %select_n3A_163 = arith.select %eq3A_160, %add3A_158, %broadcast_in_dim3A_162 : vector<8x128xi1>, vector<8x128xf32>
    %eq3A_164 = arith.constant 0 : i32
    %eq3A_165 = arith.cmpi eq, %arg0, %eq3A_164 : i32
    %eq3A_166 = arith.constant 0 : i32
    %eq3A_167 = arith.cmpi eq, %arg1, %eq3A_166 : i32
    %and3A = arith.andi %eq3A_165, %eq3A_167 : i1
    %convert_element_type3A = arith.extui %and3A : i1 to i32
    %cond3A = arith.constant 0 : i32
    %cond3A_168 = arith.cmpi ne, %convert_element_type3A, %cond3A : i32
    scf.if %cond3A_168 {
      %swap3A = arith.constant 0 : index
      %swap3A_181 = arith.constant 0 : index
      %swap3A_182 = vector.load %arg6[%swap3A, %swap3A_181] : memref<8x128xf32, #tpu.memory_space<vmem>>, vector<8x128xf32>
      tpu.vector_store %arg6[%swap3A, %swap3A_181], %select_n3A_163 {strides = array<i32>} : memref<8x128xf32, #tpu.memory_space<vmem>>, vector<8x128xf32>,
    } else {
    }
    %not3A = arith.constant true
    %not3A_169 = arith.xori %and3A, %not3A : i1
    %convert_element_type3A_170 = arith.extui %not3A_169 : i1 to i32
    %cond3A_171 = arith.constant 0 : i32
    %cond3A_172 = arith.cmpi ne, %convert_element_type3A_170, %cond3A_171 : i32
    scf.if %cond3A_172 {
      %get3A_181 = arith.constant 0 : index
      %get3A_182 = arith.constant 0 : index
      %get3A_183 = vector.load %arg6[%get3A_181, %get3A_182] : memref<8x128xf32, #tpu.memory_space<vmem>>, vector<8x128xf32>
      %add3A_184 = arith.addf %get3A_183, %select_n3A_163 : vector<8x128xf32>
      %swap3A = arith.constant 0 : index
      %swap3A_185 = arith.constant 0 : index
      %swap3A_186 = vector.load %arg6[%swap3A, %swap3A_185] : memref<8x128xf32, #tpu.memory_space<vmem>>, vector<8x128xf32>
      tpu.vector_store %arg6[%swap3A, %swap3A_185], %add3A_184 {strides = array<i32>} : memref<8x128xf32, #tpu.memory_space<vmem>>, vector<8x128xf32>,
    } else {
    }
    %eq3A_173 = arith.constant 3 : i32
    %eq3A_174 = arith.cmpi eq, %arg0, %eq3A_173 : i32
    %eq3A_175 = arith.constant 3 : i32
    %eq3A_176 = arith.cmpi eq, %arg1, %eq3A_175 : i32
    %and3A_177 = arith.andi %eq3A_174, %eq3A_176 : i1
    %convert_element_type3A_178 = arith.extui %and3A_177 : i1 to i32
    %cond3A_179 = arith.constant 0 : i32
    %cond3A_180 = arith.cmpi ne, %convert_element_type3A_178, %cond3A_179 : i32
    scf.if %cond3A_180 {
      %get3A_181 = arith.constant 0 : index
      %get3A_182 = arith.constant 0 : index
      %get3A_183 = vector.load %arg6[%get3A_181, %get3A_182] : memref<8x128xf32, #tpu.memory_space<vmem>>, vector<8x128xf32>
      %slice3A = vector.extract_strided_slice %get3A_183 {offsets = [0, 1], sizes = [1, 1], strides = [1, 1]} : vector<8x128xf32> to vector<1x1xf32>
      %squeeze3A = vector.extract %slice3A[0, 0] : f32 from vector<1x1xf32>
      %slice3A_184 = vector.extract_strided_slice %get3A_183 {offsets = [0, 9], sizes = [1, 1], strides = [1, 1]} : vector<8x128xf32> to vector<1x1xf32>
      %squeeze3A_185 = vector.extract %slice3A_184[0, 0] : f32 from vector<1x1xf32>
      %gt3A = arith.constant 0.000000e+00 : f32
      %gt3A_186 = arith.cmpf ogt, %squeeze3A_185, %gt3A : f32
      %max3A = arith.constant 1.000000e+00 : f32
      %max3A_187 = arith.maximumf %squeeze3A_185, %max3A : f32
      %div3A = arith.divf %squeeze3A, %max3A_187 : f32
      %jit3A_188 = arith.constant 0.000000e+00 : f32
      %select_n3A_189 = arith.select %gt3A_186, %div3A, %jit3A_188 : f32
      %add3A_190 = arith.constant 0.000000e+00 : f32
      %add3A_191 = arith.addf %add3A_190, %select_n3A_189 : f32
      %slice3A_192 = vector.extract_strided_slice %get3A_183 {offsets = [0, 2], sizes = [1, 1], strides = [1, 1]} : vector<8x128xf32> to vector<1x1xf32>
      %squeeze3A_193 = vector.extract %slice3A_192[0, 0] : f32 from vector<1x1xf32>
      %slice3A_194 = vector.extract_strided_slice %get3A_183 {offsets = [0, 10], sizes = [1, 1], strides = [1, 1]} : vector<8x128xf32> to vector<1x1xf32>
      %squeeze3A_195 = vector.extract %slice3A_194[0, 0] : f32 from vector<1x1xf32>
      %gt3A_196 = arith.constant 0.000000e+00 : f32
      %gt3A_197 = arith.cmpf ogt, %squeeze3A_195, %gt3A_196 : f32
      %max3A_198 = arith.constant 1.000000e+00 : f32
      %max3A_199 = arith.maximumf %squeeze3A_195, %max3A_198 : f32
      %div3A_200 = arith.divf %squeeze3A_193, %max3A_199 : f32
      %jit3A_201 = arith.constant 0.000000e+00 : f32
      %select_n3A_202 = arith.select %gt3A_197, %div3A_200, %jit3A_201 : f32
      %add3A_203 = arith.addf %add3A_191, %select_n3A_202 : f32
      %slice3A_204 = vector.extract_strided_slice %get3A_183 {offsets = [0, 3], sizes = [1, 1], strides = [1, 1]} : vector<8x128xf32> to vector<1x1xf32>
      %squeeze3A_205 = vector.extract %slice3A_204[0, 0] : f32 from vector<1x1xf32>
      %slice3A_206 = vector.extract_strided_slice %get3A_183 {offsets = [0, 11], sizes = [1, 1], strides = [1, 1]} : vector<8x128xf32> to vector<1x1xf32>
      %squeeze3A_207 = vector.extract %slice3A_206[0, 0] : f32 from vector<1x1xf32>
      %gt3A_208 = arith.constant 0.000000e+00 : f32
      %gt3A_209 = arith.cmpf ogt, %squeeze3A_207, %gt3A_208 : f32
      %max3A_210 = arith.constant 1.000000e+00 : f32
      %max3A_211 = arith.maximumf %squeeze3A_207, %max3A_210 : f32
      %div3A_212 = arith.divf %squeeze3A_205, %max3A_211 : f32
      %jit3A_213 = arith.constant 0.000000e+00 : f32
      %select_n3A_214 = arith.select %gt3A_209, %div3A_212, %jit3A_213 : f32
      %add3A_215 = arith.addf %add3A_203, %select_n3A_214 : f32
      %slice3A_216 = vector.extract_strided_slice %get3A_183 {offsets = [0, 4], sizes = [1, 1], strides = [1, 1]} : vector<8x128xf32> to vector<1x1xf32>
      %squeeze3A_217 = vector.extract %slice3A_216[0, 0] : f32 from vector<1x1xf32>
      %slice3A_218 = vector.extract_strided_slice %get3A_183 {offsets = [0, 12], sizes = [1, 1], strides = [1, 1]} : vector<8x128xf32> to vector<1x1xf32>
      %squeeze3A_219 = vector.extract %slice3A_218[0, 0] : f32 from vector<1x1xf32>
      %gt3A_220 = arith.constant 0.000000e+00 : f32
      %gt3A_221 = arith.cmpf ogt, %squeeze3A_219, %gt3A_220 : f32
      %max3A_222 = arith.constant 1.000000e+00 : f32
      %max3A_223 = arith.maximumf %squeeze3A_219, %max3A_222 : f32
      %div3A_224 = arith.divf %squeeze3A_217, %max3A_223 : f32
      %jit3A_225 = arith.constant 0.000000e+00 : f32
      %select_n3A_226 = arith.select %gt3A_221, %div3A_224, %jit3A_225 : f32
      %add3A_227 = arith.addf %add3A_215, %select_n3A_226 : f32
      %slice3A_228 = vector.extract_strided_slice %get3A_183 {offsets = [1, 1], sizes = [1, 1], strides = [1, 1]} : vector<8x128xf32> to vector<1x1xf32>
      %squeeze3A_229 = vector.extract %slice3A_228[0, 0] : f32 from vector<1x1xf32>
      %slice3A_230 = vector.extract_strided_slice %get3A_183 {offsets = [1, 9], sizes = [1, 1], strides = [1, 1]} : vector<8x128xf32> to vector<1x1xf32>
      %squeeze3A_231 = vector.extract %slice3A_230[0, 0] : f32 from vector<1x1xf32>
      %gt3A_232 = arith.constant 0.000000e+00 : f32
      %gt3A_233 = arith.cmpf ogt, %squeeze3A_231, %gt3A_232 : f32
      %max3A_234 = arith.constant 1.000000e+00 : f32
      %max3A_235 = arith.maximumf %squeeze3A_231, %max3A_234 : f32
      %div3A_236 = arith.divf %squeeze3A_229, %max3A_235 : f32
      %jit3A_237 = arith.constant 0.000000e+00 : f32
      %select_n3A_238 = arith.select %gt3A_233, %div3A_236, %jit3A_237 : f32
      %add3A_239 = arith.addf %add3A_227, %select_n3A_238 : f32
      %slice3A_240 = vector.extract_strided_slice %get3A_183 {offsets = [1, 2], sizes = [1, 1], strides = [1, 1]} : vector<8x128xf32> to vector<1x1xf32>
      %squeeze3A_241 = vector.extract %slice3A_240[0, 0] : f32 from vector<1x1xf32>
      %slice3A_242 = vector.extract_strided_slice %get3A_183 {offsets = [1, 10], sizes = [1, 1], strides = [1, 1]} : vector<8x128xf32> to vector<1x1xf32>
      %squeeze3A_243 = vector.extract %slice3A_242[0, 0] : f32 from vector<1x1xf32>
      %gt3A_244 = arith.constant 0.000000e+00 : f32
      %gt3A_245 = arith.cmpf ogt, %squeeze3A_243, %gt3A_244 : f32
      %max3A_246 = arith.constant 1.000000e+00 : f32
      %max3A_247 = arith.maximumf %squeeze3A_243, %max3A_246 : f32
      %div3A_248 = arith.divf %squeeze3A_241, %max3A_247 : f32
      %jit3A_249 = arith.constant 0.000000e+00 : f32
      %select_n3A_250 = arith.select %gt3A_245, %div3A_248, %jit3A_249 : f32
      %add3A_251 = arith.addf %add3A_239, %select_n3A_250 : f32
      %slice3A_252 = vector.extract_strided_slice %get3A_183 {offsets = [1, 3], sizes = [1, 1], strides = [1, 1]} : vector<8x128xf32> to vector<1x1xf32>
      %squeeze3A_253 = vector.extract %slice3A_252[0, 0] : f32 from vector<1x1xf32>
      %slice3A_254 = vector.extract_strided_slice %get3A_183 {offsets = [1, 11], sizes = [1, 1], strides = [1, 1]} : vector<8x128xf32> to vector<1x1xf32>
      %squeeze3A_255 = vector.extract %slice3A_254[0, 0] : f32 from vector<1x1xf32>
      %gt3A_256 = arith.constant 0.000000e+00 : f32
      %gt3A_257 = arith.cmpf ogt, %squeeze3A_255, %gt3A_256 : f32
      %max3A_258 = arith.constant 1.000000e+00 : f32
      %max3A_259 = arith.maximumf %squeeze3A_255, %max3A_258 : f32
      %div3A_260 = arith.divf %squeeze3A_253, %max3A_259 : f32
      %jit3A_261 = arith.constant 0.000000e+00 : f32
      %select_n3A_262 = arith.select %gt3A_257, %div3A_260, %jit3A_261 : f32
      %add3A_263 = arith.addf %add3A_251, %select_n3A_262 : f32
      %slice3A_264 = vector.extract_strided_slice %get3A_183 {offsets = [1, 4], sizes = [1, 1], strides = [1, 1]} : vector<8x128xf32> to vector<1x1xf32>
      %squeeze3A_265 = vector.extract %slice3A_264[0, 0] : f32 from vector<1x1xf32>
      %slice3A_266 = vector.extract_strided_slice %get3A_183 {offsets = [1, 12], sizes = [1, 1], strides = [1, 1]} : vector<8x128xf32> to vector<1x1xf32>
      %squeeze3A_267 = vector.extract %slice3A_266[0, 0] : f32 from vector<1x1xf32>
      %gt3A_268 = arith.constant 0.000000e+00 : f32
      %gt3A_269 = arith.cmpf ogt, %squeeze3A_267, %gt3A_268 : f32
      %max3A_270 = arith.constant 1.000000e+00 : f32
      %max3A_271 = arith.maximumf %squeeze3A_267, %max3A_270 : f32
      %div3A_272 = arith.divf %squeeze3A_265, %max3A_271 : f32
      %jit3A_273 = arith.constant 0.000000e+00 : f32
      %select_n3A_274 = arith.select %gt3A_269, %div3A_272, %jit3A_273 : f32
      %add3A_275 = arith.addf %add3A_263, %select_n3A_274 : f32
      %slice3A_276 = vector.extract_strided_slice %get3A_183 {offsets = [2, 1], sizes = [1, 1], strides = [1, 1]} : vector<8x128xf32> to vector<1x1xf32>
      %squeeze3A_277 = vector.extract %slice3A_276[0, 0] : f32 from vector<1x1xf32>
      %slice3A_278 = vector.extract_strided_slice %get3A_183 {offsets = [2, 9], sizes = [1, 1], strides = [1, 1]} : vector<8x128xf32> to vector<1x1xf32>
      %squeeze3A_279 = vector.extract %slice3A_278[0, 0] : f32 from vector<1x1xf32>
      %gt3A_280 = arith.constant 0.000000e+00 : f32
      %gt3A_281 = arith.cmpf ogt, %squeeze3A_279, %gt3A_280 : f32
      %max3A_282 = arith.constant 1.000000e+00 : f32
      %max3A_283 = arith.maximumf %squeeze3A_279, %max3A_282 : f32
      %div3A_284 = arith.divf %squeeze3A_277, %max3A_283 : f32
      %jit3A_285 = arith.constant 0.000000e+00 : f32
      %select_n3A_286 = arith.select %gt3A_281, %div3A_284, %jit3A_285 : f32
      %add3A_287 = arith.addf %add3A_275, %select_n3A_286 : f32
      %slice3A_288 = vector.extract_strided_slice %get3A_183 {offsets = [2, 2], sizes = [1, 1], strides = [1, 1]} : vector<8x128xf32> to vector<1x1xf32>
      %squeeze3A_289 = vector.extract %slice3A_288[0, 0] : f32 from vector<1x1xf32>
      %slice3A_290 = vector.extract_strided_slice %get3A_183 {offsets = [2, 10], sizes = [1, 1], strides = [1, 1]} : vector<8x128xf32> to vector<1x1xf32>
      %squeeze3A_291 = vector.extract %slice3A_290[0, 0] : f32 from vector<1x1xf32>
      %gt3A_292 = arith.constant 0.000000e+00 : f32
      %gt3A_293 = arith.cmpf ogt, %squeeze3A_291, %gt3A_292 : f32
      %max3A_294 = arith.constant 1.000000e+00 : f32
      %max3A_295 = arith.maximumf %squeeze3A_291, %max3A_294 : f32
      %div3A_296 = arith.divf %squeeze3A_289, %max3A_295 : f32
      %jit3A_297 = arith.constant 0.000000e+00 : f32
      %select_n3A_298 = arith.select %gt3A_293, %div3A_296, %jit3A_297 : f32
      %add3A_299 = arith.addf %add3A_287, %select_n3A_298 : f32
      %slice3A_300 = vector.extract_strided_slice %get3A_183 {offsets = [2, 3], sizes = [1, 1], strides = [1, 1]} : vector<8x128xf32> to vector<1x1xf32>
      %squeeze3A_301 = vector.extract %slice3A_300[0, 0] : f32 from vector<1x1xf32>
      %slice3A_302 = vector.extract_strided_slice %get3A_183 {offsets = [2, 11], sizes = [1, 1], strides = [1, 1]} : vector<8x128xf32> to vector<1x1xf32>
      %squeeze3A_303 = vector.extract %slice3A_302[0, 0] : f32 from vector<1x1xf32>
      %gt3A_304 = arith.constant 0.000000e+00 : f32
      %gt3A_305 = arith.cmpf ogt, %squeeze3A_303, %gt3A_304 : f32
      %max3A_306 = arith.constant 1.000000e+00 : f32
      %max3A_307 = arith.maximumf %squeeze3A_303, %max3A_306 : f32
      %div3A_308 = arith.divf %squeeze3A_301, %max3A_307 : f32
      %jit3A_309 = arith.constant 0.000000e+00 : f32
      %select_n3A_310 = arith.select %gt3A_305, %div3A_308, %jit3A_309 : f32
      %add3A_311 = arith.addf %add3A_299, %select_n3A_310 : f32
      %slice3A_312 = vector.extract_strided_slice %get3A_183 {offsets = [2, 4], sizes = [1, 1], strides = [1, 1]} : vector<8x128xf32> to vector<1x1xf32>
      %squeeze3A_313 = vector.extract %slice3A_312[0, 0] : f32 from vector<1x1xf32>
      %slice3A_314 = vector.extract_strided_slice %get3A_183 {offsets = [2, 12], sizes = [1, 1], strides = [1, 1]} : vector<8x128xf32> to vector<1x1xf32>
      %squeeze3A_315 = vector.extract %slice3A_314[0, 0] : f32 from vector<1x1xf32>
      %gt3A_316 = arith.constant 0.000000e+00 : f32
      %gt3A_317 = arith.cmpf ogt, %squeeze3A_315, %gt3A_316 : f32
      %max3A_318 = arith.constant 1.000000e+00 : f32
      %max3A_319 = arith.maximumf %squeeze3A_315, %max3A_318 : f32
      %div3A_320 = arith.divf %squeeze3A_313, %max3A_319 : f32
      %jit3A_321 = arith.constant 0.000000e+00 : f32
      %select_n3A_322 = arith.select %gt3A_317, %div3A_320, %jit3A_321 : f32
      %add3A_323 = arith.addf %add3A_311, %select_n3A_322 : f32
      %slice3A_324 = vector.extract_strided_slice %get3A_183 {offsets = [3, 1], sizes = [1, 1], strides = [1, 1]} : vector<8x128xf32> to vector<1x1xf32>
      %squeeze3A_325 = vector.extract %slice3A_324[0, 0] : f32 from vector<1x1xf32>
      %slice3A_326 = vector.extract_strided_slice %get3A_183 {offsets = [3, 9], sizes = [1, 1], strides = [1, 1]} : vector<8x128xf32> to vector<1x1xf32>
      %squeeze3A_327 = vector.extract %slice3A_326[0, 0] : f32 from vector<1x1xf32>
      %gt3A_328 = arith.constant 0.000000e+00 : f32
      %gt3A_329 = arith.cmpf ogt, %squeeze3A_327, %gt3A_328 : f32
      %max3A_330 = arith.constant 1.000000e+00 : f32
      %max3A_331 = arith.maximumf %squeeze3A_327, %max3A_330 : f32
      %div3A_332 = arith.divf %squeeze3A_325, %max3A_331 : f32
      %jit3A_333 = arith.constant 0.000000e+00 : f32
      %select_n3A_334 = arith.select %gt3A_329, %div3A_332, %jit3A_333 : f32
      %add3A_335 = arith.addf %add3A_323, %select_n3A_334 : f32
      %slice3A_336 = vector.extract_strided_slice %get3A_183 {offsets = [3, 2], sizes = [1, 1], strides = [1, 1]} : vector<8x128xf32> to vector<1x1xf32>
      %squeeze3A_337 = vector.extract %slice3A_336[0, 0] : f32 from vector<1x1xf32>
      %slice3A_338 = vector.extract_strided_slice %get3A_183 {offsets = [3, 10], sizes = [1, 1], strides = [1, 1]} : vector<8x128xf32> to vector<1x1xf32>
      %squeeze3A_339 = vector.extract %slice3A_338[0, 0] : f32 from vector<1x1xf32>
      %gt3A_340 = arith.constant 0.000000e+00 : f32
      %gt3A_341 = arith.cmpf ogt, %squeeze3A_339, %gt3A_340 : f32
      %max3A_342 = arith.constant 1.000000e+00 : f32
      %max3A_343 = arith.maximumf %squeeze3A_339, %max3A_342 : f32
      %div3A_344 = arith.divf %squeeze3A_337, %max3A_343 : f32
      %jit3A_345 = arith.constant 0.000000e+00 : f32
      %select_n3A_346 = arith.select %gt3A_341, %div3A_344, %jit3A_345 : f32
      %add3A_347 = arith.addf %add3A_335, %select_n3A_346 : f32
      %slice3A_348 = vector.extract_strided_slice %get3A_183 {offsets = [3, 3], sizes = [1, 1], strides = [1, 1]} : vector<8x128xf32> to vector<1x1xf32>
      %squeeze3A_349 = vector.extract %slice3A_348[0, 0] : f32 from vector<1x1xf32>
      %slice3A_350 = vector.extract_strided_slice %get3A_183 {offsets = [3, 11], sizes = [1, 1], strides = [1, 1]} : vector<8x128xf32> to vector<1x1xf32>
      %squeeze3A_351 = vector.extract %slice3A_350[0, 0] : f32 from vector<1x1xf32>
      %gt3A_352 = arith.constant 0.000000e+00 : f32
      %gt3A_353 = arith.cmpf ogt, %squeeze3A_351, %gt3A_352 : f32
      %max3A_354 = arith.constant 1.000000e+00 : f32
      %max3A_355 = arith.maximumf %squeeze3A_351, %max3A_354 : f32
      %div3A_356 = arith.divf %squeeze3A_349, %max3A_355 : f32
      %jit3A_357 = arith.constant 0.000000e+00 : f32
      %select_n3A_358 = arith.select %gt3A_353, %div3A_356, %jit3A_357 : f32
      %add3A_359 = arith.addf %add3A_347, %select_n3A_358 : f32
      %slice3A_360 = vector.extract_strided_slice %get3A_183 {offsets = [3, 4], sizes = [1, 1], strides = [1, 1]} : vector<8x128xf32> to vector<1x1xf32>
      %squeeze3A_361 = vector.extract %slice3A_360[0, 0] : f32 from vector<1x1xf32>
      %slice3A_362 = vector.extract_strided_slice %get3A_183 {offsets = [3, 12], sizes = [1, 1], strides = [1, 1]} : vector<8x128xf32> to vector<1x1xf32>
      %squeeze3A_363 = vector.extract %slice3A_362[0, 0] : f32 from vector<1x1xf32>
      %gt3A_364 = arith.constant 0.000000e+00 : f32
      %gt3A_365 = arith.cmpf ogt, %squeeze3A_363, %gt3A_364 : f32
      %max3A_366 = arith.constant 1.000000e+00 : f32
      %max3A_367 = arith.maximumf %squeeze3A_363, %max3A_366 : f32
      %div3A_368 = arith.divf %squeeze3A_361, %max3A_367 : f32
      %jit3A_369 = arith.constant 0.000000e+00 : f32
      %select_n3A_370 = arith.select %gt3A_365, %div3A_368, %jit3A_369 : f32
      %add3A_371 = arith.addf %add3A_359, %select_n3A_370 : f32
      %iota3A_372 = tpu.iota {dimensions = array<i32: 1>} : vector<1x128xi32>
      %eq3A_373 = arith.constant 0 : i32
      %eq3A_374 = vector.broadcast %eq3A_373 : i32 to vector<1x128xi32>
      %eq3A_375 = arith.cmpi eq, %iota3A_372, %eq3A_374 : vector<1x128xi32>
      %mul3A_376 = arith.constant 1.250000e-01 : f32
      %mul3A_377 = arith.mulf %add3A_371, %mul3A_376 : f32
      %jit3A_378 = arith.constant 0.000000e+00 : f32
      %broadcast_in_dim3A_379 = vector.broadcast %mul3A_377 : f32 to vector<1x128xf32>
      %broadcast_in_dim3A_380 = vector.broadcast %jit3A_378 : f32 to vector<1x128xf32>
      %select_n3A_381 = arith.select %eq3A_375, %broadcast_in_dim3A_379, %broadcast_in_dim3A_380 : vector<1x128xi1>, vector<1x128xf32>
      %swap3A = arith.constant 0 : index
      %swap3A_382 = arith.constant 0 : index
      %swap3A_383 = vector.load %arg5[%swap3A, %swap3A_382] : memref<1x128xf32, #tpu.memory_space<vmem>>, vector<1x128xf32>
      tpu.vector_store %arg5[%swap3A, %swap3A_382], %select_n3A_381 {strides = array<i32>} : memref<1x128xf32, #tpu.memory_space<vmem>>, vector<1x128xf32>,
    } else {
    }
    return
  }
  func.func @transform_0(%arg0: i32, %arg1: i32) -> (i32, i32, i32) {
    %add3A = arith.constant 4 : i32
    %add3A_0 = arith.addi %add3A, %arg0 : i32
    %c0_i32 = arith.constant 0 : i32
    %c0_i32_1 = arith.constant 0 : i32
    return %add3A_0, %arg1, %c0_i32 : i32, i32, i32
  }
  func.func @transform_1(%arg0: i32, %arg1: i32) -> (i32, i32, i32) {
    %add3A = arith.constant 4 : i32
    %add3A_0 = arith.addi %add3A, %arg0 : i32
    %c0_i32 = arith.constant 0 : i32
    %c0_i32_1 = arith.constant 0 : i32
    return %add3A_0, %arg1, %c0_i32 : i32, i32, i32
  }
  func.func @transform_2(%arg0: i32, %arg1: i32) -> (i32, i32, i32) {
    %add3A = arith.constant 4 : i32
    %add3A_0 = arith.addi %add3A, %arg0 : i32
    %c0_i32 = arith.constant 0 : i32
    %c0_i32_1 = arith.constant 0 : i32
    return %add3A_0, %arg1, %c0_i32 : i32, i32, i32
  }
  func.func @transform_3(%arg0: i32, %arg1: i32) -> (i32, i32) {
    %c0_i32 = arith.constant 0 : i32
    %c0_i32_0 = arith.constant 0 : i32
    %c0_i32_1 = arith.constant 0 : i32
    return %c0_i32, %c0_i32_0 : i32, i32
  }
}

</mosaic_0001>

<sc_bundles>
// kernel: kernel.4.cloned.1.call-start
scs
__scs_entry_jumppad:
0x0: {  	(pc) =	sbr.rel $0x88, $3  }
0x1: {  	(tag) =	ssettag $0x0;
	lr =	simm.s32 $0x1  }
0x2: {  	[smem:$0x3F9E] =	sst lr;
	_ =	strace $0xD0000000  }
0x3: {  	_ = 	snop  }
0x4: {  	_ = 	snop  }
0x5: {  	_ = 	snop  }
0x6: {  	_ = 	snop  }
0x7: {  	_ = 	snop  }
__scs_overlays_trampoline_lowered:
0x8: {  	[smem:$0x3FAD] =	sst s0  }
0x9: {  	[smem:$0x3FAE] =	sst s1  }
0xa: {  	[smem:$0x3FAF] =	sst s2  }
0xb: {  	[smem:$0x3FB0] =	sst s3  }
0xc: {  	[smem:$0x3FB1] =	sst s4  }
0xd: {  	[smem:$0x3FB2] =	sst s5  }
0xe: {  	[smem:$0x3FB3] =	sst s6  }
0xf: {  	[smem:$0x3FB4] =	sst s7  }
0x10: {  	[smem:$0x3FB5] =	sst s8  }
0x11: {  	[smem:$0x3FB6] =	sst s9;
	s0 =	simm.s32 @!p0 $0x0  }
0x12: {  	s1 =	sld [smem:$0x3F9C];
	s0 =	simm.s32 @p0 $0x1  }
0x13: {  	[smem:$0x3FB7] =	sst s0;
	s0 =	simm.s32 @!p1 $0x0  }
0x14: {  	s2 =	sld [smem:$0x3F9B];
	s0 =	simm.s32 @p1 $0x1  }
0x15: {  	[smem:$0x3FB8] =	sst s0;
	s0 =	simm.s32 @!p2 $0x0  }
0x16: {  	s3 =	sld [smem:$0x3FDB];
	s0 =	simm.s32 @p2 $0x1  }
0x17: {  	s4 =	simm.s32 $0x1BF5;
	[smem:$0x3FBA] =	sst s0  }
0x18: {  	s0 =	sld [smem:$0x3F9D];
	_ =	swait.ge [sflag:s4], $0x0  }
0x19: {  	s7 =	sld [smem:$0x3F9E]  }
0x1a: {  	s8 =	sadd.s32 $0xFFFFE003, lr  }
0x1b: {  	s9 =	sadd.s32 $0xFFFFFEF7, lr;
	s5 =	simm.s32 $0xFFFFFFFF;
	p2 =	slt.u32 s8, $0xFFFFF086  }
0x1c: {  	p1 =	slt.u32 s9, $0xF7A;
	s5 =	simm.s32 @!p2 $0x0  }
0x1d: {  	s5 =	simm.s32 @p1 $0x1;
	p0 =	seq.s32 s7, s2  }
0x1e: {  	s7 =	smul.u32 @!p0 $0xF7A, s2;
	p2 =	seq.s32 @!p0 s5, $0x0  }
0x1f: {  	s9 =	smul.u32 $0xF7A, s1;
	s8 =	simm.s32 @!p0 $0x1BF5;
	p2 =	por !p2, p0  }
0x20: {  	[sflag:s8] =	ssyncset.s32 @!p0 $0xFFFFF086;
	s6 =	sadd.s32 @!p0 s3, s7;
	s7 =	simm.s32 @!p0 $0x108  }
0x21: {  	s3 =	sadd.s32 s3, s9;
	s6 =	sadd.s32 @!p0 $0x88, s6;
	s7 =	simm.s32 @p2 $0x1082  }
0x22: {  	[simem:s7], [sflag:s8] =	dma.local @!p0 [hbm:s6], $0xF7A  }
0x23: {  	s9 =	sor.u32 $0xD0000000, s2;
	s6 =	simm.s32 $0x108;
	_ =	swait.ge @!p0 [sflag:s8], $0x0  }
0x24: {  	s3 =	sadd.s32 $0x88, s3;
	s6 =	simm.s32 @!p1 $0x1082;
	[sflag:s4] =	ssyncset.s32 $0xFFFFF086  }
0x25: {  	[simem:s6], [sflag:s4] =	dma.local [hbm:s3], $0xF7A  }
0x26: {  	[smem:$0x3F9E] =	sst s1;
	(tag) =	ssettag s2;
	_ =	strace s9  }
0x27: {  	s1 =	sld [smem:$0x3FAE]  }
0x28: {  	s2 =	sld [smem:$0x3FAF]  }
0x29: {  	s4 =	sld [smem:$0x3FB1]  }
0x2a: {  	p0 =	seq.s32 s5, $0x0;
	s5 =	sld [smem:$0x3FB2]  }
0x2b: {  	s6 =	sld [smem:$0x3FB3]  }
0x2c: {  	s7 =	sld [smem:$0x3FB4]  }
0x2d: {  	s3 =	simm.s32 $0x108;
	s8 =	sld [smem:$0x3FB5]  }
0x2e: {  	s3 =	simm.s32 @!p0 $0x1082;
	s9 =	sld [smem:$0x3FB6]  }
0x2f: {  	lr =	sadd.s32 s0, s3;
	s0 =	sld [smem:$0x3FAD]  }
0x30: {  	s3 =	sld [smem:$0x3FB0]  }
0x31: {  	[smem:$0x3FB9] =	sst s10  }
0x32: {  	s10 =	sld [smem:$0x3FB7];
	_ =	sdelay $0x3  }
0x33: {  	p0 =	seq.s32 s10, $0x1;
	s10 =	sld [smem:$0x3FB9];
	_ =	sdelay $0x3  }
0x34: {  	[smem:$0x3FB9] =	sst s10  }
0x35: {  	s10 =	sld [smem:$0x3FB8];
	_ =	sdelay $0x3  }
0x36: {  	p1 =	seq.s32 s10, $0x1;
	s10 =	sld [smem:$0x3FB9];
	_ =	sdelay $0x3  }
0x37: {  	[smem:$0x3FB9] =	sst s10  }
0x38: {  	s10 =	sld [smem:$0x3FBA]  }
0x39: {  	_ = 	snop;
	(pc) =	sbr.ind lr, $3  }
0x3a: {  	_ = 	snop  }
0x3b: {  	_ = 	snop  }
0x3c: {  	p2 =	seq.s32 s10, $0x1;
	s10 =	sld [smem:$0x3FB9]  }
0x3d: {  	_ =	shalt  }
0x3e: {  	_ =	shalt  }
0x3f: {  	_ =	shalt  }
0x40: {  	_ =	shalt  }
0x41: {  	_ =	shalt  }
0x42: {  	_ =	shalt  }
0x43: {  	_ =	shalt  }
0x44: {  	_ =	shalt  }
0x45: {  	_ =	shalt  }
0x46: {  	_ =	shalt  }
0x47: {  	_ =	shalt  }
0x48: {  	_ =	shalt  }
0x49: {  	_ =	shalt  }
0x4a: {  	_ =	shalt  }
0x4b: {  	_ =	shalt  }
0x4c: {  	_ =	shalt  }
0x4d: {  	_ =	shalt  }
0x4e: {  	_ =	shalt  }
0x4f: {  	_ =	shalt  }
0x50: {  	_ =	shalt  }
0x51: {  	_ =	shalt  }
0x52: {  	_ =	shalt  }
0x53: {  	_ =	shalt  }
0x54: {  	_ =	shalt  }
0x55: {  	_ =	shalt  }
0x56: {  	_ =	shalt  }
0x57: {  	_ =	shalt  }
0x58: {  	_ =	shalt  }
0x59: {  	_ =	shalt  }
0x5a: {  	_ =	shalt  }
0x5b: {  	_ =	shalt  }
0x5c: {  	_ =	shalt  }
0x5d: {  	_ =	shalt  }
0x5e: {  	_ =	shalt  }
0x5f: {  	_ =	shalt  }
0x60: {  	_ =	shalt  }
0x61: {  	_ =	shalt  }
0x62: {  	_ =	shalt  }
0x63: {  	_ =	shalt  }
0x64: {  	_ =	shalt  }
0x65: {  	_ =	shalt  }
0x66: {  	_ =	shalt  }
0x67: {  	_ =	shalt  }
0x68: {  	_ =	shalt  }
0x69: {  	_ =	shalt  }
0x6a: {  	_ =	shalt  }
0x6b: {  	_ =	shalt  }
0x6c: {  	_ =	shalt  }
0x6d: {  	_ =	shalt  }
0x6e: {  	_ =	shalt  }
0x6f: {  	_ =	shalt  }
0x70: {  	_ =	shalt  }
0x71: {  	_ =	shalt  }
0x72: {  	_ =	shalt  }
0x73: {  	_ =	shalt  }
0x74: {  	_ =	shalt  }
0x75: {  	_ =	shalt  }
0x76: {  	_ =	shalt  }
0x77: {  	_ =	shalt  }
0x78: {  	_ =	shalt  }
0x79: {  	_ =	shalt  }
0x7a: {  	_ =	shalt  }
0x7b: {  	_ =	shalt  }
0x7c: {  	_ =	shalt  }
0x7d: {  	_ =	shalt  }
0x7e: {  	_ =	shalt  }
0x7f: {  	_ =	shalt  }
0x80: {  	_ =	shalt  }
0x81: {  	_ =	shalt  }
0x82: {  	_ =	shalt  }
0x83: {  	_ =	shalt  }
0x84: {  	_ =	shalt  }
0x85: {  	_ =	shalt  }
0x86: {  	_ =	shalt  }
0x87: {  	_ =	shalt  }
.Lfunc_end0:
.L_simem_size_0:
called_computation_lowered:
.L_overlay_start_0:
0x88: {  	s2 =	sld [smem:$0x3FD9]  }
0x89: {  	s3 =	sld [smem:$0x3FFE];
	_ =	sdelay $0x1  }
0x8a: {  	s1 =	srdreg.scid  }
0x8b: {  	s0 =	sand.u32 $0x1, s1  }
0x8c: {  	s17 =	sshll.u32 s0, $0xA;
	s2 =	sadd.s32 s3, s2  }
0x8d: {  	s2 =	sadd.s32 s2, s17  }
0x8e: {  	[smem:$0x3FC5] =	sst s2  }
0x8f: {  	_ = 	snop  }
0x90: {  	s2 =	sld [smem:$0x3FC9]  }
0x91: {  	s18 =	sld [smem:$0x3FC8]  }
0x92: {  	s4 =	sld [smem:$0x3FC7];
	(tm) =	ssettm $0x1  }
0x93: {  	s5 =	sld [smem:$0x3FFB];
	_ =	sdelay $0x3  }
0x94: {  	_ =	strace s5  }
0x95: {  	s5 =	sld [smem:$0x3FFC];
	_ =	sdelay $0x3  }
0x96: {  	_ =	strace s5  }
0x97: {  	s5 =	sld [smem:$0x3FFD];
	_ =	sdelay $0x3  }
0x98: {  	_ =	strace s5  }
0x99: {  	_ =	strace $0x8FFFFFFF  }
0x9a: {  	s19 =	sld [smem:$0x3FDB];
	_ =	sdelay $0x1  }
0x9b: {  	s6 =	simm.s32 $_scs_section_size  }
0x9c: {  	s7 =	simm.s32 $_size__tile_overlayer_lowered;
	s8 =	simm.s32 $_tile_overlayer_lowered  }
0x9d: {  	s22 =	simm.s32 $0x1BFF;
	s21 =	sshll.u32 s8, $0x1;
	s5 =	sadd.s32 s6, s19  }
0x9e: {  	s9 =	simm.s32 $0x0;
	s20 =	sshll.u32 s7, $0x1;
	s7 =	sadd.s32 s21, s5  }
0x9f: {  	[timem:s9], [sflag:s22] =	dma.local [hbm:s7], s20  }
0xa0: {  	_ =	swait.ge [sflag:s22], s20  }
0xa1: {  	s6 =	ssub.s32 $0x0, s20;
	[sflag:s22] =	ssyncset.done $0x0  }
0xa2: {  	[sflag:s22] =	ssyncadd.s32 s6;
	_ =	sdelay $0x1  }
0xa3: {  	s23 =	simm.s32 $0x1B8B  }
0xa4: {  	_ =	swait.ge [sflag:s23], $0x1  }
0xa5: {  	[sflag:s23] =	ssyncset.done $0x0  }
0xa6: {  	s25 =	simm.s32 $0x1B8E;
	s24 =	sld [smem:$0x3FFE];
	[sflag:s23] =	ssyncadd.s32 $0xFFFFFFFF  }
0xa7: {  	s26 =	simm.s32 $execute0_lowered;
	[smem:$0x3FD2] =	sst s25  }
0xa8: {  	s7 =	sshll.u32 s26, $0x1;
	_ =	strace $0x80000046;
	[dreg:$0x1] =	wrdreg $0xFFFFFFFF  }
0xa9: {  	s28 =	simm.s32 $_size_execute0_lowered;
	s5 =	sadd.s32 s5, s7;
	[dreg:$0x0] =	wrdreg $0x0  }
0xaa: {  	s7 =	sshll.u32 s28, $0x1;
	[dreg:$0x2] =	wrdreg s5  }
0xab: {  	[dreg:$0x3] =	wrdreg s7  }
0xac: {  	[dreg:$0x4] =	wrdreg $0xC0  }
0xad: {  	_ =	task [dreg:s9], $0x5FFFF  }
0xae: {  	[dreg:$0x1] =	wrdreg $0xFFFFFFFF  }
0xaf: {  	[dreg:$0x0] =	wrdreg $0x60  }
0xb0: {  	[dreg:$0x2] =	wrdreg s2  }
0xb1: {  	[dreg:$0x3] =	wrdreg s18  }
0xb2: {  	[dreg:$0x4] =	wrdreg s4  }
0xb3: {  	[dreg:$0x5] =	wrdreg s24  }
0xb4: {  	[dreg:$0x6] =	wrdreg $0x9  }
0xb5: {  	_ =	task.clear_ibuf [dreg:s9], $0x7FFFF;
	_ =	strace $0x90000046  }
0xb6: {  	s29 =	simm.s32 $0x9;
	_ =	strace $0x80000048  }
0xb7: {  	_ =	swait.ge [sflag:s29], $0x1  }
0xb8: {  	[sflag:s29] =	ssyncadd.s32 $0xFFFFFFFF  }
0xb9: {  	_ =	strace $0x90000048  }
0xba: {  	_ =	sfence  }
0xbb: {  	s30 =	sld [smem:$0x0];
	_ =	sdelay $0x2  }
0xbc: {  	s31 =	sshll.u32 s1, $0xD;
	s1 =	sshrl.u32 s1, $0x2  }
0xbd: {  	s3 =	sand.u32 $0x4000, s31;
	s1 =	sadd.s32 s1, s30  }
0xbe: {  	s0 =	sor.u32 s3, s0;
	s1 =	sshll.u32 s1, $0x11  }
0xbf: {  	s0 =	sor.u32 s1, s0  }
0xc0: {  	s0 =	sadd.s32 $0x8F2B, s0  }
0xc1: {  	[sflag:s0] =	ssyncadd.remote.s32 $0x1  }
0xc2: {  	_ =	sfence.sel $0xFFFF  }
0xc3: {  	[dreg:$0x0] =	wrdreg $0xFFFFFFFF;
	(pc) =	sbr.abs _section_cstart, $3  }
0xc4: {  	[dreg:$0x1] =	wrdreg $0xFFFFFFFF  }
0xc5: {  	_ =	task.clear_ibuf [dreg:s9], $0x2FFFF;
	_ =	strace $0x9FFFFFFF  }
0xc6: {  	(tm) =	ssettm $0x7FFFFFFF  }
0xc7: {  	_ =	shalt  }
tec
execute0_lowered:
.L_overlay_start_1:
0x0: {  	(tag) =	ssettag $0x1  }
0x1: {  	s11 =	rddreg [dreg:$0x0]  }
0x2: {  	s12 =	rddreg [dreg:$0x1]  }
0x3: {  	s13 =	rddreg [dreg:$0x2]  }
0x4: {  	s2 =	rddreg [dreg:$0x3];
	s1 =	simm.s32 $0x0;
	s0 =	srdreg.scid  }
0x5: {  	s25 =	stileid.u32;
	s21 =	simm.s32 $0x2000;
	s22 =	simm.s32 $0x6000  }
0x6: {  	s23 =	simm.s32 $0xA000;
	s24 =	simm.s32 $0x2;
	s30 =	simm.s32 $0x0  }
0x7: {  	v0 =	vimm.s32 $0xEFCDAB89;
	v1 =	vimm.s32 $0x67452301;
	[smem:$0x7FF] =	sst s1;
	s14 =	sand.u32 $0x1, s0;
	s15 =	sadd.s32 $0xE00, s2  }
0x8: {  	vm0 =	vcmask $0x704;
	vm1 =	vcmask $0xB08;
	v3 =	vimm.s32 $0xDCFE98BA;
	s5 =	sshll.u32 s25, $0xC;
	s28 =	sshll.u32 s25, $0x7;
	p0 =	sne.s32 s25, $0x0  }
0x9: {  	v6 =	vimm.s32 $0xBA98FEDC;
	v2 =	vunpack.c.l.s4.s8 v0;
	v1 =	vunpack.c.l.s4.s8 v1;
	_ =	strace $0x80000047;
	s3 =	sshll.u32 s14, $0x4;
	s4 =	ssub.s32 $0x2, s14  }
0xa: {  	vm14 =	vcmask $0xF0C;
	v7 =	vimm.s32 $0x32107654;
	v8 =	vimm.s32 $0xFEDCBA98;
	s6 =	sshll.u32 s14, $0x10;
	s20 =	sshll.u32 s14, $0xB;
	s29 =	sadd.s32 s15, s28  }
0xb: {  	v9 =	vimm.s32 $0x76543210;
	s16 =	sadd.s32 s3, s2;
	s26 =	sshrl.u32 s4, $0x1;
	s10 =	sor.u32 s6, s5;
	v4 =	vunpack.c.0.s8.s32 v2;
	v5 =	vunpack.c.0.s8.s32 v1  }
0xc: {  	vm15 =	vcmask $0x1310;
	v0 =	vimm.f32 $0.0e+00;
	v6 =	vunpack.c.l.s4.s8 v6;
	s14 =	sadd.s32 s20, s29;
	s15 =	sadd.s32 s15, s20;
	s20 =	simm.s32 $0x1  }
0xd: {  	v7 =	vunpack.c.l.s4.s8 v7;
	s17 =	ssub.s32 s4, s26;
	s2 =	sadd.s32 s11, s10;
	s7 =	sor.u32 $0x400, s10;
	v5 =	vcombine.low v5, v4;
	v4 =	vimm.s32 $0x54761032  }
0xe: {  	v3 =	vunpack.c.l.s4.s8 v3;
	v8 =	vunpack.c.l.s4.s8 v8;
	s3 =	sadd.s32 s12, s10;
	s4 =	sadd.s32 s13, s10;
	s18 =	sor.u32 $0x800, s10;
	v4 =	vunpack.c.l.s4.s8 v4  }
0xf: {  	v9 =	vunpack.c.l.s4.s8 v9;
	v6 =	vunpack.c.0.s8.s32 v6;
	v7 =	vunpack.c.0.s8.s32 v7;
	s19 =	sor.u32 $0xC00, s10;
	[dreg:$0x5] =	wrdreg s15;
	s31 =	sadd.s32 $0x1E00, s16  }
.Ltmp0:
0x10: {  	v3 =	vunpack.c.0.s8.s32 v3;
	v8 =	vunpack.c.0.s8.s32 v8;
	s26 =	simm.s32 $0x3;
	s5 =	sadd.s32 s11, s7;
	v4 =	vunpack.c.0.s8.s32 v4;
	(pc) =	sbr.rel .LBB2_1-.Ltmp0, $4  }
0x11: {  	v1 =	vsel vm0, $0x3F800000, v0;
	v9 =	vunpack.c.0.s8.s32 v9;
	s6 =	sadd.s32 s12, s7;
	s7 =	sadd.s32 s13, s7;
	s8 =	sadd.s32 s11, s18;
	v7 =	vcombine.low v7, v6  }
0x12: {  	v2 =	vsel vm1, $0x3F800000, v0;
	s9 =	sadd.s32 s12, s18;
	s10 =	sadd.s32 s13, s18;
	s11 =	sadd.s32 s11, s19;
	v8 =	vand.u32 $0xF, v8;
	v10 =	vcombine.low v4, v3  }
0x13: {  	s12 =	sadd.s32 s12, s19;
	s13 =	sadd.s32 s13, s19;
	[dreg:$0x6] =	wrdreg s31;
	v8 =	vcombine.low v8, v9;
	v5 =	vand.u32 $0xF, v5;
	v7 =	vand.u32 $0xF, v7  }
0x14: {  	s17 =	smax.u32 s17, $0x1;
	s18 =	simm.s32 $0x4000;
	s19 =	simm.s32 $0x8000;
	v3 =	vsel vm14, $0x3F800000, v0;
	v4 =	vsel vm15, $0x3F800000, v0;
	v6 =	vand.u32 $0xF, v10  }
.LBB2_11:
0x15: {  	s30 =	sadd.s32 $0x1, s30  }
0x16: {  	p1 =	sne.s32 s30, s17  }
.Ltmp1:
0x17: {  	_ = 	snop;
	(pc) =	sbr.rel @!p1 .LBB2_12-.Ltmp1, $1  }
0x18: {  	_ =	sdelay $0x3  }
.LBB2_1:
0x19: {  	[tilespmem:s1], [sflag:$0x1] =	stream.linear.gather [hbm4b:s2+s1], $0x2000, $0x38;
	[tilespmem:$0x10480] =	vst v63  }
0x1a: {  	_ = 	snop  }
0x1b: {  	[tilespmem:s18], [sflag:$0x1] =	stream.linear.gather [hbm4b:s3+s1], $0x2000, $0x38;
	[tilespmem:$0x10480] =	vst v63  }
0x1c: {  	_ = 	snop  }
0x1d: {  	[tilespmem:s19], [sflag:$0x1] =	stream.linear.gather [hbm4b:s4+s1], $0x2000, $0x38;
	[tilespmem:$0x10480] =	vst v63  }
0x1e: {  	_ =	swait.ge [sflag:s20], $0x2000  }
0x1f: {  	[sflag:s20] =	ssyncset.done $0x0  }
0x20: {  	[sflag:s20] =	ssyncadd.s32 $0xFFFFE000  }
0x21: {  	_ =	swait.ge [sflag:s20], $0x2000  }
0x22: {  	[sflag:s20] =	ssyncset.done $0x0  }
0x23: {  	[sflag:s20] =	ssyncadd.s32 $0xFFFFE000  }
0x24: {  	s0 =	simm.s32 $0x0;
	s28 =	sand.u32 $0xC00, s1;
	_ =	swait.ge [sflag:s20], $0x2000  }
0x25: {  	s29 =	sand.u32 $0x40, s1;
	s31 =	simm.s32 $0x0;
	[sflag:s20] =	ssyncset.done $0x0  }
0x26: {  	s0 =	sand.u32 $0x1000, s0;
	s28 =	sor.u32 s29, s28;
	[sflag:s20] =	ssyncadd.s32 $0xFFFFE000  }
0x27: {  	[tilespmem:s21], [sflag:$0x2] =	stream.linear.gather [hbm4b:s5+s1], $0x2000, $0x38;
	[tilespmem:$0x10480] =	vst v63  }
0x28: {  	s25 =	sand.u32 $0x380, s31;
	s0 =	sor.u32 s0, s28  }
0x29: {  	[tilespmem:s22], [sflag:$0x2] =	stream.linear.gather [hbm4b:s6+s1], $0x2000, $0x38;
	[tilespmem:$0x10480] =	vst v63  }
0x2a: {  	s0 =	sor.u32 s25, s0  }
0x2b: {  	[tilespmem:s23], [sflag:$0x2] =	stream.linear.gather [hbm4b:s7+s1], $0x2000, $0x38;
	[tilespmem:$0x10480] =	vst v63  }
0x2c: {  	v18 =	vld [tilespmem:s0+$0x8020]  }
0x2d: {  	v9 =	vld [tilespmem:s0+$0x4030]  }
0x2e: {  	v16 =	vld [tilespmem:s0+$0x4020]  }
0x2f: {  	v10 =	vld [tilespmem:s0+$0x8030]  }
0x30: {  	v11 =	vld [tilespmem:s0+$0x30]  }
0x31: {  	v20 =	vld [tilespmem:s0+$0x8010]  }
0x32: {  	v17 =	vld [tilespmem:s0+$0x10]  }
0x33: {  	v14 =	vld [tilespmem:s0+$0x0]  }
0x34: {  	v21 =	vld [tilespmem:s0+$0x4000]  }
0x35: {  	v22 =	vld [tilespmem:s0+$0x20]  }
0x36: {  	v23 =	vld [tilespmem:s0+$0x8000]  }
0x37: {  	v32 =	vimm.f32 $0.0e+00;
	v24 =	vld [tilespmem:s0+$0x4010]  }
0x38: {  	v33 =	vimm.f32 $0.0e+00;
	v26 =	vimm.f32 $0.0e+00;
	v25 =	vimm.f32 $0.0e+00  }
0x39: {  	v9 =	vsub.f32 v11, v9;
	v13 =	vperm.xlane v2, v10;
	v11 =	vperm.xlane v1, v10  }
0x3a: {  	v12 =	vperm.xlane v4, v20;
	v19 =	vperm.xlane v2, v18;
	v21 =	vsub.f32 v14, v21  }
0x3b: {  	v27 =	vsub.f32 v22, v16;
	v35 =	vperm.xlane v2, v23;
	v29 =	vperm.xlane v3, v23  }
0x3c: {  	v31 =	vsub.f32 v17, v24;
	v30 =	vperm.xlane v2, v20;
	v16 =	vperm.xlane v4, v18  }
0x3d: {  	v34 =	vperm.xlane v1, v23;
	v17 =	vperm.xlane v1, v18;
	v24 =	vimm.f32 $0.0e+00  }
0x3e: {  	v22 =	vimm.f32 $0.0e+00;
	v15 =	vmul.f32 v9, v9;
	v9 =	vperm.xlane v3, v10  }
0x3f: {  	v10 =	vperm.xlane v4, v10;
	v28 =	vmul.f32 v21, v21;
	v36 =	vadd.f32 v35, v0  }
0x40: {  	s31 =	simm.s32 $0x1;
	s28 =	simm.s32 $0x200;
	s0 =	simm.s32 $0x40;
	v21 =	vperm.xlane v4, v23;
	v23 =	vimm.f32 $0.0e+00;
	v14 =	vmul.f32 v11, v15  }
.LBB2_2:
0x41: {  	s29 =	sshll.u32 s31, $0x6;
	s15 =	sand.u32 $0xC00, s28;
	s16 =	sshll.u32 s31, $0x4;
	v35 =	vmul.f32 v35, v28;
	v36 =	vadd.f32 v30, v36;
	v37 =	vperm.xlane v3, v18  }
0x42: {  	s25 =	sand.u32 $0x40, s0;
	v32 =	vadd.f32 v29, v32;
	v38 =	vperm.xlane v3, v20;
	s29 =	sand.u32 $0x1000, s29;
	s16 =	sand.u32 $0x380, s16;
	v18 =	vmul.f32 v34, v28  }
0x43: {  	p1 =	sne.s32 s31, $0x7F;
	s31 =	sadd.s32 $0x1, s31;
	v31 =	vmul.f32 v31, v31;
	s15 =	sor.u32 s25, s15;
	v33 =	vadd.f32 v34, v33;
	v34 =	vperm.xlane v1, v20  }
0x44: {  	v39 =	vmul.f32 v21, v28;
	v20 =	vmul.f32 v27, v27;
	s15 =	sor.u32 s29, s15;
	v32 =	vadd.f32 v38, v32  }
0x45: {  	v27 =	vmul.f32 v29, v28;
	s15 =	sor.u32 s16, s15;
	v26 =	vadd.f32 v18, v26;
	v28 =	vmul.f32 v34, v31  }
0x46: {  	v25 =	vadd.f32 v35, v25;
	v29 =	vmul.f32 v30, v31;
	v30 =	vmul.f32 v37, v20;
	v18 =	vld [tilespmem:s15+$0x8020]  }
0x47: {  	v40 =	vmul.f32 v19, v20;
	v26 =	vadd.f32 v28, v26;
	v28 =	vmul.f32 v12, v31;
	v35 =	vld [tilespmem:s15+$0x4030]  }
0x48: {  	v42 =	vmul.f32 v10, v15;
	v25 =	vadd.f32 v29, v25;
	v29 =	vmul.f32 v17, v20;
	v41 =	vld [tilespmem:s15+$0x4020]  }
0x49: {  	v19 =	vadd.f32 v19, v36;
	v36 =	vmul.f32 v13, v15;
	v31 =	vmul.f32 v38, v31;
	v43 =	vld [tilespmem:s15+$0x8030]  }
0x4a: {  	v24 =	vadd.f32 v27, v24;
	v25 =	vadd.f32 v40, v25;
	v40 =	vmul.f32 v16, v20;
	v38 =	vld [tilespmem:s15+$0x30]  }
0x4b: {  	v44 =	vadd.f32 v13, v19;
	v26 =	vadd.f32 v29, v26;
	v29 =	vmul.f32 v9, v15;
	v20 =	vld [tilespmem:s15+$0x8010]  }
0x4c: {  	v15 =	vadd.f32 v39, v22;
	v19 =	vadd.f32 v31, v24;
	v45 =	vld [tilespmem:s15+$0x10]  }
0x4d: {  	v21 =	vadd.f32 v21, v23;
	v22 =	vld [tilespmem:s15+$0x20]  }
0x4e: {  	v25 =	vadd.f32 v36, v25;
	v24 =	vadd.f32 v28, v15;
	v23 =	vld [tilespmem:s15+$0x0];
	v13 =	vperm.xlane v2, v43  }
0x4f: {  	v21 =	vadd.f32 v12, v21;
	v30 =	vadd.f32 v30, v19;
	v36 =	vperm.xlane v1, v43;
	v28 =	vld [tilespmem:s15+$0x4000]  }
0x50: {  	v15 =	vadd.f32 v37, v32;
	v26 =	vadd.f32 v14, v26;
	v31 =	vld [tilespmem:s15+$0x4010];
	v12 =	vperm.xlane v4, v20  }
0x51: {  	v33 =	vadd.f32 v34, v33;
	v14 =	vsub.f32 v38, v35;
	v35 =	vperm.xlane v3, v43;
	v37 =	vld [tilespmem:s15+$0x8000]  }
0x52: {  	v19 =	vperm.xlane v2, v18;
	v32 =	vadd.f32 v9, v15;
	v27 =	vsub.f32 v22, v41  }
0x53: {  	v17 =	vadd.f32 v17, v33;
	v38 =	vadd.f32 v16, v21;
	v15 =	vmul.f32 v14, v14;
	v9 =	vmovc v35  }
0x54: {  	v39 =	vperm.xlane v4, v43;
	v21 =	vadd.f32 v40, v24;
	v16 =	vsub.f32 v23, v28  }
.Ltmp2:
0x55: {  	v24 =	vadd.f32 v29, v30;
	v14 =	vmul.f32 v36, v15;
	v31 =	vsub.f32 v45, v31;
	(pc) =	sbr.rel @p1 .LBB2_2-.Ltmp2, $4  }
0x56: {  	v33 =	vadd.f32 v11, v17;
	v11 =	vmovc v36;
	v28 =	vmul.f32 v16, v16;
	v35 =	vperm.xlane v2, v37  }
0x57: {  	v30 =	vperm.xlane v2, v20;
	v22 =	vadd.f32 v42, v21;
	v29 =	vperm.xlane v3, v37  }
0x58: {  	v21 =	vperm.xlane v4, v37;
	v16 =	vperm.xlane v4, v18;
	v36 =	vadd.f32 v35, v44  }
0x59: {  	s0 =	sadd.s32 $0x40, s0;
	s28 =	sadd.s32 $0x200, s28;
	v17 =	vperm.xlane v1, v18;
	v23 =	vadd.f32 v10, v38;
	v10 =	vmovc v39;
	v34 =	vperm.xlane v1, v37  }
0x5a: {  	_ =	swait.ge [sflag:s24], $0x2000  }
0x5b: {  	[sflag:s24] =	ssyncset.done $0x0  }
0x5c: {  	[sflag:s24] =	ssyncadd.s32 $0xFFFFE000  }
0x5d: {  	_ =	swait.ge [sflag:s24], $0x2000  }
0x5e: {  	[sflag:s24] =	ssyncset.done $0x0  }
0x5f: {  	[sflag:s24] =	ssyncadd.s32 $0xFFFFE000  }
0x60: {  	_ =	swait.ge [sflag:s24], $0x2000  }
0x61: {  	[sflag:s24] =	ssyncset.done $0x0  }
0x62: {  	s0 =	simm.s32 $0x0;
	[sflag:s24] =	ssyncadd.s32 $0xFFFFE000  }
0x63: {  	[tilespmem:s0], [sflag:$0x1] =	stream.linear.gather [hbm4b:s8+s0], $0x2000, $0x38;
	[tilespmem:$0x10480] =	vst v63  }
0x64: {  	v35 =	vmul.f32 v35, v28;
	v18 =	vperm.xlane v3, v18  }
0x65: {  	v38 =	vperm.xlane v3, v20;
	v31 =	vmul.f32 v31, v31;
	[tilespmem:s18], [sflag:$0x1] =	stream.linear.gather [hbm4b:s9+s0], $0x2000, $0x38;
	[tilespmem:$0x10480] =	vst v63  }
0x66: {  	v36 =	vadd.f32 v30, v36;
	v56 =	vperm.xlane v1, v20;
	v20 =	vmul.f32 v21, v28  }
0x67: {  	v32 =	vadd.f32 v29, v32;
	v27 =	vmul.f32 v27, v27;
	v37 =	vmul.f32 v34, v28;
	[tilespmem:s19], [sflag:$0x1] =	stream.linear.gather [hbm4b:s10+s0], $0x2000, $0x38;
	[tilespmem:$0x10480] =	vst v63  }
0x68: {  	s16 =	simm.s32 $0x0;
	v33 =	vadd.f32 v34, v33;
	s15 =	sand.u32 $0x40, s0;
	v28 =	vmul.f32 v29, v28;
	v25 =	vadd.f32 v35, v25;
	s0 =	sand.u32 $0xC00, s0  }
0x69: {  	s25 =	simm.s32 $0x0;
	s16 =	sand.u32 $0x380, s16;
	v30 =	vmul.f32 v30, v31;
	v32 =	vadd.f32 v38, v32;
	v57 =	vmul.f32 v56, v31;
	s0 =	sor.u32 s15, s0  }
0x6a: {  	s29 =	sand.u32 $0x1000, s25;
	v29 =	vmul.f32 v19, v27;
	v19 =	vadd.f32 v19, v36;
	v26 =	vadd.f32 v37, v26;
	s0 =	sor.u32 s16, s0  }
0x6b: {  	v58 =	vmul.f32 v12, v31;
	v22 =	vadd.f32 v20, v22;
	v25 =	vadd.f32 v30, v25;
	s0 =	sor.u32 s0, s29  }
0x6c: {  	v24 =	vadd.f32 v28, v24;
	v30 =	vmul.f32 v17, v27;
	v26 =	vadd.f32 v57, v26;
	v59 =	vld [tilespmem:s0+$0xA030]  }
0x6d: {  	v28 =	vmul.f32 v38, v31;
	v20 =	vadd.f32 v13, v19;
	v25 =	vadd.f32 v29, v25;
	v29 =	vld [tilespmem:s0+$0x6030]  }
0x6e: {  	v26 =	vadd.f32 v30, v26;
	v30 =	vmul.f32 v13, v15;
	v13 =	vadd.f32 v21, v23;
	v19 =	vld [tilespmem:s0+$0x2030]  }
0x6f: {  	v23 =	vadd.f32 v28, v24;
	v24 =	vadd.f32 v58, v22;
	v28 =	vld [tilespmem:s0+$0x6020]  }
0x70: {  	v22 =	vmul.f32 v18, v27;
	v21 =	vadd.f32 v30, v25;
	v12 =	vadd.f32 v12, v13;
	v30 =	vld [tilespmem:s0+$0xA020]  }
0x71: {  	v13 =	vadd.f32 v18, v32;
	v25 =	vadd.f32 v56, v33;
	v31 =	vld [tilespmem:s0+$0x6010]  }
0x72: {  	v27 =	vmul.f32 v16, v27;
	v23 =	vadd.f32 v22, v23;
	v22 =	vadd.f32 v14, v26;
	v18 =	vld [tilespmem:s0+$0xA000]  }
0x73: {  	v14 =	vmul.f32 v9, v15;
	v26 =	vadd.f32 v9, v13;
	v13 =	vadd.f32 v17, v25;
	v17 =	vld [tilespmem:s0+$0x2010]  }
0x74: {  	v15 =	vmul.f32 v10, v15;
	v60 =	vadd.f32 v16, v12;
	v16 =	vadd.f32 v27, v24;
	v61 =	vld [tilespmem:s0+$0x2020]  }
0x75: {  	v25 =	vadd.f32 v14, v23;
	v23 =	vadd.f32 v11, v13;
	v62 =	vld [tilespmem:s0+$0x6000];
	v9 =	vperm.xlane v4, v59  }
0x76: {  	v16 =	vadd.f32 v15, v16;
	v33 =	vld [tilespmem:s0+$0xA010];
	v13 =	vperm.xlane v1, v59;
	v15 =	vperm.xlane v1, v30  }
0x77: {  	v63 =	vld [tilespmem:s0+$0x2000];
	v12 =	vsub.f32 v19, v29;
	v29 =	vperm.xlane v1, v18;
	v14 =	vperm.xlane v3, v59  }
0x78: {  	v17 =	vsub.f32 v17, v31;
	v31 =	vperm.xlane v3, v18;
	v27 =	vperm.xlane v3, v30  }
0x79: {  	v32 =	vsub.f32 v61, v28;
	v28 =	vperm.xlane v2, v30;
	v11 =	vmul.f32 v12, v12  }
0x7a: {  	v19 =	vadd.f32 v10, v60;
	v12 =	vperm.xlane v4, v30;
	v24 =	vmul.f32 v17, v17  }
0x7b: {  	v34 =	vadd.f32 v29, v23;
	v23 =	vperm.xlane v2, v59;
	v30 =	vperm.xlane v2, v33  }
0x7c: {  	s28 =	simm.s32 $0x40;
	s31 =	simm.s32 $0x200;
	s0 =	simm.s32 $0x1;
	v35 =	vsub.f32 v63, v62;
	v17 =	vperm.xlane v4, v33;
	v10 =	vmul.f32 v13, v11  }
.LBB2_4:
0x7d: {  	s15 =	sand.u32 $0x40, s28;
	s16 =	sshll.u32 s0, $0x6;
	s25 =	sand.u32 $0xC00, s31;
	v36 =	vperm.xlane v1, v33;
	v32 =	vmul.f32 v32, v32  }
0x7e: {  	s29 =	sshll.u32 s0, $0x4;
	v35 =	vmul.f32 v35, v35;
	v26 =	vadd.f32 v31, v26;
	v33 =	vperm.xlane v3, v33;
	s16 =	sand.u32 $0x1000, s16;
	s15 =	sor.u32 s15, s25  }
0x7f: {  	p1 =	sne.s32 s0, $0x7F;
	s0 =	sadd.s32 $0x1, s0;
	v37 =	vperm.xlane v2, v18;
	s25 =	sand.u32 $0x380, s29;
	v38 =	vmul.f32 v36, v24;
	v34 =	vadd.f32 v36, v34  }
0x80: {  	s15 =	sor.u32 s25, s15;
	v36 =	vmul.f32 v33, v24;
	v26 =	vadd.f32 v33, v26;
	v33 =	vmul.f32 v23, v11  }
0x81: {  	v39 =	vmul.f32 v37, v35;
	v31 =	vmul.f32 v31, v35;
	v20 =	vadd.f32 v37, v20;
	s29 =	sor.u32 s15, s16  }
0x82: {  	v29 =	vmul.f32 v29, v35;
	v34 =	vadd.f32 v15, v34;
	v26 =	vadd.f32 v27, v26;
	v37 =	vld [tilespmem:s29+$0xA030]  }
0x83: {  	v21 =	vadd.f32 v39, v21;
	v39 =	vmul.f32 v30, v24;
	v20 =	vadd.f32 v30, v20;
	v40 =	vld [tilespmem:s29+$0x6030]  }
0x84: {  	v41 =	vperm.xlane v4, v18;
	v18 =	vadd.f32 v29, v22;
	v22 =	vadd.f32 v31, v25;
	v30 =	vld [tilespmem:s29+$0x2030]  }
0x85: {  	v27 =	vmul.f32 v27, v32;
	v21 =	vadd.f32 v39, v21;
	v26 =	vadd.f32 v14, v26;
	v25 =	vld [tilespmem:s29+$0x6020]  }
0x86: {  	v29 =	vmul.f32 v41, v35;
	v31 =	vadd.f32 v38, v18;
	v18 =	vmul.f32 v28, v32;
	v39 =	vld [tilespmem:s29+$0xA020]  }
0x87: {  	v15 =	vmul.f32 v15, v32;
	v20 =	vadd.f32 v28, v20;
	v35 =	vld [tilespmem:s29+$0x2020];
	v38 =	vperm.xlane v4, v37  }
0x88: {  	v42 =	vmul.f32 v14, v11;
	v34 =	vadd.f32 v13, v34;
	v21 =	vadd.f32 v18, v21;
	v28 =	vld [tilespmem:s29+$0x6010]  }
0x89: {  	v14 =	vadd.f32 v29, v16;
	v16 =	vadd.f32 v36, v22;
	v22 =	vmul.f32 v17, v24;
	v43 =	vld [tilespmem:s29+$0x6000]  }
0x8a: {  	v29 =	vmul.f32 v12, v32;
	v20 =	vadd.f32 v23, v20;
	v24 =	vsub.f32 v30, v40;
	v18 =	vld [tilespmem:s29+$0xA000]  }
0x8b: {  	v19 =	vadd.f32 v41, v19;
	v14 =	vadd.f32 v22, v14;
	v13 =	vperm.xlane v1, v37;
	v23 =	vld [tilespmem:s29+$0x2010]  }
0x8c: {  	v21 =	vadd.f32 v33, v21;
	v22 =	vmul.f32 v24, v24;
	v30 =	vld [tilespmem:s29+$0x2000];
	v32 =	vsub.f32 v35, v25  }
0x8d: {  	v14 =	vadd.f32 v29, v14;
	v24 =	vadd.f32 v15, v31;
	v25 =	vmul.f32 v9, v11  }
0x8e: {  	v17 =	vadd.f32 v17, v19;
	v19 =	vadd.f32 v27, v16;
	v15 =	vperm.xlane v1, v39;
	v11 =	vmovc v22  }
0x8f: {  	v22 =	vadd.f32 v10, v24;
	v16 =	vadd.f32 v25, v14;
	v29 =	vperm.xlane v1, v18  }
0x90: {  	v14 =	vperm.xlane v3, v37;
	v25 =	vadd.f32 v42, v19;
	v33 =	vld [tilespmem:s29+$0xA010];
	v23 =	vsub.f32 v23, v28  }
.Ltmp3:
0x91: {  	v17 =	vadd.f32 v12, v17;
	v12 =	vperm.xlane v4, v39;
	v34 =	vadd.f32 v29, v34;
	(pc) =	sbr.rel @p1 .LBB2_4-.Ltmp3, $4  }
0x92: {  	v10 =	vmul.f32 v13, v11;
	v31 =	vperm.xlane v3, v18;
	v35 =	vsub.f32 v30, v43  }
0x93: {  	v27 =	vperm.xlane v3, v39;
	v19 =	vadd.f32 v9, v17;
	v9 =	vmovc v38;
	v24 =	vmul.f32 v23, v23  }
0x94: {  	v28 =	vperm.xlane v2, v39;
	v23 =	vperm.xlane v2, v37  }
0x95: {  	s28 =	sadd.s32 $0x40, s28;
	s31 =	sadd.s32 $0x200, s31;
	v30 =	vperm.xlane v2, v33;
	v17 =	vperm.xlane v4, v33  }
0x96: {  	_ =	swait.ge [sflag:s20], $0x2000  }
0x97: {  	[sflag:s20] =	ssyncset.done $0x0  }
0x98: {  	[sflag:s20] =	ssyncadd.s32 $0xFFFFE000  }
0x99: {  	_ =	swait.ge [sflag:s20], $0x2000  }
0x9a: {  	[sflag:s20] =	ssyncset.done $0x0  }
0x9b: {  	[sflag:s20] =	ssyncadd.s32 $0xFFFFE000  }
0x9c: {  	_ =	swait.ge [sflag:s20], $0x2000  }
0x9d: {  	[sflag:s20] =	ssyncset.done $0x0  }
0x9e: {  	s0 =	simm.s32 $0x0;
	[sflag:s20] =	ssyncadd.s32 $0xFFFFE000  }
0x9f: {  	[tilespmem:s21], [sflag:$0x2] =	stream.linear.gather [hbm4b:s11+s0], $0x2000, $0x38;
	[tilespmem:$0x10480] =	vst v63  }
0xa0: {  	_ = 	snop  }
0xa1: {  	v36 =	vperm.xlane v1, v33;
	v35 =	vmul.f32 v35, v35;
	[tilespmem:s22], [sflag:$0x2] =	stream.linear.gather [hbm4b:s12+s0], $0x2000, $0x38;
	[tilespmem:$0x10480] =	vst v63  }
0xa2: {  	v26 =	vadd.f32 v31, v26;
	v53 =	vperm.xlane v3, v33;
	v37 =	vperm.xlane v2, v18  }
0xa3: {  	v32 =	vmul.f32 v32, v32;
	v55 =	vmul.f32 v30, v24;
	v34 =	vadd.f32 v36, v34;
	[tilespmem:s23], [sflag:$0x2] =	stream.linear.gather [hbm4b:s13+s0], $0x2000, $0x38;
	[tilespmem:$0x10480] =	vst v63  }
0xa4: {  	s15 =	simm.s32 $0x0;
	s16 =	sand.u32 $0xC00, s0;
	v26 =	vadd.f32 v53, v26;
	v54 =	vmul.f32 v37, v35;
	v31 =	vmul.f32 v31, v35;
	s0 =	sand.u32 $0x40, s0  }
0xa5: {  	s25 =	simm.s32 $0x0;
	s15 =	sand.u32 $0x1000, s15;
	v20 =	vadd.f32 v37, v20;
	v29 =	vmul.f32 v29, v35;
	v34 =	vadd.f32 v15, v34;
	s0 =	sor.u32 s0, s16  }
0xa6: {  	s29 =	sand.u32 $0x380, s25;
	v33 =	vmul.f32 v53, v24;
	v26 =	vadd.f32 v27, v26;
	v21 =	vadd.f32 v54, v21;
	s0 =	sor.u32 s15, s0  }
0xa7: {  	v20 =	vadd.f32 v30, v20;
	v30 =	vperm.xlane v4, v18;
	v22 =	vadd.f32 v29, v22;
	s0 =	sor.u32 s29, s0  }
0xa8: {  	v25 =	vadd.f32 v31, v25;
	v31 =	vmul.f32 v28, v32;
	v21 =	vadd.f32 v55, v21;
	v18 =	vld [tilespmem:s0+$0x8020]  }
0xa9: {  	v29 =	vadd.f32 v14, v26;
	v26 =	vmul.f32 v30, v35;
	v20 =	vadd.f32 v28, v20;
	v56 =	vld [tilespmem:s0+$0x4030]  }
0xaa: {  	v38 =	vmul.f32 v36, v24;
	v28 =	vadd.f32 v13, v34;
	v21 =	vadd.f32 v31, v21;
	v31 =	vld [tilespmem:s0+$0x8030]  }
0xab: {  	v24 =	vmul.f32 v17, v24;
	v13 =	vadd.f32 v33, v25;
	v16 =	vadd.f32 v26, v16;
	v25 =	vld [tilespmem:s0+$0x30]  }
0xac: {  	v15 =	vmul.f32 v15, v32;
	v22 =	vadd.f32 v38, v22;
	v59 =	vadd.f32 v23, v20;
	v20 =	vld [tilespmem:s0+$0x8010]  }
0xad: {  	v57 =	vmul.f32 v23, v11;
	v19 =	vadd.f32 v30, v19;
	v16 =	vadd.f32 v24, v16;
	v24 =	vld [tilespmem:s0+$0x0]  }
0xae: {  	v26 =	vmul.f32 v12, v32;
	v23 =	vmul.f32 v27, v32;
	v15 =	vadd.f32 v15, v22;
	v27 =	vld [tilespmem:s0+$0x4000]  }
0xaf: {  	v17 =	vadd.f32 v17, v19;
	v21 =	vadd.f32 v57, v21;
	v61 =	vld [tilespmem:s0+$0x8000]  }
0xb0: {  	v22 =	vmul.f32 v9, v11;
	v23 =	vadd.f32 v23, v13;
	v16 =	vadd.f32 v26, v16  }
0xb1: {  	v30 =	vmul.f32 v14, v11;
	v17 =	vadd.f32 v12, v17;
	v26 =	vadd.f32 v10, v15;
	v58 =	vld [tilespmem:s0+$0x4020]  }
0xb2: {  	v19 =	vadd.f32 v22, v16;
	v62 =	vld [tilespmem:s0+$0x20];
	v14 =	vperm.xlane v2, v31;
	v11 =	vperm.xlane v1, v31  }
0xb3: {  	v60 =	vld [tilespmem:s0+$0x10];
	v10 =	vsub.f32 v25, v56;
	v13 =	vperm.xlane v4, v20;
	v12 =	vperm.xlane v3, v31  }
0xb4: {  	v63 =	vld [tilespmem:s0+$0x4010];
	v22 =	vperm.xlane v2, v18;
	v27 =	vsub.f32 v24, v27;
	v35 =	vperm.xlane v2, v61  }
0xb5: {  	v25 =	vadd.f32 v30, v23;
	v32 =	vperm.xlane v2, v20;
	v23 =	vperm.xlane v4, v61  }
0xb6: {  	v24 =	vadd.f32 v9, v17;
	v9 =	vperm.xlane v4, v18;
	v34 =	vperm.xlane v1, v61  }
0xb7: {  	v30 =	vsub.f32 v62, v58;
	v17 =	vperm.xlane v1, v18;
	v16 =	vmul.f32 v10, v10  }
0xb8: {  	v10 =	vperm.xlane v4, v31;
	v27 =	vmul.f32 v27, v27;
	v36 =	vadd.f32 v35, v59  }
0xb9: {  	s31 =	simm.s32 $0x1;
	s28 =	simm.s32 $0x200;
	s0 =	simm.s32 $0x40;
	v33 =	vsub.f32 v60, v63;
	v31 =	vperm.xlane v3, v61;
	v15 =	vmul.f32 v11, v16  }
.LBB2_6:
0xba: {  	s15 =	sshll.u32 s31, $0x6;
	s16 =	sand.u32 $0xC00, s28;
	s25 =	sshll.u32 s31, $0x4;
	v35 =	vmul.f32 v35, v27;
	v36 =	vadd.f32 v32, v36;
	v37 =	vperm.xlane v3, v18  }
0xbb: {  	s29 =	sand.u32 $0x40, s0;
	v29 =	vadd.f32 v31, v29;
	v38 =	vperm.xlane v3, v20;
	s15 =	sand.u32 $0x1000, s15;
	s25 =	sand.u32 $0x380, s25;
	v18 =	vmul.f32 v34, v27  }
0xbc: {  	p1 =	sne.s32 s31, $0x7F;
	s31 =	sadd.s32 $0x1, s31;
	v33 =	vmul.f32 v33, v33;
	s16 =	sor.u32 s29, s16;
	v28 =	vadd.f32 v34, v28;
	v34 =	vperm.xlane v1, v20  }
0xbd: {  	v39 =	vmul.f32 v23, v27;
	v20 =	vmul.f32 v30, v30;
	s15 =	sor.u32 s15, s16;
	v29 =	vadd.f32 v38, v29  }
0xbe: {  	v27 =	vmul.f32 v31, v27;
	s15 =	sor.u32 s25, s15;
	v26 =	vadd.f32 v18, v26;
	v30 =	vmul.f32 v34, v33  }
0xbf: {  	v21 =	vadd.f32 v35, v21;
	v31 =	vmul.f32 v32, v33;
	v32 =	vmul.f32 v37, v20;
	v18 =	vld [tilespmem:s15+$0x8020]  }
0xc0: {  	v40 =	vmul.f32 v22, v20;
	v26 =	vadd.f32 v30, v26;
	v30 =	vmul.f32 v13, v33;
	v35 =	vld [tilespmem:s15+$0x4030]  }
0xc1: {  	v42 =	vmul.f32 v10, v16;
	v21 =	vadd.f32 v31, v21;
	v31 =	vmul.f32 v17, v20;
	v41 =	vld [tilespmem:s15+$0x4020]  }
0xc2: {  	v22 =	vadd.f32 v22, v36;
	v36 =	vmul.f32 v14, v16;
	v33 =	vmul.f32 v38, v33;
	v43 =	vld [tilespmem:s15+$0x8030]  }
0xc3: {  	v25 =	vadd.f32 v27, v25;
	v27 =	vmul.f32 v9, v20;
	v21 =	vadd.f32 v40, v21;
	v38 =	vld [tilespmem:s15+$0x30]  }
0xc4: {  	v40 =	vadd.f32 v14, v22;
	v26 =	vadd.f32 v31, v26;
	v31 =	vmul.f32 v12, v16;
	v20 =	vld [tilespmem:s15+$0x8010]  }
0xc5: {  	v16 =	vadd.f32 v39, v19;
	v19 =	vadd.f32 v33, v25;
	v44 =	vld [tilespmem:s15+$0x10]  }
0xc6: {  	v23 =	vadd.f32 v23, v24;
	v22 =	vld [tilespmem:s15+$0x20]  }
0xc7: {  	v21 =	vadd.f32 v36, v21;
	v25 =	vadd.f32 v30, v16;
	v24 =	vld [tilespmem:s15+$0x0];
	v14 =	vperm.xlane v2, v43  }
0xc8: {  	v23 =	vadd.f32 v13, v23;
	v19 =	vadd.f32 v32, v19;
	v36 =	vperm.xlane v1, v43;
	v33 =	vld [tilespmem:s15+$0x4000]  }
0xc9: {  	v16 =	vadd.f32 v37, v29;
	v26 =	vadd.f32 v15, v26;
	v32 =	vld [tilespmem:s15+$0x4010];
	v13 =	vperm.xlane v4, v20  }
0xca: {  	v28 =	vadd.f32 v34, v28;
	v15 =	vsub.f32 v38, v35;
	v35 =	vperm.xlane v3, v43;
	v37 =	vld [tilespmem:s15+$0x8000]  }
0xcb: {  	v29 =	vadd.f32 v12, v16;
	v30 =	vsub.f32 v22, v41;
	v22 =	vperm.xlane v2, v18  }
0xcc: {  	v17 =	vadd.f32 v17, v28;
	v38 =	vadd.f32 v9, v23;
	v16 =	vmul.f32 v15, v15;
	v12 =	vmovc v35  }
0xcd: {  	v39 =	vperm.xlane v4, v43;
	v23 =	vadd.f32 v27, v25;
	v9 =	vsub.f32 v24, v33  }
.Ltmp4:
0xce: {  	v25 =	vadd.f32 v31, v19;
	v15 =	vmul.f32 v36, v16;
	v33 =	vsub.f32 v44, v32;
	(pc) =	sbr.rel @p1 .LBB2_6-.Ltmp4, $4  }
0xcf: {  	v28 =	vadd.f32 v11, v17;
	v11 =	vmovc v36;
	v27 =	vmul.f32 v9, v9;
	v35 =	vperm.xlane v2, v37  }
0xd0: {  	v19 =	vadd.f32 v42, v23;
	v32 =	vperm.xlane v2, v20;
	v31 =	vperm.xlane v3, v37  }
0xd1: {  	v23 =	vperm.xlane v4, v37;
	v9 =	vperm.xlane v4, v18;
	v36 =	vadd.f32 v35, v40  }
0xd2: {  	s0 =	sadd.s32 $0x40, s0;
	s28 =	sadd.s32 $0x200, s28;
	v17 =	vperm.xlane v1, v18;
	v24 =	vadd.f32 v10, v38;
	v10 =	vmovc v39;
	v34 =	vperm.xlane v1, v37  }
0xd3: {  	_ =	swait.ge [sflag:s24], $0x2000  }
0xd4: {  	v35 =	vmul.f32 v35, v27;
	v37 =	vperm.xlane v3, v18;
	[sflag:s24] =	ssyncset.done $0x0  }
0xd5: {  	v38 =	vperm.xlane v3, v20;
	v33 =	vmul.f32 v33, v33;
	[sflag:s24] =	ssyncadd.s32 $0xFFFFE000  }
0xd6: {  	v36 =	vadd.f32 v32, v36;
	v20 =	vperm.xlane v1, v20;
	v55 =	vmul.f32 v23, v27;
	s0 =	simm.s32 $0x0;
	_ =	swait.ge [sflag:s24], $0x2000  }
0xd7: {  	v29 =	vadd.f32 v31, v29;
	v30 =	vmul.f32 v30, v30;
	s16 =	simm.s32 $0x0;
	s25 =	simm.s32 $0x0;
	v18 =	vmul.f32 v34, v27;
	[sflag:s24] =	ssyncset.done $0x0  }
0xd8: {  	v28 =	vadd.f32 v34, v28;
	s15 =	sand.u32 $0x40, s0;
	s0 =	sand.u32 $0xC00, s0;
	v21 =	vadd.f32 v35, v21;
	v56 =	vmul.f32 v32, v33;
	[sflag:s24] =	ssyncadd.s32 $0xFFFFE000  }
0xd9: {  	s16 =	sand.u32 $0x380, s16;
	v27 =	vmul.f32 v31, v27;
	v29 =	vadd.f32 v38, v29;
	s0 =	sor.u32 s15, s0;
	v31 =	vmul.f32 v22, v30;
	_ =	swait.ge [sflag:s24], $0x2000  }
0xda: {  	s29 =	sand.u32 $0x1000, s25;
	v18 =	vadd.f32 v18, v26;
	v26 =	vmul.f32 v20, v33;
	s0 =	sor.u32 s16, s0;
	v21 =	vadd.f32 v56, v21;
	[sflag:s24] =	ssyncset.done $0x0  }
0xdb: {  	v59 =	vmul.f32 v14, v16;
	v22 =	vadd.f32 v22, v36;
	v19 =	vadd.f32 v55, v19;
	s0 =	sor.u32 s0, s29;
	[sflag:s24] =	ssyncadd.s32 $0xFFFFE000  }
0xdc: {  	v18 =	vadd.f32 v26, v18;
	v26 =	vmul.f32 v17, v30;
	v21 =	vadd.f32 v31, v21;
	v31 =	vld [tilespmem:s0+$0xA030]  }
0xdd: {  	v25 =	vadd.f32 v27, v25;
	v27 =	vmul.f32 v38, v33;
	v20 =	vadd.f32 v20, v28;
	v58 =	vld [tilespmem:s0+$0x6030]  }
0xde: {  	v57 =	vmul.f32 v13, v33;
	v26 =	vadd.f32 v26, v18;
	v18 =	vadd.f32 v14, v22;
	v22 =	vld [tilespmem:s0+$0x2030]  }
0xdf: {  	v14 =	vadd.f32 v23, v24;
	v23 =	vadd.f32 v27, v25;
	v27 =	vld [tilespmem:s0+$0x6020]  }
0xe0: {  	v25 =	vadd.f32 v57, v19;
	v24 =	vmul.f32 v37, v30;
	v19 =	vadd.f32 v59, v21;
	v21 =	vld [tilespmem:s0+$0xA020]  }
0xe1: {  	v13 =	vadd.f32 v13, v14;
	v14 =	vadd.f32 v37, v29;
	v28 =	vld [tilespmem:s0+$0x6010]  }
0xe2: {  	v29 =	vmul.f32 v9, v30;
	v30 =	vadd.f32 v24, v23;
	v23 =	vadd.f32 v15, v26;
	v15 =	vld [tilespmem:s0+$0xA000]  }
0xe3: {  	v60 =	vld [tilespmem:s0+$0x2020]  }
0xe4: {  	v26 =	vmul.f32 v12, v16;
	v61 =	vld [tilespmem:s0+$0x6000];
	v24 =	vadd.f32 v12, v14;
	v12 =	vadd.f32 v17, v20  }
0xe5: {  	v16 =	vmul.f32 v10, v16;
	v33 =	vld [tilespmem:s0+$0xA010];
	v17 =	vadd.f32 v9, v13;
	v20 =	vadd.f32 v29, v25  }
0xe6: {  	v14 =	vld [tilespmem:s0+$0x2010];
	v26 =	vadd.f32 v26, v30;
	v62 =	vadd.f32 v11, v12;
	v9 =	vperm.xlane v4, v31  }
0xe7: {  	v63 =	vld [tilespmem:s0+$0x2000];
	v16 =	vadd.f32 v16, v20;
	v12 =	vperm.xlane v1, v31;
	v20 =	vperm.xlane v1, v21  }
0xe8: {  	v13 =	vsub.f32 v22, v58;
	v29 =	vperm.xlane v1, v15;
	v11 =	vperm.xlane v4, v21  }
0xe9: {  	v30 =	vperm.xlane v3, v15;
	v32 =	vsub.f32 v60, v27;
	v27 =	vperm.xlane v3, v21  }
0xea: {  	v22 =	vadd.f32 v10, v17;
	v17 =	vperm.xlane v4, v33;
	v13 =	vmul.f32 v13, v13  }
0xeb: {  	v25 =	vsub.f32 v14, v28;
	v14 =	vperm.xlane v3, v31;
	v28 =	vperm.xlane v2, v21  }
0xec: {  	v35 =	vsub.f32 v63, v61;
	v21 =	vperm.xlane v2, v31;
	v31 =	vperm.xlane v2, v33  }
0xed: {  	s28 =	simm.s32 $0x40;
	s31 =	simm.s32 $0x200;
	s0 =	simm.s32 $0x1;
	v34 =	vadd.f32 v29, v62;
	v10 =	vmul.f32 v12, v13;
	v25 =	vmul.f32 v25, v25  }
.LBB2_8:
0xee: {  	s15 =	sand.u32 $0x40, s28;
	s16 =	sshll.u32 s0, $0x6;
	s25 =	sand.u32 $0xC00, s31;
	v36 =	vperm.xlane v1, v33;
	v32 =	vmul.f32 v32, v32  }
0xef: {  	s29 =	sshll.u32 s0, $0x4;
	v35 =	vmul.f32 v35, v35;
	v24 =	vadd.f32 v30, v24;
	v33 =	vperm.xlane v3, v33;
	s16 =	sand.u32 $0x1000, s16;
	s15 =	sor.u32 s15, s25  }
0xf0: {  	p1 =	sne.s32 s0, $0x7F;
	s0 =	sadd.s32 $0x1, s0;
	v37 =	vperm.xlane v2, v15;
	s25 =	sand.u32 $0x380, s29;
	v38 =	vmul.f32 v36, v25;
	v34 =	vadd.f32 v36, v34  }
0xf1: {  	s15 =	sor.u32 s25, s15;
	v36 =	vmul.f32 v33, v25;
	v24 =	vadd.f32 v33, v24;
	v33 =	vmul.f32 v21, v13  }
0xf2: {  	v39 =	vmul.f32 v37, v35;
	v30 =	vmul.f32 v30, v35;
	v18 =	vadd.f32 v37, v18;
	s29 =	sor.u32 s15, s16  }
0xf3: {  	v29 =	vmul.f32 v29, v35;
	v34 =	vadd.f32 v20, v34;
	v24 =	vadd.f32 v27, v24;
	v37 =	vld [tilespmem:s29+$0xA030]  }
0xf4: {  	v19 =	vadd.f32 v39, v19;
	v39 =	vmul.f32 v31, v25;
	v18 =	vadd.f32 v31, v18;
	v40 =	vld [tilespmem:s29+$0x6030]  }
0xf5: {  	v41 =	vperm.xlane v4, v15;
	v15 =	vadd.f32 v29, v23;
	v23 =	vadd.f32 v30, v26;
	v31 =	vld [tilespmem:s29+$0x2030]  }
0xf6: {  	v27 =	vmul.f32 v27, v32;
	v19 =	vadd.f32 v39, v19;
	v24 =	vadd.f32 v14, v24;
	v26 =	vld [tilespmem:s29+$0x6020]  }
0xf7: {  	v29 =	vmul.f32 v41, v35;
	v30 =	vadd.f32 v38, v15;
	v15 =	vmul.f32 v28, v32;
	v39 =	vld [tilespmem:s29+$0xA020]  }
0xf8: {  	v20 =	vmul.f32 v20, v32;
	v18 =	vadd.f32 v28, v18;
	v35 =	vld [tilespmem:s29+$0x2020];
	v38 =	vperm.xlane v4, v37  }
0xf9: {  	v42 =	vmul.f32 v14, v13;
	v34 =	vadd.f32 v12, v34;
	v19 =	vadd.f32 v15, v19;
	v28 =	vld [tilespmem:s29+$0x6010]  }
0xfa: {  	v14 =	vadd.f32 v29, v16;
	v16 =	vadd.f32 v36, v23;
	v23 =	vmul.f32 v17, v25;
	v43 =	vld [tilespmem:s29+$0x6000]  }
0xfb: {  	v29 =	vmul.f32 v11, v32;
	v18 =	vadd.f32 v21, v18;
	v25 =	vsub.f32 v31, v40;
	v15 =	vld [tilespmem:s29+$0xA000]  }
0xfc: {  	v22 =	vadd.f32 v41, v22;
	v14 =	vadd.f32 v23, v14;
	v12 =	vperm.xlane v1, v37;
	v21 =	vld [tilespmem:s29+$0x2010]  }
0xfd: {  	v19 =	vadd.f32 v33, v19;
	v23 =	vmul.f32 v25, v25;
	v31 =	vld [tilespmem:s29+$0x2000];
	v32 =	vsub.f32 v35, v26  }
0xfe: {  	v14 =	vadd.f32 v29, v14;
	v25 =	vadd.f32 v20, v30;
	v26 =	vmul.f32 v9, v13  }
0xff: {  	v17 =	vadd.f32 v17, v22;
	v22 =	vadd.f32 v27, v16;
	v20 =	vperm.xlane v1, v39;
	v13 =	vmovc v23  }
0x100: {  	v23 =	vadd.f32 v10, v25;
	v16 =	vadd.f32 v26, v14;
	v29 =	vperm.xlane v1, v15  }
0x101: {  	v14 =	vperm.xlane v3, v37;
	v26 =	vadd.f32 v42, v22;
	v33 =	vld [tilespmem:s29+$0xA010];
	v21 =	vsub.f32 v21, v28  }
.Ltmp5:
0x102: {  	v17 =	vadd.f32 v11, v17;
	v11 =	vperm.xlane v4, v39;
	v34 =	vadd.f32 v29, v34;
	(pc) =	sbr.rel @p1 .LBB2_8-.Ltmp5, $4  }
0x103: {  	v10 =	vmul.f32 v12, v13;
	v30 =	vperm.xlane v3, v15;
	v35 =	vsub.f32 v31, v43  }
0x104: {  	v27 =	vperm.xlane v3, v39;
	v22 =	vadd.f32 v9, v17;
	v9 =	vmovc v38;
	v25 =	vmul.f32 v21, v21  }
0x105: {  	v28 =	vperm.xlane v2, v39;
	v21 =	vperm.xlane v2, v37  }
0x106: {  	s28 =	sadd.s32 $0x40, s28;
	s31 =	sadd.s32 $0x200, s31;
	v31 =	vperm.xlane v2, v33;
	v17 =	vperm.xlane v4, v33  }
0x107: {  	v36 =	vperm.xlane v1, v33;
	v32 =	vmul.f32 v32, v32  }
0x108: {  	v46 =	vperm.xlane v3, v33;
	v35 =	vmul.f32 v35, v35  }
0x109: {  	v24 =	vadd.f32 v30, v24;
	v37 =	vperm.xlane v2, v15;
	v50 =	vperm.xlane v4, v15  }
0x10a: {  	v49 =	vmul.f32 v31, v25;
	v55 =	vmul.f32 v17, v25;
	v34 =	vadd.f32 v36, v34  }
0x10b: {  	v24 =	vadd.f32 v46, v24;
	v39 =	vmul.f32 v37, v35;
	v18 =	vadd.f32 v37, v18  }
0x10c: {  	v29 =	vmul.f32 v29, v35;
	v51 =	vmul.f32 v30, v35;
	v15 =	vadd.f32 v50, v22  }
0x10d: {  	v52 =	vmul.f32 v50, v35;
	v34 =	vadd.f32 v20, v34;
	v19 =	vadd.f32 v39, v19  }
0x10e: {  	v38 =	vmul.f32 v36, v25;
	v18 =	vadd.f32 v31, v18;
	v23 =	vadd.f32 v29, v23  }
0x10f: {  	v47 =	vmul.f32 v46, v25;
	v26 =	vadd.f32 v51, v26;
	v16 =	vadd.f32 v52, v16  }
0x110: {  	v54 =	vmul.f32 v20, v32;
	v19 =	vadd.f32 v49, v19;
	v23 =	vadd.f32 v38, v23  }
0x111: {  	v53 =	vmul.f32 v28, v32;
	v26 =	vadd.f32 v47, v26;
	v16 =	vadd.f32 v55, v16  }
0x112: {  	v56 =	vmul.f32 v27, v32;
	v18 =	vadd.f32 v28, v18;
	v20 =	vadd.f32 v54, v23  }
0x113: {  	v57 =	vmul.f32 v11, v32;
	v12 =	vadd.f32 v12, v34;
	v19 =	vadd.f32 v53, v19  }
0x114: {  	v48 =	vmul.f32 v21, v13;
	v59 =	vadd.f32 v56, v26;
	v10 =	vadd.f32 v10, v20  }
0x115: {  	v58 =	vmul.f32 v14, v13;
	v16 =	vadd.f32 v57, v16;
	v63 =	vadd.f32 v21, v18;
	[tilespmem:$0xC200] =	vst v12  }
0x116: {  	v60 =	vmul.f32 v9, v13;
	v19 =	vadd.f32 v48, v19;
	[tilespmem:$0xC000] =	vst v10;
	v10 =	vadd.f32 v17, v15  }
0x117: {  	v62 =	vadd.f32 v27, v24;
	v61 =	vadd.f32 v58, v59;
	[tilespmem:$0xC280] =	vst v63  }
0x118: {  	v13 =	vadd.f32 v60, v16;
	[tilespmem:$0xC080] =	vst v19;
	v10 =	vadd.f32 v11, v10  }
0x119: {  	[tilespmem:$0xC100] =	vst v61;
	v11 =	vadd.f32 v14, v62  }
0x11a: {  	[tilespmem:$0xC180] =	vst v13;
	v9 =	vadd.f32 v9, v10  }
0x11b: {  	[tilespmem:$0xC300] =	vst v11  }
0x11c: {  	s0 =	simm.s32 $0xC000;
	[tilespmem:$0xC380] =	vst v9  }
0x11d: {  	[hbm4b:s14+s1] =	stream.linear.scatter [tilespmem:s0], [sflag:$0x3], $0x400, $0x38;
	[tilespmem:$0x10480] =	vst v63  }
.Ltmp6:
0x11e: {  	_ =	swait.ge [sflag:s26], $0x400;
	(pc) =	sbr.rel @p0 .LBB2_11-.Ltmp6, $3  }
0x11f: {  	[sflag:s26] =	ssyncset.done $0x0  }
0x120: {  	[sflag:s26] =	ssyncadd.s32 $0xFFFFFC00  }
0x121: {  	[bflag:$0x0] =	sbarrier.arrive $0xFFFF;
	_ =	sdelay $0x1  }
0x122: {  	s0 =	rddreg [dreg:$0x5];
	s15 =	simm.s32 $0xC400  }
0x123: {  	[tilespmem:s15], [sflag:$0x3] =	stream.linear.gather [hbm4b:s0+s1], $0x4000, $0x38;
	[tilespmem:$0x10480] =	vst v63  }
0x124: {  	_ =	swait.ge [sflag:s26], $0x4000  }
0x125: {  	[sflag:s26] =	ssyncset.done $0x0  }
0x126: {  	[sflag:s26] =	ssyncadd.s32 $0xFFFFC000  }
0x127: {  	v9 =	vld [tilespmem:$0xC400]  }
0x128: {  	v10 =	vld [tilespmem:$0xC600]  }
0x129: {  	v11 =	vld [tilespmem:$0xC800]  }
0x12a: {  	v12 =	vld [tilespmem:$0xCA00]  }
0x12b: {  	v13 =	vld [tilespmem:$0xCC00]  }
0x12c: {  	v14 =	vld [tilespmem:$0xCE00]  }
0x12d: {  	v15 =	vld [tilespmem:$0xD000]  }
0x12e: {  	v16 =	vld [tilespmem:$0xD200]  }
0x12f: {  	v17 =	vld [tilespmem:$0xD400]  }
0x130: {  	v18 =	vld [tilespmem:$0xD600]  }
0x131: {  	v19 =	vld [tilespmem:$0xD800]  }
0x132: {  	v20 =	vld [tilespmem:$0xDA00]  }
0x133: {  	v21 =	vld [tilespmem:$0xDC00]  }
0x134: {  	v22 =	vld [tilespmem:$0xDE00]  }
0x135: {  	v23 =	vld [tilespmem:$0xE000]  }
0x136: {  	v24 =	vld [tilespmem:$0xE200]  }
0x137: {  	v25 =	vld [tilespmem:$0xC480]  }
0x138: {  	v26 =	vld [tilespmem:$0xC680]  }
0x139: {  	v27 =	vld [tilespmem:$0xC880]  }
0x13a: {  	v28 =	vld [tilespmem:$0xCA80]  }
0x13b: {  	v29 =	vld [tilespmem:$0xCC80]  }
0x13c: {  	v30 =	vld [tilespmem:$0xCE80]  }
0x13d: {  	v31 =	vld [tilespmem:$0xD080]  }
0x13e: {  	v32 =	vld [tilespmem:$0xD280]  }
0x13f: {  	v33 =	vld [tilespmem:$0xD480]  }
0x140: {  	v34 =	vld [tilespmem:$0xD680]  }
0x141: {  	v35 =	vld [tilespmem:$0xD880]  }
0x142: {  	v36 =	vld [tilespmem:$0xDA80]  }
0x143: {  	v37 =	vld [tilespmem:$0xDE80]  }
0x144: {  	v44 =	vld [tilespmem:$0xE080]  }
0x145: {  	v38 =	vld [tilespmem:$0xE280]  }
0x146: {  	v45 =	vld [tilespmem:$0xC500]  }
0x147: {  	v46 =	vld [tilespmem:$0xC900]  }
0x148: {  	v47 =	vld [tilespmem:$0xCB00]  }
0x149: {  	v48 =	vld [tilespmem:$0xCD00]  }
0x14a: {  	v49 =	vld [tilespmem:$0xCF00]  }
0x14b: {  	v50 =	vld [tilespmem:$0xD100];
	v10 =	vadd.f32 $0.0e+00, v10  }
0x14c: {  	v58 =	vld [tilespmem:$0xC580];
	v9 =	vadd.f32 $0.0e+00, v9;
	v25 =	vadd.f32 $0.0e+00, v25  }
0x14d: {  	v51 =	vld [tilespmem:$0xD300];
	v26 =	vadd.f32 $0.0e+00, v26;
	v10 =	vadd.f32 v12, v10  }
0x14e: {  	v52 =	vld [tilespmem:$0xD500];
	v9 =	vadd.f32 v11, v9;
	v25 =	vadd.f32 v27, v25  }
0x14f: {  	v60 =	vld [tilespmem:$0xC980];
	v26 =	vadd.f32 v28, v26;
	v10 =	vadd.f32 v14, v10  }
0x150: {  	v11 =	vld [tilespmem:$0xC700];
	v9 =	vadd.f32 v13, v9;
	v25 =	vadd.f32 v29, v25  }
0x151: {  	v53 =	vld [tilespmem:$0xD700];
	v26 =	vadd.f32 v30, v26;
	v29 =	vadd.f32 $0.0e+00, v58  }
0x152: {  	v40 =	vld [tilespmem:$0xD900];
	v10 =	vadd.f32 v16, v10;
	v9 =	vadd.f32 v15, v9  }
0x153: {  	v62 =	vld [tilespmem:$0xCD80];
	v25 =	vadd.f32 v31, v25;
	v26 =	vadd.f32 v32, v26  }
0x154: {  	v13 =	vld [tilespmem:$0xC780];
	v16 =	vadd.f32 $0.0e+00, v45;
	v29 =	vadd.f32 v60, v29  }
0x155: {  	v54 =	vld [tilespmem:$0xDB00];
	v11 =	vadd.f32 $0.0e+00, v11;
	v10 =	vadd.f32 v18, v10  }
0x156: {  	v63 =	vld [tilespmem:$0xD180];
	v9 =	vadd.f32 v17, v9;
	v61 =	vadd.f32 v33, v25  }
0x157: {  	v15 =	vld [tilespmem:$0xCB80];
	v26 =	vadd.f32 v34, v26;
	v16 =	vadd.f32 v46, v16  }
0x158: {  	v41 =	vld [tilespmem:$0xDF00];
	v25 =	vadd.f32 v62, v29;
	v11 =	vadd.f32 v47, v11  }
0x159: {  	v56 =	vld [tilespmem:$0xE300];
	v13 =	vadd.f32 $0.0e+00, v13;
	v10 =	vadd.f32 v20, v10  }
0x15a: {  	v18 =	vld [tilespmem:$0xD580];
	v9 =	vadd.f32 v19, v9;
	v26 =	vadd.f32 v36, v26  }
0x15b: {  	v17 =	vld [tilespmem:$0xCF80];
	v43 =	vadd.f32 v48, v16;
	v25 =	vadd.f32 v63, v25  }
0x15c: {  	v12 =	vld [tilespmem:$0xDC80];
	v11 =	vadd.f32 v49, v11;
	v13 =	vadd.f32 v15, v13  }
0x15d: {  	v19 =	vld [tilespmem:$0xD380];
	v10 =	vadd.f32 v22, v10;
	v9 =	vadd.f32 v21, v9  }
0x15e: {  	v16 =	vld [tilespmem:$0xD980];
	v37 =	vadd.f32 v37, v26;
	v14 =	vadd.f32 v50, v43  }
0x15f: {  	v27 =	vld [tilespmem:$0xE100];
	v11 =	vadd.f32 v51, v11;
	v18 =	vadd.f32 v18, v25  }
0x160: {  	v22 =	vld [tilespmem:$0xDD80];
	v13 =	vadd.f32 v17, v13;
	v10 =	vadd.f32 v24, v10  }
0x161: {  	v28 =	vld [tilespmem:$0xDF80];
	v9 =	vadd.f32 v23, v9;
	v23 =	vadd.f32 v35, v61  }
0x162: {  	v30 =	vld [tilespmem:$0xEE00];
	v14 =	vadd.f32 v52, v14;
	v11 =	vadd.f32 v53, v11  }
0x163: {  	v21 =	vld [tilespmem:$0xD780];
	v16 =	vadd.f32 v16, v18;
	v13 =	vadd.f32 v19, v13;
	v39 =	vperm.xlane v10, v5  }
0x164: {  	v32 =	vld [tilespmem:$0xE380];
	v57 =	vperm.xlane v9, v5;
	v12 =	vadd.f32 v12, v23;
	v14 =	vadd.f32 v40, v14  }
0x165: {  	v23 =	vld [tilespmem:$0xDB80];
	v11 =	vadd.f32 v54, v11;
	v16 =	vadd.f32 v22, v16  }
0x166: {  	v31 =	vld [tilespmem:$0xF600];
	v10 =	vadd.f32 v39, v10;
	v9 =	vadd.f32 v57, v9  }
0x167: {  	v39 =	vld [tilespmem:$0xDD00];
	v12 =	vadd.f32 v44, v12;
	v11 =	vadd.f32 v41, v11  }
0x168: {  	v33 =	vld [tilespmem:$0xE800];
	v13 =	vadd.f32 v21, v13;
	v44 =	vadd.f32 v38, v37;
	v55 =	vperm.xlane v10, v6  }
0x169: {  	v29 =	vld [tilespmem:$0xF200];
	v42 =	vperm.xlane v9, v6;
	v45 =	vperm.xlane v12, v5;
	v11 =	vadd.f32 v56, v11  }
0x16a: {  	v36 =	vld [tilespmem:$0xEA00];
	v47 =	vperm.xlane v44, v5;
	v13 =	vadd.f32 v23, v13;
	v10 =	vadd.f32 v55, v10  }
0x16b: {  	v15 =	vld [tilespmem:$0xF800];
	v9 =	vadd.f32 v42, v9;
	v12 =	vadd.f32 v45, v12  }
0x16c: {  	v51 =	vld [tilespmem:$0xE400];
	v20 =	vadd.f32 v47, v44;
	v49 =	vperm.xlane v11, v5;
	v14 =	vadd.f32 v39, v14  }
0x16d: {  	v54 =	vld [tilespmem:$0xE600];
	v13 =	vadd.f32 v28, v13;
	v59 =	vperm.xlane v10, v7;
	v48 =	vperm.xlane v9, v7  }
0x16e: {  	v24 =	vld [tilespmem:$0xE180];
	v50 =	vperm.xlane v12, v6;
	v11 =	vadd.f32 v49, v11;
	v14 =	vadd.f32 v27, v14  }
0x16f: {  	v35 =	vld [tilespmem:$0xF400];
	v53 =	vperm.xlane v20, v6;
	v13 =	vadd.f32 v32, v13;
	v10 =	vadd.f32 v59, v10  }
0x170: {  	v18 =	vld [tilespmem:$0xFC80];
	v9 =	vadd.f32 v48, v9;
	v12 =	vadd.f32 v50, v12  }
0x171: {  	v40 =	vld [tilespmem:$0xF880];
	v20 =	vadd.f32 v53, v20;
	v50 =	vadd.f32 $0.0e+00, v51  }
0x172: {  	v37 =	vld [tilespmem:$0xF000];
	v53 =	vadd.f32 $0.0e+00, v54;
	v55 =	vperm.xlane v11, v6;
	v59 =	vperm.xlane v14, v5  }
0x173: {  	v16 =	vadd.f32 v24, v16;
	v27 =	vld [tilespmem:$0xEC00];
	v38 =	vperm.xlane v13, v5;
	v46 =	vperm.xlane v10, v8  }
0x174: {  	v23 =	vld [tilespmem:$0xEE80];
	v56 =	vperm.xlane v9, v8;
	v19 =	vadd.f32 v33, v50;
	v22 =	vadd.f32 v36, v53  }
0x175: {  	v47 =	vld [tilespmem:$0xFC00];
	v58 =	vperm.xlane v20, v7;
	v11 =	vadd.f32 v55, v11;
	v14 =	vadd.f32 v59, v14  }
0x176: {  	v28 =	vld [tilespmem:$0xFA80];
	v57 =	vperm.xlane v12, v7;
	v13 =	vadd.f32 v38, v13;
	v10 =	vadd.f32 v46, v10  }
0x177: {  	v49 =	vld [tilespmem:$0xFE00];
	v59 =	vperm.xlane v16, v5;
	v9 =	vadd.f32 v56, v9;
	v20 =	vadd.f32 v58, v20  }
0x178: {  	v32 =	vld [tilespmem:$0xF280];
	v12 =	vadd.f32 v57, v12;
	v19 =	vadd.f32 v27, v19;
	v60 =	vperm.xlane v11, v7  }
0x179: {  	v51 =	vld [tilespmem:$0x10000];
	v22 =	vadd.f32 v30, v22;
	v63 =	vperm.xlane v14, v6;
	v62 =	vperm.xlane v20, v8  }
0x17a: {  	v54 =	vld [tilespmem:$0x10200];
	v16 =	vadd.f32 v59, v16;
	v52 =	vmax.f32 v10, $1.000000000e+00;
	v61 =	vperm.xlane v12, v8  }
0x17b: {  	v57 =	vld [tilespmem:$0xE680];
	vm0 =	vgt.f32 v10, $0.0e+00;
	v10 =	vadd.f32 v37, v19;
	v20 =	vadd.f32 v62, v20  }
0x17c: {  	v55 =	vld [tilespmem:$0xE480];
	(erf) = vrcp.f32 v52;
	v11 =	vadd.f32 v60, v11;
	v14 =	vadd.f32 v63, v14  }
0x17d: {  	v46 =	vld [tilespmem:$0xFA00];
	v37 =	vperm.xlane v16, v6;
	v12 =	vadd.f32 v61, v12;
	v48 =	vmax.f32 v20, $1.000000000e+00  }
0x17e: {  	v60 =	vld [tilespmem:$0xEA80];
	v62 =	vadd.f32 v29, v22;
	v10 =	vadd.f32 v35, v10;
	(erf) = vrcp.f32 v48  }
0x17f: {  	v38 =	vld [tilespmem:$0xEB80];
	v45 =	vperm.xlane v11, v8;
	v56 =	vperm.xlane v14, v7;
	v16 =	vadd.f32 v37, v16  }
0x180: {  	v58 =	vld [tilespmem:$0xE880];
	v33 =	vadd.f32 $0.0e+00, v57;
	vm9 =	vgt.f32 v20, $0.0e+00;
	v20 =	vadd.f32 v31, v62  }
0x181: {  	v59 =	vld [tilespmem:$0xEF00];
	v10 =	vadd.f32 v15, v10;
	v11 =	vadd.f32 v45, v11  }
0x182: {  	v61 =	vld [tilespmem:$0xEC80];
	v14 =	vadd.f32 v56, v14;
	v20 =	vadd.f32 v46, v20  }
0x183: {  	v22 =	vld [tilespmem:$0xF080];
	v41 =	vperm.xlane v16, v7;
	v10 =	vadd.f32 v47, v10;
	v24 =	vadd.f32 v60, v33  }
0x184: {  	v29 =	vld [tilespmem:$0xF680];
	v52 =	vmax.f32 v11, $1.000000000e+00;
	v36 =	vperm.xlane v14, v8;
	vm10 =	vgt.f32 v11, $0.0e+00  }
0x185: {  	v37 =	vld [tilespmem:$0xF300];
	v43 =	vadd.f32 v41, v16;
	(erf) = vrcp.f32 v52;
	v11 =	vadd.f32 v49, v20;
	v44 =	vpop (erf)  }
0x186: {  	v15 =	vld [tilespmem:$0xF480];
	v10 =	vadd.f32 v51, v10;
	v51 =	vadd.f32 $0.0e+00, v55;
	v9 =	vmul.f32 v44, v9  }
0x187: {  	v31 =	vld [tilespmem:$0xE500];
	v23 =	vadd.f32 v23, v24;
	v14 =	vadd.f32 v36, v14;
	v63 =	vpop (erf)  }
0x188: {  	v62 =	vld [tilespmem:$0xF100];
	v45 =	vperm.xlane v10, v5;
	v9 =	vadd.f32 $0.0e+00, v9;
	v12 =	vmul.f32 v63, v12  }
0x189: {  	v48 =	vld [tilespmem:$0x10280];
	v47 =	vperm.xlane v43, v8;
	v11 =	vadd.f32 v54, v11;
	v23 =	vadd.f32 v32, v23  }
0x18a: {  	v56 =	vld [tilespmem:$0xEB00];
	v49 =	vadd.f32 v45, v10;
	v9 =	vnsel vm0, $0x0, v9;
	v12 =	vnsel vm9, $0x0, v12  }
0x18b: {  	v16 =	vld [tilespmem:$0xFE80];
	v44 =	vperm.xlane v13, v6;
	v9 =	vadd.f32 v12, v9;
	v12 =	vadd.f32 v58, v51  }
0x18c: {  	v46 =	vld [tilespmem:$0x10080];
	v50 =	vperm.xlane v11, v5;
	v10 =	vadd.f32 v47, v43;
	v23 =	vadd.f32 v29, v23  }
0x18d: {  	v52 =	vld [tilespmem:$0xE700];
	v13 =	vadd.f32 v44, v13;
	v54 =	vperm.xlane v49, v6;
	v12 =	vadd.f32 v61, v12  }
0x18e: {  	v41 =	vld [tilespmem:$0xFB00];
	v11 =	vadd.f32 v50, v11;
	v23 =	vadd.f32 v28, v23  }
0x18f: {  	v53 =	vperm.xlane v13, v7;
	v63 =	vld [tilespmem:$0xE780];
	v20 =	vadd.f32 v54, v49;
	v39 =	vpop (erf);
	v12 =	vadd.f32 v22, v12  }
0x190: {  	v55 =	vld [tilespmem:$0xE900];
	v57 =	vperm.xlane v11, v6;
	v16 =	vadd.f32 v16, v23;
	v14 =	vmul.f32 v39, v14  }
0x191: {  	v43 =	vld [tilespmem:$0xFF00];
	v13 =	vadd.f32 v53, v13;
	v12 =	vadd.f32 v15, v12  }
0x192: {  	v45 =	vld [tilespmem:$0x10300];
	v11 =	vadd.f32 v57, v11;
	v42 =	vnsel vm10, $0x0, v14;
	v14 =	vadd.f32 $0.0e+00, v52  }
0x193: {  	v16 =	vadd.f32 v48, v16;
	v12 =	vadd.f32 v40, v12;
	v40 =	vld [tilespmem:$0xEF80]  }
0x194: {  	v39 =	vld [tilespmem:$0xF700];
	v60 =	vperm.xlane v13, v8;
	v14 =	vadd.f32 v56, v14;
	v22 =	vadd.f32 $0.0e+00, v63  }
0x195: {  	v61 =	vperm.xlane v20, v7;
	v52 =	vadd.f32 $0.0e+00, v31;
	v9 =	vadd.f32 v42, v9;
	v42 =	vld [tilespmem:$0xF380]  }
0x196: {  	v58 =	vld [tilespmem:$0xED00];
	v14 =	vadd.f32 v59, v14;
	v15 =	vadd.f32 v38, v22  }
0x197: {  	v44 =	vld [tilespmem:$0xF780];
	v49 =	vperm.xlane v16, v5;
	v13 =	vadd.f32 v60, v13;
	v20 =	vadd.f32 v61, v20  }
0x198: {  	v47 =	vld [tilespmem:$0xFB80];
	v14 =	vadd.f32 v37, v14;
	v15 =	vadd.f32 v40, v15  }
0x199: {  	v50 =	vld [tilespmem:$0xFF80];
	v36 =	vperm.xlane v11, v7;
	v16 =	vadd.f32 v49, v16;
	v17 =	vadd.f32 v55, v52  }
0x19a: {  	v48 =	vld [tilespmem:$0xE580];
	v14 =	vadd.f32 v39, v14;
	v15 =	vadd.f32 v42, v15  }
0x19b: {  	v51 =	vld [tilespmem:$0xE980];
	v11 =	vadd.f32 v36, v11;
	v17 =	vadd.f32 v58, v17;
	v58 =	vperm.xlane v16, v6  }
0x19c: {  	v55 =	vld [tilespmem:$0xF500];
	v14 =	vadd.f32 v41, v14;
	v15 =	vadd.f32 v44, v15  }
0x19d: {  	v53 =	vld [tilespmem:$0x10380];
	v17 =	vadd.f32 v62, v17;
	v16 =	vadd.f32 v58, v16  }
0x19e: {  	v54 =	vld [tilespmem:$0xED80];
	v14 =	vadd.f32 v43, v14;
	v15 =	vadd.f32 v47, v15  }
0x19f: {  	v57 =	vld [tilespmem:$0xF900];
	v33 =	vmax.f32 v13, $1.000000000e+00;
	v12 =	vadd.f32 v18, v12;
	v18 =	vadd.f32 $0.0e+00, v48  }
0x1a0: {  	v56 =	vld [tilespmem:$0xF180];
	vm11 =	vgt.f32 v13, $0.0e+00;
	v14 =	vadd.f32 v45, v14;
	v15 =	vadd.f32 v50, v15  }
0x1a1: {  	v60 =	vld [tilespmem:$0xF580];
	(erf) = vrcp.f32 v33;
	v17 =	vadd.f32 v55, v17;
	v18 =	vadd.f32 v51, v18  }
0x1a2: {  	v61 =	vld [tilespmem:$0xFD00];
	v31 =	vperm.xlane v16, v7;
	v59 =	vperm.xlane v14, v5;
	v15 =	vadd.f32 v53, v15  }
0x1a3: {  	v30 =	vld [tilespmem:$0x10100];
	v12 =	vadd.f32 v46, v12;
	v46 =	vperm.xlane v11, v8;
	v18 =	vadd.f32 v54, v18  }
0x1a4: {  	v62 =	vld [tilespmem:$0xF980];
	v17 =	vadd.f32 v57, v17;
	v14 =	vadd.f32 v59, v14;
	v63 =	vperm.xlane v15, v5  }
0x1a5: {  	v16 =	vadd.f32 v31, v16;
	v26 =	vperm.xlane v12, v5;
	v18 =	vadd.f32 v56, v18  }
0x1a6: {  	v32 =	vld [tilespmem:$0xFD80];
	v11 =	vadd.f32 v46, v11;
	v27 =	vperm.xlane v14, v6;
	v15 =	vadd.f32 v63, v15  }
0x1a7: {  	v17 =	vadd.f32 v61, v17;
	v38 =	vperm.xlane v16, v8;
	v18 =	vadd.f32 v60, v18  }
0x1a8: {  	v34 =	vld [tilespmem:$0x10180];
	v12 =	vadd.f32 v26, v12;
	v14 =	vadd.f32 v27, v14;
	v35 =	vperm.xlane v15, v6  }
0x1a9: {  	v36 =	vmax.f32 v11, $1.000000000e+00;
	v17 =	vadd.f32 v30, v17;
	v18 =	vadd.f32 v62, v18  }
0x1aa: {  	v52 =	vpop (erf);
	v16 =	vadd.f32 v38, v16;
	v37 =	vperm.xlane v14, v7;
	v15 =	vadd.f32 v35, v15  }
0x1ab: {  	v10 =	vmul.f32 v52, v10;
	(erf) = vrcp.f32 v36;
	v18 =	vadd.f32 v32, v18  }
0x1ac: {  	v41 =	vperm.xlane v17, v5;
	v14 =	vadd.f32 v37, v14;
	v39 =	vperm.xlane v15, v7  }
0x1ad: {  	v40 =	vperm.xlane v12, v6;
	v44 =	vmax.f32 v16, $1.000000000e+00;
	v18 =	vadd.f32 v34, v18  }
0x1ae: {  	v17 =	vadd.f32 v41, v17;
	v42 =	vperm.xlane v14, v8;
	v15 =	vadd.f32 v39, v15  }
0x1af: {  	(erf) = vrcp.f32 v44;
	v12 =	vadd.f32 v40, v12;
	v43 =	vperm.xlane v18, v5  }
0x1b0: {  	v46 =	vperm.xlane v17, v6;
	v14 =	vadd.f32 v42, v14;
	v45 =	vperm.xlane v15, v8  }
0x1b1: {  	v50 =	vperm.xlane v20, v8;
	v47 =	vperm.xlane v12, v7;
	v18 =	vadd.f32 v43, v18  }
0x1b2: {  	v17 =	vadd.f32 v46, v17;
	v48 =	vmax.f32 v14, $1.000000000e+00;
	v15 =	vadd.f32 v45, v15  }
0x1b3: {  	v12 =	vadd.f32 v47, v12;
	v49 =	vperm.xlane v18, v6;
	(erf) = vrcp.f32 v48  }
0x1b4: {  	v54 =	vadd.f32 v50, v20;
	v53 =	vperm.xlane v17, v7;
	v51 =	vmax.f32 v15, $1.000000000e+00  }
0x1b5: {  	v55 =	vpop (erf);
	v56 =	vperm.xlane v12, v8;
	v18 =	vadd.f32 v49, v18;
	(erf) = vrcp.f32 v51  }
0x1b6: {  	vm12 =	vgt.f32 v11, $0.0e+00;
	v10 =	vnsel vm11, $0x0, v10;
	v11 =	vmul.f32 v55, v54  }
0x1b7: {  	v17 =	vadd.f32 v53, v17;
	v12 =	vadd.f32 v56, v12;
	v57 =	vperm.xlane v18, v7  }
0x1b8: {  	v9 =	vadd.f32 v10, v9;
	v59 =	vpop (erf);
	v10 =	vnsel vm12, $0x0, v11  }
0x1b9: {  	v58 =	vperm.xlane v17, v8;
	v11 =	vmul.f32 v59, v12;
	v18 =	vadd.f32 v57, v18  }
0x1ba: {  	vm13 =	vgt.f32 v16, $0.0e+00  }
0x1bb: {  	v60 =	vadd.f32 v58, v17;
	v11 =	vnsel vm13, $0x0, v11;
	v61 =	vperm.xlane v18, v8  }
0x1bc: {  	v9 =	vadd.f32 v10, v9;
	v62 =	vpop (erf)  }
0x1bd: {  	v63 =	vadd.f32 v61, v18;
	v10 =	vmul.f32 v62, v60  }
0x1be: {  	v9 =	vadd.f32 v11, v9;
	vm14 =	vgt.f32 v14, $0.0e+00;
	v11 =	vpop (erf)  }
0x1bf: {  	v10 =	vnsel vm14, $0x0, v10;
	v11 =	vmul.f32 v11, v63  }
0x1c0: {  	vm15 =	vgt.f32 v15, $0.0e+00;
	v9 =	vadd.f32 v10, v9  }
0x1c1: {  	v10 =	vnsel vm15, $0x0, v11  }
0x1c2: {  	v9 =	vadd.f32 v10, v9;
	_ =	sdelay $0x1  }
0x1c3: {  	v9 =	vmul.f32 $1.250000000e-01, v9;
	_ =	sdelay $0x1  }
.Ltmp7:
0x1c4: {  	s31 =	simm.s32 $0x10400;
	s29 =	rddreg [dreg:$0x6];
	[tilespmem:$0x10400] =	vst v9;
	(pc) =	sbr.rel .LBB2_11-.Ltmp7, $4  }
0x1c5: {  	[hbm4b:s29+s1] =	stream.linear.scatter [tilespmem:s31], [sflag:$0x3], $0x80, $0x38;
	[tilespmem:$0x10480] =	vst v63  }
0x1c6: {  	_ =	swait.ge [sflag:s26], $0x80  }
0x1c7: {  	[sflag:s26] =	ssyncset.done $0x0  }
0x1c8: {  	[sflag:s26] =	ssyncadd.s32 $0xFFFFFF80  }
.LBB2_12:
0x1c9: {  	_ =	sfence.sel $0x180000  }
0x1ca: {  	[bflag:$0x0] =	sbarrier.arrive $0xFFFF  }
0x1cb: {  	_ =	strace $0x90000047  }
0x1cc: {  	[bflag:$0x2] =	sbarrier.arrive $0xFFFF  }
0x1cd: {  	s0 =	rddreg [dreg:$0x4]  }
0x1ce: {  	s0 =	sadd.s32 @!p0 $0x100000, s0  }
0x1cf: {  	[sflag:s0] =	ssyncadd.tile.s32 @!p0 $0x1;
	_ =	shalt  }
.Lfunc_end2:
_tile_overlayer_lowered:
.L_overlay_start_2:
0x1d0: {  	(tag) =	ssettag $0x2  }
0x1d1: {  	s0 =	rddreg [dreg:$0x0];
	s2 =	stileid.u32  }
0x1d2: {  	s1 =	rddreg [dreg:$0x1];
	p0 =	sne.s32 s2, $0x0  }
0x1d3: {  	s3 =	rddreg [dreg:$0x2];
	[bflag:$0x3] =	sbarrier.arrive $0xFFFF;
	s2 =	simm.s32 @!p0 $0x1C03  }
0x1d4: {  	[timem:s3], [sflag:s2] =	dma.local @!p0 [hbm:s0], s1  }
0x1d5: {  	s0 =	simm.s32 @!p0 $0x3  }
0x1d6: {  	_ =	swait.ge @!p0 [sflag:s0], s1  }
0x1d7: {  	s1 =	ssub.s32 @!p0 $0x0, s1;
	[sflag:s0] =	ssyncset.done @!p0 $0x0  }
0x1d8: {  	[sflag:s0] =	ssyncadd.s32 @!p0 s1  }
0x1d9: {  	[bflag:$0x3] =	sbarrier.arrive $0xFFFF  }
0x1da: {  	_ =	shalt  }

</sc_bundles>
